<compile_context>
chip_gen: v7x
topology: tpu7x:2x2x1
jax: 0.10.2.dev20260603
libtpu: 0.0.44.dev20260713+nightly
codegen_flags: <defaults>
</compile_context>

<pallas_src>
import functools

import jax
import jax.numpy as jnp
from jax import lax
from jax.experimental import pallas as pl
from jax.experimental.pallas import tpu as pltpu
from jax.experimental.pallas import tpu_sc as plsc

N = 10000
N_PAD = 10240
E = 160000
D_IN = 256
D_HID = 256
D_OUT = 64

NC = 2
NS = 16
TPN = N_PAD // NS
ZR = 64

MP_K = 125
MP_NB = (E // NS) // MP_K

MP1_K = 50
MP1_NB = (E // NS) // MP1_K

DEG_W = 8

_mesh = plsc.VectorSubcoreMesh(core_axis_name="c", subcore_axis_name="s")
_NOTILE = pltpu.CompilerParams(use_tc_tiling_on_sc=False)


def _sc_degree(dst2d):
    wnb = MP_NB // NC

    @functools.partial(
        pl.kernel,
        out_type=jax.ShapeDtypeStruct((NC * N_PAD, DEG_W), jnp.float32),
        mesh=_mesh,
        compiler_params=_NOTILE,
        scratch_types=[
            pltpu.VMEM((wnb, MP_K), jnp.int32),
            pltpu.VMEM((128, DEG_W), jnp.float32),
            pltpu.VMEM((ZR, DEG_W), jnp.float32),
            pltpu.VMEM_SHARED((N_PAD, DEG_W), jnp.float32),
        ],
    )
    def k(dst_hbm, out_hbm, dstv, ones, zbuf, hist_sh):
        c = lax.axis_index("c")
        s = lax.axis_index("s")
        w = c * NS + s

        def fill_ones(r, _):
            ones[pl.ds(r * 16, 16), pl.ds(0, DEG_W)] = (
                jnp.ones((16, DEG_W), jnp.float32))
            return 0

        lax.fori_loop(0, 128 // 16, fill_ones, 0)

        def fill_zero(r, _):
            zbuf[pl.ds(r * 16, 16), pl.ds(0, DEG_W)] = (
                jnp.zeros((16, DEG_W), jnp.float32))
            return 0

        lax.fori_loop(0, ZR // 16, fill_zero, 0)

        def zero_blk(j, _):
            pltpu.sync_copy(zbuf, hist_sh.at[pl.ds(s * TPN + j * ZR, ZR)])
            return 0

        lax.fori_loop(0, TPN // ZR, zero_blk, 0)
        pltpu.sync_copy(dst_hbm.at[pl.ds(w * wnb, wnb)], dstv)
        plsc.subcore_barrier()

        def scat(b, _):
            pltpu.sync_copy(ones.at[pl.ds(0, MP_K)],
                            hist_sh.at[dstv.at[b]], add=True)
            return 0

        lax.fori_loop(0, wnb, scat, 0)
        plsc.subcore_barrier()

        def wout(j, _):
            pltpu.sync_copy(hist_sh.at[pl.ds(s * TPN + j * ZR, ZR)], zbuf)
            base = pl.multiple_of(c * N_PAD + s * TPN + j * ZR, ZR)
            pltpu.sync_copy(zbuf, out_hbm.at[pl.ds(base, ZR)])
            return 0

        lax.fori_loop(0, TPN // ZR, wout, 0)

    return k(dst2d)


ICH = 8


def _ring_row(b):
    return ((b // ICH) % 2) * ICH + (b % ICH)


def _mp_pipeline(hp_hbm, acc_sh, srcr, dstr, rows0, rows1,
                 sem0, sem1, semi_s, semi_d, src_hbm, dst_hbm,
                 base_row, wrows):

    pltpu.sync_copy(src_hbm.at[pl.ds(base_row, ICH)], srcr.at[pl.ds(0, ICH)])
    pltpu.sync_copy(dst_hbm.at[pl.ds(base_row, ICH)], dstr.at[pl.ds(0, ICH)])
    pltpu.async_copy(hp_hbm.at[srcr.at[0]], rows0, sem0)

    def pair(p, _):
        b0 = 2 * p
        b1 = b0 + 1

        @pl.when(jnp.logical_and(b0 % ICH == 0, b0 + ICH < wrows))
        def _():
            cn = b0 // ICH + 1
            off = pl.multiple_of((cn % 2) * ICH, ICH)
            pltpu.async_copy(src_hbm.at[pl.ds(base_row + cn * ICH, ICH)],
                             srcr.at[pl.ds(off, ICH)], semi_s)
            pltpu.async_copy(dst_hbm.at[pl.ds(base_row + cn * ICH, ICH)],
                             dstr.at[pl.ds(off, ICH)], semi_d)

        rr0 = _ring_row(b0)
        rr1 = _ring_row(b1)
        pltpu.async_copy(hp_hbm.at[srcr.at[rr1]], rows1, sem1)
        pltpu.make_async_copy(hp_hbm.at[srcr.at[rr0]], rows0, sem0).wait()
        pltpu.sync_copy(rows0, acc_sh.at[dstr.at[rr0]], add=True)

        @pl.when(b0 + 2 < wrows)
        def _():
            @pl.when((b0 + 2) % ICH == 0)
            def _():
                pltpu.make_async_copy(
                    src_hbm.at[pl.ds(base_row, ICH)],
                    srcr.at[pl.ds(0, ICH)], semi_s).wait()
                pltpu.make_async_copy(
                    dst_hbm.at[pl.ds(base_row, ICH)],
                    dstr.at[pl.ds(0, ICH)], semi_d).wait()

            pltpu.async_copy(hp_hbm.at[srcr.at[_ring_row(b0 + 2)]],
                             rows0, sem0)

        pltpu.make_async_copy(hp_hbm.at[srcr.at[rr1]], rows1, sem1).wait()
        pltpu.sync_copy(rows1, acc_sh.at[dstr.at[rr1]], add=True)
        return 0

    lax.fori_loop(0, wrows // 2, pair, 0)


def _zero_fill(zbuf, dh, dt=jnp.float32):
    if dt == jnp.bfloat16:
        def fill_zero(r, _):
            def col(j, _):
                zbuf[pl.ds(2 * r, 2), pl.ds(j * 16, 16)] = (
                    jnp.zeros((2, 16), dt))
                return 0
            return lax.fori_loop(0, dh // 16, col, 0)

        lax.fori_loop(0, ZR // 2, fill_zero, 0)
    else:
        def fill_zero(r, _):
            def col(j, _):
                zbuf[r, pl.ds(j * 16, 16)] = jnp.zeros((16,), dt)
                return 0
            return lax.fori_loop(0, dh // 16, col, 0)

        lax.fori_loop(0, ZR, fill_zero, 0)


def _zero_fill3(zbuf):
    def fill_zero(r, _):
        def col(j, _):
            zbuf[r, pl.ds(0, 2), pl.ds(j * 16, 16)] = (
                jnp.zeros((2, 16), jnp.bfloat16))
            return 0
        return lax.fori_loop(0, 8, col, 0)

    lax.fori_loop(0, ZR, fill_zero, 0)


def _sc_msgpass(hp_lo, hp_hi, src2d, dst2d, dh, dt=jnp.float32):

    @functools.partial(
        pl.kernel,
        out_type=[jax.ShapeDtypeStruct((N_PAD, dh), dt)] * 2,
        mesh=_mesh,
        scratch_types=[
            pltpu.VMEM((2 * ICH, MP_K), jnp.int32),
            pltpu.VMEM((2 * ICH, MP_K), jnp.int32),
            pltpu.VMEM((MP_K, dh), dt),
            pltpu.VMEM((MP_K, dh), dt),
            pltpu.VMEM((ZR, dh), dt),
            pltpu.VMEM_SHARED((N_PAD, dh), dt),
            pltpu.SemaphoreType.DMA,
            pltpu.SemaphoreType.DMA,
            pltpu.SemaphoreType.DMA,
            pltpu.SemaphoreType.DMA,
        ],
    )
    def k(lo_hbm, hi_hbm, src_hbm, dst_hbm, olo_hbm, ohi_hbm,
          srcr, dstr, rows0, rows1, zbuf, acc_sh, sem0, sem1, semi_s, semi_d):
        c = lax.axis_index("c")
        s = lax.axis_index("s")

        _zero_fill(zbuf, dh, dt)

        def zero_blk(j, _):
            pltpu.sync_copy(zbuf, acc_sh.at[pl.ds(s * TPN + j * ZR, ZR)])
            return 0

        lax.fori_loop(0, TPN // ZR, zero_blk, 0)
        plsc.subcore_barrier()

        def body(hp_hbm, out_hbm):
            _mp_pipeline(hp_hbm, acc_sh, srcr, dstr, rows0, rows1,
                         sem0, sem1, semi_s, semi_d, src_hbm, dst_hbm,
                         s * MP_NB, MP_NB)
            plsc.subcore_barrier()

            def wout(j, _):
                pltpu.sync_copy(acc_sh.at[pl.ds(s * TPN + j * ZR, ZR)], zbuf)
                pltpu.sync_copy(zbuf, out_hbm.at[pl.ds(s * TPN + j * ZR, ZR)])
                return 0

            lax.fori_loop(0, TPN // ZR, wout, 0)

        @pl.when(c == 0)
        def _():
            body(lo_hbm, olo_hbm)

        @pl.when(c == 1)
        def _():
            body(hi_hbm, ohi_hbm)

    return k(hp_lo, hp_hi, src2d, dst2d)


def _mp_pipeline3(hp_hbm, acc_sh, srcv, dstv, rows, gsems, tsems,
                  base_row, wrows):

    def g_issue(b, j):
        pltpu.async_copy(hp_hbm.at[srcv.at[base_row + b]], rows[j], gsems[j])

    def g_wait(b, j):
        pltpu.make_async_copy(hp_hbm.at[srcv.at[base_row + b]], rows[j],
                              gsems[j]).wait()

    def s_issue(b, j):
        pltpu.async_copy(rows[j], acc_sh.at[dstv.at[base_row + b]], tsems[j],
                         add=True)

    def s_wait(b, j):
        pltpu.make_async_copy(rows[j], acc_sh.at[dstv.at[base_row + b]],
                              tsems[j]).wait()

    g_issue(0, 0)
    g_issue(1, 1)

    def tri(g, _):
        for j in range(3):
            b = 3 * g + j

            @pl.when(b < wrows)
            def _():
                g_wait(b, j)
                s_issue(b, j)
                nb = b + 2
                j2 = (j + 2) % 3

                @pl.when(nb < wrows)
                def _():
                    @pl.when(nb >= 3)
                    def _():
                        s_wait(nb - 3, j2)

                    g_issue(nb, j2)
        return 0

    lax.fori_loop(0, (wrows + 2) // 3, tri, 0)
    for d in range(1, 4):
        b = wrows - d
        if b >= 0:
            s_wait(b, b % 3)


def _sc_msgpass_edges(hp, src2d, dst2d, dt=jnp.float32):
    row_shape = tuple(hp.shape[1:])
    wnb = MP_NB // NC

    @functools.partial(
        pl.kernel,
        out_type=jax.ShapeDtypeStruct((NC * N_PAD,) + row_shape, dt),
        mesh=_mesh,
        compiler_params=_NOTILE,
        scratch_types=[
            pltpu.VMEM((MP_NB // NC, MP_K), jnp.int32),
            pltpu.VMEM((MP_NB // NC, MP_K), jnp.int32),
            pltpu.VMEM((MP_K,) + row_shape, dt),
            pltpu.VMEM((MP_K,) + row_shape, dt),
            pltpu.VMEM((MP_K,) + row_shape, dt),
            pltpu.VMEM((ZR,) + row_shape, dt),
            pltpu.VMEM_SHARED((N_PAD,) + row_shape, dt),
            pltpu.SemaphoreType.DMA,
            pltpu.SemaphoreType.DMA,
            pltpu.SemaphoreType.DMA,
            pltpu.SemaphoreType.DMA,
            pltpu.SemaphoreType.DMA,
            pltpu.SemaphoreType.DMA,
        ],
    )
    def k(hp_hbm, src_hbm, dst_hbm, out_hbm,
          srcv, dstv, rows0, rows1, rows2, zbuf, acc_sh,
          g0, g1, g2, t0, t1, t2):
        c = lax.axis_index("c")
        s = lax.axis_index("s")
        w = c * NS + s

        if dt == jnp.bfloat16:
            _zero_fill3(zbuf)
        else:
            _zero_fill(zbuf, row_shape[0], dt)

        def zero_blk(j, _):
            pltpu.sync_copy(zbuf, acc_sh.at[pl.ds(s * TPN + j * ZR, ZR)])
            return 0

        lax.fori_loop(0, TPN // ZR, zero_blk, 0)
        pltpu.sync_copy(src_hbm.at[pl.ds(w * wnb, wnb)], srcv)
        pltpu.sync_copy(dst_hbm.at[pl.ds(w * wnb, wnb)], dstv)
        plsc.subcore_barrier()

        _mp_pipeline3(hp_hbm, acc_sh, srcv, dstv, [rows0, rows1, rows2],
                      [g0, g1, g2], [t0, t1, t2], 0, wnb)
        plsc.subcore_barrier()

        def wout(j, _):
            pltpu.sync_copy(acc_sh.at[pl.ds(s * TPN + j * ZR, ZR)], zbuf)
            base = pl.multiple_of(c * N_PAD + s * TPN + j * ZR, ZR)
            pltpu.sync_copy(zbuf, out_hbm.at[pl.ds(base, ZR)])
            return 0

        lax.fori_loop(0, TPN // ZR, wout, 0)

    return k(hp, src2d, dst2d)


_R = 1000
_G = N // _R


def _dinv_block(dega_ref, degb_ref):
    deg = dega_ref[0, :, 0:1] + degb_ref[0, :, 0:1] + 1.0
    return lax.rsqrt(deg)


def _tc0_body(x_ref, w_ref, h_ref):
    h_ref[...] = jnp.dot(x_ref[...], w_ref[...],
                         preferred_element_type=jnp.float32)


def _tc1_body(h_ref, dega_ref, degb_ref, lo_ref, hi_ref):
    dinv = _dinv_block(dega_ref, degb_ref)
    hp = h_ref[...] * dinv
    lo_ref[...] = hp[:, : D_HID // 2]
    hi_ref[...] = hp[:, D_HID // 2:]


def _tc2_body(alo_ref, ahi_ref, plo_ref, phi_ref, dega_ref, degb_ref,
              b1_ref, w2_ref, o_ref):
    dinv = _dinv_block(dega_ref, degb_ref)
    zlo = jnp.maximum(dinv * (alo_ref[...] + plo_ref[...])
                      + b1_ref[0:1, : D_HID // 2], 0.0)
    zhi = jnp.maximum(dinv * (ahi_ref[...] + phi_ref[...])
                      + b1_ref[0:1, D_HID // 2:], 0.0)
    z = jnp.concatenate([zlo, zhi], axis=1)
    h2 = jnp.dot(z, w2_ref[...], preferred_element_type=jnp.float32)
    o_ref[...] = h2 * dinv


def _tc3_body(a0_ref, a1_ref, p_ref, dega_ref, degb_ref, b2_ref, out_ref):
    dinv = _dinv_block(dega_ref, degb_ref)
    acc = a0_ref[0] + a1_ref[0] + p_ref[...]
    out_ref[...] = dinv * acc + b2_ref[0:1, :]


def _rows_spec(cols):
    return pl.BlockSpec((_R, cols), lambda i: (i, 0))


_DEG_SPECS = [pl.BlockSpec((1, _R, DEG_W), lambda i: (0, i, 0)),
              pl.BlockSpec((1, _R, DEG_W), lambda i: (1, i, 0))]


def _full_spec(r, c):
    return pl.BlockSpec((r, c), lambda i: (0, 0))


def kernel(x, edge_index, W1, b1, W2, b2):
    src = edge_index[0].astype(jnp.int32)
    dst = edge_index[1].astype(jnp.int32)
    src_mp = src.reshape(E // MP_K, MP_K)
    dst_mp = dst.reshape(E // MP_K, MP_K)
    b1r = b1.reshape(1, D_HID)
    b2r = b2.reshape(1, D_OUT)

    deg3 = _sc_degree(dst_mp).reshape(NC, N_PAD, DEG_W)

    h1 = pl.pallas_call(
        _tc0_body,
        grid=(_G,),
        in_specs=[_rows_spec(D_IN), _full_spec(D_IN, D_HID)],
        out_specs=_rows_spec(D_HID),
        out_shape=jax.ShapeDtypeStruct((N, D_HID), jnp.float32),
    )(x, W1)

    h1p_lo, h1p_hi = pl.pallas_call(
        _tc1_body,
        grid=(_G,),
        in_specs=[_rows_spec(D_HID)] + _DEG_SPECS,
        out_specs=[_rows_spec(D_HID // 2)] * 2,
        out_shape=[jax.ShapeDtypeStruct((N, D_HID // 2), jnp.float32)] * 2,
    )(h1, deg3, deg3)

    acc1_lo, acc1_hi = _sc_msgpass(h1p_lo, h1p_hi, src_mp, dst_mp, D_HID // 2)

    h2p = pl.pallas_call(
        _tc2_body,
        grid=(_G,),
        in_specs=[
            _rows_spec(D_HID // 2), _rows_spec(D_HID // 2),
            _rows_spec(D_HID // 2), _rows_spec(D_HID // 2),
        ] + _DEG_SPECS + [
            _full_spec(1, D_HID),
            _full_spec(D_HID, D_OUT),
        ],
        out_specs=_rows_spec(D_OUT),
        out_shape=jax.ShapeDtypeStruct((N, D_OUT), jnp.float32),
    )(acc1_lo, acc1_hi, h1p_lo, h1p_hi, deg3, deg3, b1r, W2)

    acc2 = _sc_msgpass_edges(h2p, src_mp, dst_mp).reshape(NC, N_PAD, D_OUT)

    out = pl.pallas_call(
        _tc3_body,
        grid=(_G,),
        in_specs=[
            pl.BlockSpec((1, _R, D_OUT), lambda i: (0, i, 0)),
            pl.BlockSpec((1, _R, D_OUT), lambda i: (1, i, 0)),
            _rows_spec(D_OUT),
        ] + _DEG_SPECS + [
            _full_spec(1, D_OUT),
        ],
        out_specs=_rows_spec(D_OUT),
        out_shape=jax.ShapeDtypeStruct((N, D_OUT), jnp.float32),
    )(acc2, acc2, h2p, deg3, deg3, b2r)

    return out

# --- scband reference (transcript-rebuilt; emitter-appended) ---
"""Pipeline reference for scband-gcn-13657996002121 (READ-ONLY COPY).

The authoritative reference and input builder live on the scoring server;
editing this copy changes nothing except your own understanding.
"""

import jax, jax.numpy as jnp
import numpy as np

N_NODES = 10000
IN_FEAT = 256
HIDDEN = 256
OUT = 64


def setup_inputs(seed: int = 0) -> dict:
    key = jax.random.key(seed)
    k1, k2, k3, k4, k5, k6 = jax.random.split(key, 6)
    x = jax.random.normal(k1, (N_NODES, IN_FEAT), dtype=jnp.float32)
    edge_index = jax.random.randint(k2, (2, 160000), 0, N_NODES, dtype=jnp.int64)
    W1 = jax.random.normal(k3, (IN_FEAT, HIDDEN), dtype=jnp.float32) * (1.0 / np.sqrt(IN_FEAT))
    b1 = jnp.zeros((HIDDEN,), dtype=jnp.float32)
    W2 = jax.random.normal(k4, (HIDDEN, OUT), dtype=jnp.float32) * (1.0 / np.sqrt(HIDDEN))
    b2 = jnp.zeros((OUT,), dtype=jnp.float32)
    return {"x": x, "edge_index": edge_index, "W1": W1, "b1": b1, "W2": W2, "b2": b2}


def _gcn_conv(x, edge_index, W, b, n_nodes):
    # x' = D^{-1/2} (A + I) D^{-1/2} (x @ W) + b  (PyG GCNConv with self-loops, symmetric norm)
    src = edge_index[0]
    dst = edge_index[1]
    loop = jnp.arange(n_nodes, dtype=src.dtype)
    src = jnp.concatenate([src, loop])
    dst = jnp.concatenate([dst, loop])
    deg = jnp.zeros((n_nodes,), dtype=x.dtype).at[dst].add(1.0)
    dinv = jnp.where(deg > 0, jax.lax.rsqrt(deg), 0.0)
    norm = dinv[src] * dinv[dst]
    h = x @ W
    msg = h[src] * norm[:, None]
    out = jax.ops.segment_sum(msg, dst, num_segments=n_nodes)
    return out + b


def reference(x, edge_index, W1, b1, W2, b2):
    h = _gcn_conv(x, edge_index, W1, b1, N_NODES)
    h = jax.nn.relu(h)
    # dropout(p=0.5) is identity in eval mode (reference runs inference mode)
    out = _gcn_conv(h, edge_index, W2, b2, N_NODES)
    return out

if __name__ == "__main__":
    import jax
    _d = setup_inputs()
    print(jax.jit(kernel)(*tuple(_d.values())))

</pallas_src>

<mosaic_0001>
#map = affine_map<(d0, d1) -> (0, 0)>
module attributes {stable_mosaic.version = 14 : i64} {
  func.func @k(%arg0: i32, %arg1: i32, %arg2: memref<10000x128xf32, #tpu.memory_space<hbm>>, %arg3: memref<10000x128xf32, #tpu.memory_space<hbm>>, %arg4: memref<1280x125xi32, #tpu.memory_space<hbm>>, %arg5: memref<1280x125xi32, #tpu.memory_space<hbm>>, %arg6: memref<10240x128xf32, #tpu.memory_space<hbm>>, %arg7: memref<10240x128xf32, #tpu.memory_space<hbm>>, %arg8: memref<16x125xi32, #tpu.memory_space<vmem>>, %arg9: memref<16x125xi32, #tpu.memory_space<vmem>>, %arg10: memref<125x128xf32, #tpu.memory_space<vmem>>, %arg11: memref<125x128xf32, #tpu.memory_space<vmem>>, %arg12: memref<64x128xf32, #tpu.memory_space<vmem>>, %arg13: memref<10240x128xf32, #tpu.memory_space<vmem_shared>>, %arg14: memref<!tpu.dma_semaphore, #tpu.memory_space<semaphore_mem>>, %arg15: memref<!tpu.dma_semaphore, #tpu.memory_space<semaphore_mem>>, %arg16: memref<!tpu.dma_semaphore, #tpu.memory_space<semaphore_mem>>, %arg17: memref<!tpu.dma_semaphore, #tpu.memory_space<semaphore_mem>>) attributes {dimension_semantics = [#tpu.dimension_semantics<core_parallel>, #tpu.dimension_semantics<subcore_parallel>], iteration_bounds = array<i64: 2, 16>, scalar_prefetch = 0 : i64, scratch_operands = 10 : i64, tpu.core_type = #tpu.core_type<sc_vector_subcore>, window_params = [{transform_indices = #map}, {transform_indices = #map}, {transform_indices = #map}, {transform_indices = #map}, {transform_indices = #map}, {transform_indices = #map}]} {
    %scan3A = arith.constant 0 : i32
    %scan3A_0 = arith.constant 0 : i32
    %scan3A_1 = arith.constant 64 : i32
    %scan3A_2 = arith.addi %scan3A_0, %scan3A_1 : i32
    %scan3A_3 = arith.constant 1 : i32
    %scan3A_4 = scf.for %scan3A_20 = %scan3A_0 to %scan3A_2 step %scan3A_3 iter_args(%scan3A_21 = %scan3A) -> (i32)  : i32 {
      %scan3A_22 = arith.constant 0 : i32
      %scan3A_23 = arith.constant 0 : i32
      %scan3A_24 = arith.constant 8 : i32
      %scan3A_25 = arith.addi %scan3A_23, %scan3A_24 : i32
      %scan3A_26 = arith.constant 1 : i32
      %scan3A_27 = scf.for %scan3A_29 = %scan3A_23 to %scan3A_25 step %scan3A_26 iter_args(%scan3A_30 = %scan3A_22) -> (i32)  : i32 {
        %broadcast_in_dim3A = arith.constant 0.000000e+00 : f32
        %broadcast_in_dim3A_31 = vector.broadcast %broadcast_in_dim3A : f32 to vector<16xf32>
        %mul3A = arith.constant 16 : i32
        %mul3A_32 = arith.muli %scan3A_29, %mul3A : i32
        %swap3A = arith.index_cast %scan3A_20 : i32 to index
        %swap3A_33 = arith.index_cast %mul3A_32 : i32 to index
        %swap3A_34 = tpu.vector_load %arg12[%swap3A, %swap3A_33] {strides = array<i32>} : memref<64x128xf32, #tpu.memory_space<vmem>>, vector<1x16xf32>,
        %swap3A_35 = vector.shape_cast %swap3A_34 : vector<1x16xf32> to vector<16xf32>
        %swap3A_36 = vector.shape_cast %broadcast_in_dim3A_31 : vector<16xf32> to vector<1x16xf32>
        tpu.vector_store %arg12[%swap3A, %swap3A_33], %swap3A_36 {strides = array<i32>} : memref<64x128xf32, #tpu.memory_space<vmem>>, vector<1x16xf32>,
        %scan3A_37 = arith.constant 0 : i32
        scf.yield %scan3A_37 : i32
      }
      %scan3A_28 = arith.constant 8 : i32
      scf.yield %scan3A_27 : i32
    }
    %scan3A_5 = arith.constant 64 : i32
    %scan3A_6 = arith.constant 0 : i32
    %scan3A_7 = arith.constant 0 : i32
    %scan3A_8 = arith.constant 10 : i32
    %scan3A_9 = arith.addi %scan3A_7, %scan3A_8 : i32
    %scan3A_10 = arith.constant 1 : i32
    %scan3A_11 = scf.for %scan3A_20 = %scan3A_7 to %scan3A_9 step %scan3A_10 iter_args(%scan3A_21 = %scan3A_6) -> (i32)  : i32 {
      %mul3A = arith.constant 640 : i32
      %mul3A_22 = arith.muli %arg1, %mul3A : i32
      %mul3A_23 = arith.constant 64 : i32
      %mul3A_24 = arith.muli %scan3A_20, %mul3A_23 : i32
      %add3A = arith.addi %mul3A_22, %mul3A_24 : i32
      "tpu.region"() ({
        %run_scoped3A = tpu.sem_alloc : memref<!tpu.dma_semaphore, #tpu.memory_space<semaphore_mem>>
        %dma_start3A = arith.constant 0 : i32
        %dma_start3A_26 = tpu.memref_slice %arg13[%add3A, %dma_start3A] : memref<10240x128xf32, #tpu.memory_space<vmem_shared>> -> memref<64x128xf32, #tpu.memory_space<vmem_shared>>
        %dma_start3A_27 = arith.constant 0 : i32
        %dma_start3A_28 = tpu.memref_slice %arg13[%add3A, %dma_start3A_27] : memref<10240x128xf32, #tpu.memory_space<vmem_shared>> -> memref<64x128xf32, #tpu.memory_space<vmem_shared>>
        tpu.enqueue_dma source(%arg12 : memref<64x128xf32, #tpu.memory_space<vmem>>) target(%dma_start3A_28 : memref<64x128xf32, #tpu.memory_space<vmem_shared>>) target_semaphore(%run_scoped3A : memref<!tpu.dma_semaphore, #tpu.memory_space<semaphore_mem>>)
        %dma_wait3A = arith.constant 0 : i32
        %dma_wait3A_29 = tpu.memref_slice %arg13[%add3A, %dma_wait3A] : memref<10240x128xf32, #tpu.memory_space<vmem_shared>> -> memref<64x128xf32, #tpu.memory_space<vmem_shared>>
        %dma_wait3A_30 = arith.constant 0 : i32
        %dma_wait3A_31 = tpu.memref_slice %arg13[%add3A, %dma_wait3A_30] : memref<10240x128xf32, #tpu.memory_space<vmem_shared>> -> memref<64x128xf32, #tpu.memory_space<vmem_shared>>
        tpu.wait_dma2 semaphore(%run_scoped3A : memref<!tpu.dma_semaphore, #tpu.memory_space<semaphore_mem>>) src(%arg12 : memref<64x128xf32, #tpu.memory_space<vmem>>) dst(%dma_wait3A_31 : memref<64x128xf32, #tpu.memory_space<vmem_shared>>)
        tpu.yield
      }) : () -> ()
      %scan3A_25 = arith.constant 0 : i32
      scf.yield %scan3A_25 : i32
    }
    %scan3A_12 = arith.constant 10 : i32
    %barrier3A = arith.constant 0 : index
    tpu.barrier barrier_id(%barrier3A)
    %eq3A = arith.constant 0 : i32
    %eq3A_13 = arith.cmpi eq, %arg0, %eq3A : i32
    %convert_element_type3A = arith.extui %eq3A_13 : i1 to i32
    %cond3A = arith.constant 0 : i32
    %cond3A_14 = arith.cmpi ne, %convert_element_type3A, %cond3A : i32
    scf.if %cond3A_14 {
      %mul3A = arith.constant 80 : i32
      %mul3A_20 = arith.muli %arg1, %mul3A : i32
      "tpu.region"() ({
        %run_scoped3A = tpu.sem_alloc : memref<!tpu.dma_semaphore, #tpu.memory_space<semaphore_mem>>
        %dma_start3A_42 = arith.constant 0 : i32
        %dma_start3A_43 = arith.constant 0 : i32
        %dma_start3A_44 = tpu.memref_slice %arg8[%dma_start3A_42, %dma_start3A_43] : memref<16x125xi32, #tpu.memory_space<vmem>> -> memref<8x125xi32, #tpu.memory_space<vmem>>
        %dma_start3A_45 = arith.constant 0 : i32
        %dma_start3A_46 = tpu.memref_slice %arg4[%mul3A_20, %dma_start3A_45] : memref<1280x125xi32, #tpu.memory_space<hbm>> -> memref<8x125xi32, #tpu.memory_space<hbm>>
        %dma_start3A_47 = arith.constant 0 : i32
        %dma_start3A_48 = arith.constant 0 : i32
        %dma_start3A_49 = tpu.memref_slice %arg8[%dma_start3A_47, %dma_start3A_48] : memref<16x125xi32, #tpu.memory_space<vmem>> -> memref<8x125xi32, #tpu.memory_space<vmem>>
        %dma_start3A_50 = arith.constant 0 : i32
        %dma_start3A_51 = tpu.memref_slice %arg4[%mul3A_20, %dma_start3A_50] : memref<1280x125xi32, #tpu.memory_space<hbm>> -> memref<8x125xi32, #tpu.memory_space<hbm>>
        tpu.enqueue_dma source(%dma_start3A_51 : memref<8x125xi32, #tpu.memory_space<hbm>>) target(%dma_start3A_49 : memref<8x125xi32, #tpu.memory_space<vmem>>) target_semaphore(%run_scoped3A : memref<!tpu.dma_semaphore, #tpu.memory_space<semaphore_mem>>)
        %dma_wait3A = arith.constant 0 : i32
        %dma_wait3A_52 = arith.constant 0 : i32
        %dma_wait3A_53 = tpu.memref_slice %arg8[%dma_wait3A, %dma_wait3A_52] : memref<16x125xi32, #tpu.memory_space<vmem>> -> memref<8x125xi32, #tpu.memory_space<vmem>>
        %dma_wait3A_54 = arith.constant 0 : i32
        %dma_wait3A_55 = tpu.memref_slice %arg4[%mul3A_20, %dma_wait3A_54] : memref<1280x125xi32, #tpu.memory_space<hbm>> -> memref<8x125xi32, #tpu.memory_space<hbm>>
        %dma_wait3A_56 = arith.constant 0 : i32
        %dma_wait3A_57 = arith.constant 0 : i32
        %dma_wait3A_58 = tpu.memref_slice %arg8[%dma_wait3A_56, %dma_wait3A_57] : memref<16x125xi32, #tpu.memory_space<vmem>> -> memref<8x125xi32, #tpu.memory_space<vmem>>
        %dma_wait3A_59 = arith.constant 0 : i32
        %dma_wait3A_60 = tpu.memref_slice %arg4[%mul3A_20, %dma_wait3A_59] : memref<1280x125xi32, #tpu.memory_space<hbm>> -> memref<8x125xi32, #tpu.memory_space<hbm>>
        tpu.wait_dma2 semaphore(%run_scoped3A : memref<!tpu.dma_semaphore, #tpu.memory_space<semaphore_mem>>) src(%dma_wait3A_60 : memref<8x125xi32, #tpu.memory_space<hbm>>) dst(%dma_wait3A_58 : memref<8x125xi32, #tpu.memory_space<vmem>>)
        tpu.yield
      }) : () -> ()
      "tpu.region"() ({
        %run_scoped3A = tpu.sem_alloc : memref<!tpu.dma_semaphore, #tpu.memory_space<semaphore_mem>>
        %dma_start3A_42 = arith.constant 0 : i32
        %dma_start3A_43 = arith.constant 0 : i32
        %dma_start3A_44 = tpu.memref_slice %arg9[%dma_start3A_42, %dma_start3A_43] : memref<16x125xi32, #tpu.memory_space<vmem>> -> memref<8x125xi32, #tpu.memory_space<vmem>>
        %dma_start3A_45 = arith.constant 0 : i32
        %dma_start3A_46 = tpu.memref_slice %arg5[%mul3A_20, %dma_start3A_45] : memref<1280x125xi32, #tpu.memory_space<hbm>> -> memref<8x125xi32, #tpu.memory_space<hbm>>
        %dma_start3A_47 = arith.constant 0 : i32
        %dma_start3A_48 = arith.constant 0 : i32
        %dma_start3A_49 = tpu.memref_slice %arg9[%dma_start3A_47, %dma_start3A_48] : memref<16x125xi32, #tpu.memory_space<vmem>> -> memref<8x125xi32, #tpu.memory_space<vmem>>
        %dma_start3A_50 = arith.constant 0 : i32
        %dma_start3A_51 = tpu.memref_slice %arg5[%mul3A_20, %dma_start3A_50] : memref<1280x125xi32, #tpu.memory_space<hbm>> -> memref<8x125xi32, #tpu.memory_space<hbm>>
        tpu.enqueue_dma source(%dma_start3A_51 : memref<8x125xi32, #tpu.memory_space<hbm>>) target(%dma_start3A_49 : memref<8x125xi32, #tpu.memory_space<vmem>>) target_semaphore(%run_scoped3A : memref<!tpu.dma_semaphore, #tpu.memory_space<semaphore_mem>>)
        %dma_wait3A = arith.constant 0 : i32
        %dma_wait3A_52 = arith.constant 0 : i32
        %dma_wait3A_53 = tpu.memref_slice %arg9[%dma_wait3A, %dma_wait3A_52] : memref<16x125xi32, #tpu.memory_space<vmem>> -> memref<8x125xi32, #tpu.memory_space<vmem>>
        %dma_wait3A_54 = arith.constant 0 : i32
        %dma_wait3A_55 = tpu.memref_slice %arg5[%mul3A_20, %dma_wait3A_54] : memref<1280x125xi32, #tpu.memory_space<hbm>> -> memref<8x125xi32, #tpu.memory_space<hbm>>
        %dma_wait3A_56 = arith.constant 0 : i32
        %dma_wait3A_57 = arith.constant 0 : i32
        %dma_wait3A_58 = tpu.memref_slice %arg9[%dma_wait3A_56, %dma_wait3A_57] : memref<16x125xi32, #tpu.memory_space<vmem>> -> memref<8x125xi32, #tpu.memory_space<vmem>>
        %dma_wait3A_59 = arith.constant 0 : i32
        %dma_wait3A_60 = tpu.memref_slice %arg5[%mul3A_20, %dma_wait3A_59] : memref<1280x125xi32, #tpu.memory_space<hbm>> -> memref<8x125xi32, #tpu.memory_space<hbm>>
        tpu.wait_dma2 semaphore(%run_scoped3A : memref<!tpu.dma_semaphore, #tpu.memory_space<semaphore_mem>>) src(%dma_wait3A_60 : memref<8x125xi32, #tpu.memory_space<hbm>>) dst(%dma_wait3A_58 : memref<8x125xi32, #tpu.memory_space<vmem>>)
        tpu.yield
      }) : () -> ()
      %dma_start3A = arith.constant 0 : i32
      %dma_start3A_21 = arith.constant 0 : i32
      %dma_start3A_22 = tpu.memref_slice %arg8[%dma_start3A, %dma_start3A_21] : memref<16x125xi32, #tpu.memory_space<vmem>> -> memref<1x125xi32, #tpu.memory_space<vmem>>
      %dma_start3A_23 = tpu.memref_squeeze %dma_start3A_22 : memref<1x125xi32, #tpu.memory_space<vmem>> -> memref<125xi32, #tpu.memory_space<vmem>>
      %dma_start3A_24 = arith.constant 0 : i32
      %dma_start3A_25 = arith.constant 0 : i32
      %dma_start3A_26 = tpu.memref_slice %arg2[%dma_start3A_24, %dma_start3A_25] : memref<10000x128xf32, #tpu.memory_space<hbm>> -> memref<10000x128xf32, #tpu.memory_space<hbm>>
      tpu.enqueue_indirect_dma source(%dma_start3A_26 : memref<10000x128xf32, #tpu.memory_space<hbm>>) target(%arg10 : memref<125x128xf32, #tpu.memory_space<vmem>>) offsets(%dma_start3A_23 : memref<125xi32, #tpu.memory_space<vmem>>) semaphore(%arg14 : memref<!tpu.dma_semaphore, #tpu.memory_space<semaphore_mem>>)
      %scan3A_27 = arith.constant 0 : i32
      %scan3A_28 = arith.constant 0 : i32
      %scan3A_29 = arith.constant 40 : i32
      %scan3A_30 = arith.addi %scan3A_28, %scan3A_29 : i32
      %scan3A_31 = arith.constant 1 : i32
      %scan3A_32 = scf.for %scan3A_42 = %scan3A_28 to %scan3A_30 step %scan3A_31 iter_args(%scan3A_43 = %scan3A_27) -> (i32)  : i32 {
        %mul3A_44 = arith.constant 2 : i32
        %mul3A_45 = arith.muli %mul3A_44, %scan3A_42 : i32
        %add3A = arith.constant 1 : i32
        %add3A_46 = arith.addi %mul3A_45, %add3A : i32
        %jit3A = arith.constant 8 : i32
        %eq3A_47 = arith.constant 0 : i32
        %eq3A_48 = arith.cmpi eq, %jit3A, %eq3A_47 : i32
        %jit3A_49 = arith.constant 1 : i32
        %select_n3A = arith.select %eq3A_48, %jit3A_49, %jit3A : i32
        %rem3A = arith.remsi %mul3A_45, %select_n3A : i32
        %ne3A = arith.constant 0 : i32
        %ne3A_50 = arith.cmpi ne, %rem3A, %ne3A : i32
        %lt3A = arith.constant 0 : i32
        %lt3A_51 = arith.cmpi slt, %rem3A, %lt3A : i32
        %lt3A_52 = arith.constant 0 : i32
        %lt3A_53 = arith.cmpi slt, %select_n3A, %lt3A_52 : i32
        %ne3A_54 = arith.xori %lt3A_51, %lt3A_53 : i1
        %and3A = arith.andi %ne3A_54, %ne3A_50 : i1
        %add3A_55 = arith.addi %rem3A, %select_n3A : i32
        %select_n3A_56 = arith.select %and3A, %add3A_55, %rem3A : i32
        %eq3A_57 = arith.constant 0 : i32
        %eq3A_58 = arith.cmpi eq, %select_n3A_56, %eq3A_57 : i32
        %add3A_59 = arith.constant 8 : i32
        %add3A_60 = arith.addi %mul3A_45, %add3A_59 : i32
        %lt3A_61 = arith.constant 80 : i32
        %lt3A_62 = arith.cmpi slt, %add3A_60, %lt3A_61 : i32
        %and3A_63 = arith.andi %eq3A_58, %lt3A_62 : i1
        %convert_element_type3A_64 = arith.extui %and3A_63 : i1 to i32
        %cond3A_65 = arith.constant 0 : i32
        %cond3A_66 = arith.cmpi ne, %convert_element_type3A_64, %cond3A_65 : i32
        scf.if %cond3A_66 {
          %jit3A_207 = arith.constant 8 : i32
          %div3A_208 = arith.divsi %mul3A_45, %jit3A_207 : i32
          %sign3A_209 = arith.constant 0 : i32
          %sign3A_210 = arith.cmpi sgt, %mul3A_45, %sign3A_209 : i32
          %sign3A_211 = arith.extui %sign3A_210 : i1 to i32
          %sign3A_212 = arith.constant 0 : i32
          %sign3A_213 = arith.cmpi slt, %mul3A_45, %sign3A_212 : i32
          %sign3A_214 = arith.extui %sign3A_213 : i1 to i32
          %sign3A_215 = arith.subi %sign3A_211, %sign3A_214 : i32
          %sign3A_216 = arith.constant 0 : i32
          %sign3A_217 = arith.cmpi sgt, %jit3A_207, %sign3A_216 : i32
          %sign3A_218 = arith.extui %sign3A_217 : i1 to i32
          %sign3A_219 = arith.constant 0 : i32
          %sign3A_220 = arith.cmpi slt, %jit3A_207, %sign3A_219 : i32
          %sign3A_221 = arith.extui %sign3A_220 : i1 to i32
          %sign3A_222 = arith.subi %sign3A_218, %sign3A_221 : i32
          %ne3A_223 = arith.cmpi ne, %sign3A_215, %sign3A_222 : i32
          %rem3A_224 = arith.remsi %mul3A_45, %jit3A_207 : i32
          %ne3A_225 = arith.constant 0 : i32
          %ne3A_226 = arith.cmpi ne, %rem3A_224, %ne3A_225 : i32
          %and3A_227 = arith.andi %ne3A_223, %ne3A_226 : i1
          %sub3A_228 = arith.constant 1 : i32
          %sub3A_229 = arith.subi %div3A_208, %sub3A_228 : i32
          %select_n3A_230 = arith.select %and3A_227, %sub3A_229, %div3A_208 : i32
          %add3A_231 = arith.constant 1 : i32
          %add3A_232 = arith.addi %select_n3A_230, %add3A_231 : i32
          %jit3A_233 = arith.constant 2 : i32
          %eq3A_234 = arith.constant 0 : i32
          %eq3A_235 = arith.cmpi eq, %jit3A_233, %eq3A_234 : i32
          %jit3A_236 = arith.constant 1 : i32
          %select_n3A_237 = arith.select %eq3A_235, %jit3A_236, %jit3A_233 : i32
          %rem3A_238 = arith.remsi %add3A_232, %select_n3A_237 : i32
          %ne3A_239 = arith.constant 0 : i32
          %ne3A_240 = arith.cmpi ne, %rem3A_238, %ne3A_239 : i32
          %lt3A_241 = arith.constant 0 : i32
          %lt3A_242 = arith.cmpi slt, %rem3A_238, %lt3A_241 : i32
          %lt3A_243 = arith.constant 0 : i32
          %lt3A_244 = arith.cmpi slt, %select_n3A_237, %lt3A_243 : i32
          %ne3A_245 = arith.xori %lt3A_242, %lt3A_244 : i1
          %and3A_246 = arith.andi %ne3A_245, %ne3A_240 : i1
          %add3A_247 = arith.addi %rem3A_238, %select_n3A_237 : i32
          %select_n3A_248 = arith.select %and3A_246, %add3A_247, %rem3A_238 : i32
          %mul3A_249 = arith.constant 8 : i32
          %mul3A_250 = arith.muli %select_n3A_248, %mul3A_249 : i32
          %multiple_of3A = tpu.assume_multiple %mul3A_250, 8 : i32
          %mul3A_251 = arith.constant 8 : i32
          %mul3A_252 = arith.muli %add3A_232, %mul3A_251 : i32
          %add3A_253 = arith.addi %mul3A_20, %mul3A_252 : i32
          %dma_start3A_254 = arith.constant 0 : i32
          %dma_start3A_255 = tpu.memref_slice %arg8[%multiple_of3A, %dma_start3A_254] : memref<16x125xi32, #tpu.memory_space<vmem>> -> memref<8x125xi32, #tpu.memory_space<vmem>>
          %dma_start3A_256 = arith.constant 0 : i32
          %dma_start3A_257 = tpu.memref_slice %arg4[%add3A_253, %dma_start3A_256] : memref<1280x125xi32, #tpu.memory_space<hbm>> -> memref<8x125xi32, #tpu.memory_space<hbm>>
          %dma_start3A_258 = arith.constant 0 : i32
          %dma_start3A_259 = tpu.memref_slice %arg8[%multiple_of3A, %dma_start3A_258] : memref<16x125xi32, #tpu.memory_space<vmem>> -> memref<8x125xi32, #tpu.memory_space<vmem>>
          %dma_start3A_260 = arith.constant 0 : i32
          %dma_start3A_261 = tpu.memref_slice %arg4[%add3A_253, %dma_start3A_260] : memref<1280x125xi32, #tpu.memory_space<hbm>> -> memref<8x125xi32, #tpu.memory_space<hbm>>
          tpu.enqueue_dma source(%dma_start3A_261 : memref<8x125xi32, #tpu.memory_space<hbm>>) target(%dma_start3A_259 : memref<8x125xi32, #tpu.memory_space<vmem>>) target_semaphore(%arg16 : memref<!tpu.dma_semaphore, #tpu.memory_space<semaphore_mem>>)
          %mul3A_262 = arith.constant 8 : i32
          %mul3A_263 = arith.muli %add3A_232, %mul3A_262 : i32
          %add3A_264 = arith.addi %mul3A_20, %mul3A_263 : i32
          %dma_start3A_265 = arith.constant 0 : i32
          %dma_start3A_266 = tpu.memref_slice %arg9[%multiple_of3A, %dma_start3A_265] : memref<16x125xi32, #tpu.memory_space<vmem>> -> memref<8x125xi32, #tpu.memory_space<vmem>>
          %dma_start3A_267 = arith.constant 0 : i32
          %dma_start3A_268 = tpu.memref_slice %arg5[%add3A_264, %dma_start3A_267] : memref<1280x125xi32, #tpu.memory_space<hbm>> -> memref<8x125xi32, #tpu.memory_space<hbm>>
          %dma_start3A_269 = arith.constant 0 : i32
          %dma_start3A_270 = tpu.memref_slice %arg9[%multiple_of3A, %dma_start3A_269] : memref<16x125xi32, #tpu.memory_space<vmem>> -> memref<8x125xi32, #tpu.memory_space<vmem>>
          %dma_start3A_271 = arith.constant 0 : i32
          %dma_start3A_272 = tpu.memref_slice %arg5[%add3A_264, %dma_start3A_271] : memref<1280x125xi32, #tpu.memory_space<hbm>> -> memref<8x125xi32, #tpu.memory_space<hbm>>
          tpu.enqueue_dma source(%dma_start3A_272 : memref<8x125xi32, #tpu.memory_space<hbm>>) target(%dma_start3A_270 : memref<8x125xi32, #tpu.memory_space<vmem>>) target_semaphore(%arg17 : memref<!tpu.dma_semaphore, #tpu.memory_space<semaphore_mem>>)
        } else {
        }
        %jit3A_67 = arith.constant 8 : i32
        %div3A = arith.divsi %mul3A_45, %jit3A_67 : i32
        %sign3A = arith.constant 0 : i32
        %sign3A_68 = arith.cmpi sgt, %mul3A_45, %sign3A : i32
        %sign3A_69 = arith.extui %sign3A_68 : i1 to i32
        %sign3A_70 = arith.constant 0 : i32
        %sign3A_71 = arith.cmpi slt, %mul3A_45, %sign3A_70 : i32
        %sign3A_72 = arith.extui %sign3A_71 : i1 to i32
        %sign3A_73 = arith.subi %sign3A_69, %sign3A_72 : i32
        %sign3A_74 = arith.constant 0 : i32
        %sign3A_75 = arith.cmpi sgt, %jit3A_67, %sign3A_74 : i32
        %sign3A_76 = arith.extui %sign3A_75 : i1 to i32
        %sign3A_77 = arith.constant 0 : i32
        %sign3A_78 = arith.cmpi slt, %jit3A_67, %sign3A_77 : i32
        %sign3A_79 = arith.extui %sign3A_78 : i1 to i32
        %sign3A_80 = arith.subi %sign3A_76, %sign3A_79 : i32
        %ne3A_81 = arith.cmpi ne, %sign3A_73, %sign3A_80 : i32
        %rem3A_82 = arith.remsi %mul3A_45, %jit3A_67 : i32
        %ne3A_83 = arith.constant 0 : i32
        %ne3A_84 = arith.cmpi ne, %rem3A_82, %ne3A_83 : i32
        %and3A_85 = arith.andi %ne3A_81, %ne3A_84 : i1
        %sub3A = arith.constant 1 : i32
        %sub3A_86 = arith.subi %div3A, %sub3A : i32
        %select_n3A_87 = arith.select %and3A_85, %sub3A_86, %div3A : i32
        %jit3A_88 = arith.constant 2 : i32
        %eq3A_89 = arith.constant 0 : i32
        %eq3A_90 = arith.cmpi eq, %jit3A_88, %eq3A_89 : i32
        %jit3A_91 = arith.constant 1 : i32
        %select_n3A_92 = arith.select %eq3A_90, %jit3A_91, %jit3A_88 : i32
        %rem3A_93 = arith.remsi %select_n3A_87, %select_n3A_92 : i32
        %ne3A_94 = arith.constant 0 : i32
        %ne3A_95 = arith.cmpi ne, %rem3A_93, %ne3A_94 : i32
        %lt3A_96 = arith.constant 0 : i32
        %lt3A_97 = arith.cmpi slt, %rem3A_93, %lt3A_96 : i32
        %lt3A_98 = arith.constant 0 : i32
        %lt3A_99 = arith.cmpi slt, %select_n3A_92, %lt3A_98 : i32
        %ne3A_100 = arith.xori %lt3A_97, %lt3A_99 : i1
        %and3A_101 = arith.andi %ne3A_100, %ne3A_95 : i1
        %add3A_102 = arith.addi %rem3A_93, %select_n3A_92 : i32
        %select_n3A_103 = arith.select %and3A_101, %add3A_102, %rem3A_93 : i32
        %mul3A_104 = arith.constant 8 : i32
        %mul3A_105 = arith.muli %select_n3A_103, %mul3A_104 : i32
        %jit3A_106 = arith.constant 8 : i32
        %eq3A_107 = arith.constant 0 : i32
        %eq3A_108 = arith.cmpi eq, %jit3A_106, %eq3A_107 : i32
        %jit3A_109 = arith.constant 1 : i32
        %select_n3A_110 = arith.select %eq3A_108, %jit3A_109, %jit3A_106 : i32
        %rem3A_111 = arith.remsi %mul3A_45, %select_n3A_110 : i32
        %ne3A_112 = arith.constant 0 : i32
        %ne3A_113 = arith.cmpi ne, %rem3A_111, %ne3A_112 : i32
        %lt3A_114 = arith.constant 0 : i32
        %lt3A_115 = arith.cmpi slt, %rem3A_111, %lt3A_114 : i32
        %lt3A_116 = arith.constant 0 : i32
        %lt3A_117 = arith.cmpi slt, %select_n3A_110, %lt3A_116 : i32
        %ne3A_118 = arith.xori %lt3A_115, %lt3A_117 : i1
        %and3A_119 = arith.andi %ne3A_118, %ne3A_113 : i1
        %add3A_120 = arith.addi %rem3A_111, %select_n3A_110 : i32
        %select_n3A_121 = arith.select %and3A_119, %add3A_120, %rem3A_111 : i32
        %add3A_122 = arith.addi %mul3A_105, %select_n3A_121 : i32
        %jit3A_123 = arith.constant 8 : i32
        %div3A_124 = arith.divsi %add3A_46, %jit3A_123 : i32
        %sign3A_125 = arith.constant 0 : i32
        %sign3A_126 = arith.cmpi sgt, %add3A_46, %sign3A_125 : i32
        %sign3A_127 = arith.extui %sign3A_126 : i1 to i32
        %sign3A_128 = arith.constant 0 : i32
        %sign3A_129 = arith.cmpi slt, %add3A_46, %sign3A_128 : i32
        %sign3A_130 = arith.extui %sign3A_129 : i1 to i32
        %sign3A_131 = arith.subi %sign3A_127, %sign3A_130 : i32
        %sign3A_132 = arith.constant 0 : i32
        %sign3A_133 = arith.cmpi sgt, %jit3A_123, %sign3A_132 : i32
        %sign3A_134 = arith.extui %sign3A_133 : i1 to i32
        %sign3A_135 = arith.constant 0 : i32
        %sign3A_136 = arith.cmpi slt, %jit3A_123, %sign3A_135 : i32
        %sign3A_137 = arith.extui %sign3A_136 : i1 to i32
        %sign3A_138 = arith.subi %sign3A_134, %sign3A_137 : i32
        %ne3A_139 = arith.cmpi ne, %sign3A_131, %sign3A_138 : i32
        %rem3A_140 = arith.remsi %add3A_46, %jit3A_123 : i32
        %ne3A_141 = arith.constant 0 : i32
        %ne3A_142 = arith.cmpi ne, %rem3A_140, %ne3A_141 : i32
        %and3A_143 = arith.andi %ne3A_139, %ne3A_142 : i1
        %sub3A_144 = arith.constant 1 : i32
        %sub3A_145 = arith.subi %div3A_124, %sub3A_144 : i32
        %select_n3A_146 = arith.select %and3A_143, %sub3A_145, %div3A_124 : i32
        %jit3A_147 = arith.constant 2 : i32
        %eq3A_148 = arith.constant 0 : i32
        %eq3A_149 = arith.cmpi eq, %jit3A_147, %eq3A_148 : i32
        %jit3A_150 = arith.constant 1 : i32
        %select_n3A_151 = arith.select %eq3A_149, %jit3A_150, %jit3A_147 : i32
        %rem3A_152 = arith.remsi %select_n3A_146, %select_n3A_151 : i32
        %ne3A_153 = arith.constant 0 : i32
        %ne3A_154 = arith.cmpi ne, %rem3A_152, %ne3A_153 : i32
        %lt3A_155 = arith.constant 0 : i32
        %lt3A_156 = arith.cmpi slt, %rem3A_152, %lt3A_155 : i32
        %lt3A_157 = arith.constant 0 : i32
        %lt3A_158 = arith.cmpi slt, %select_n3A_151, %lt3A_157 : i32
        %ne3A_159 = arith.xori %lt3A_156, %lt3A_158 : i1
        %and3A_160 = arith.andi %ne3A_159, %ne3A_154 : i1
        %add3A_161 = arith.addi %rem3A_152, %select_n3A_151 : i32
        %select_n3A_162 = arith.select %and3A_160, %add3A_161, %rem3A_152 : i32
        %mul3A_163 = arith.constant 8 : i32
        %mul3A_164 = arith.muli %select_n3A_162, %mul3A_163 : i32
        %jit3A_165 = arith.constant 8 : i32
        %eq3A_166 = arith.constant 0 : i32
        %eq3A_167 = arith.cmpi eq, %jit3A_165, %eq3A_166 : i32
        %jit3A_168 = arith.constant 1 : i32
        %select_n3A_169 = arith.select %eq3A_167, %jit3A_168, %jit3A_165 : i32
        %rem3A_170 = arith.remsi %add3A_46, %select_n3A_169 : i32
        %ne3A_171 = arith.constant 0 : i32
        %ne3A_172 = arith.cmpi ne, %rem3A_170, %ne3A_171 : i32
        %lt3A_173 = arith.constant 0 : i32
        %lt3A_174 = arith.cmpi slt, %rem3A_170, %lt3A_173 : i32
        %lt3A_175 = arith.constant 0 : i32
        %lt3A_176 = arith.cmpi slt, %select_n3A_169, %lt3A_175 : i32
        %ne3A_177 = arith.xori %lt3A_174, %lt3A_176 : i1
        %and3A_178 = arith.andi %ne3A_177, %ne3A_172 : i1
        %add3A_179 = arith.addi %rem3A_170, %select_n3A_169 : i32
        %select_n3A_180 = arith.select %and3A_178, %add3A_179, %rem3A_170 : i32
        %add3A_181 = arith.addi %mul3A_164, %select_n3A_180 : i32
        %dma_start3A_182 = arith.constant 0 : i32
        %dma_start3A_183 = tpu.memref_slice %arg8[%add3A_181, %dma_start3A_182] : memref<16x125xi32, #tpu.memory_space<vmem>> -> memref<1x125xi32, #tpu.memory_space<vmem>>
        %dma_start3A_184 = tpu.memref_squeeze %dma_start3A_183 : memref<1x125xi32, #tpu.memory_space<vmem>> -> memref<125xi32, #tpu.memory_space<vmem>>
        %dma_start3A_185 = arith.constant 0 : i32
        %dma_start3A_186 = arith.constant 0 : i32
        %dma_start3A_187 = tpu.memref_slice %arg2[%dma_start3A_185, %dma_start3A_186] : memref<10000x128xf32, #tpu.memory_space<hbm>> -> memref<10000x128xf32, #tpu.memory_space<hbm>>
        tpu.enqueue_indirect_dma source(%dma_start3A_187 : memref<10000x128xf32, #tpu.memory_space<hbm>>) target(%arg11 : memref<125x128xf32, #tpu.memory_space<vmem>>) offsets(%dma_start3A_184 : memref<125xi32, #tpu.memory_space<vmem>>) semaphore(%arg15 : memref<!tpu.dma_semaphore, #tpu.memory_space<semaphore_mem>>)
        %dma_wait3A = arith.constant 0 : i32
        %dma_wait3A_188 = tpu.memref_slice %arg8[%add3A_122, %dma_wait3A] : memref<16x125xi32, #tpu.memory_space<vmem>> -> memref<1x125xi32, #tpu.memory_space<vmem>>
        %dma_wait3A_189 = tpu.memref_squeeze %dma_wait3A_188 : memref<1x125xi32, #tpu.memory_space<vmem>> -> memref<125xi32, #tpu.memory_space<vmem>>
        %dma_wait3A_190 = arith.constant 0 : i32
        %dma_wait3A_191 = arith.constant 0 : i32
        %dma_wait3A_192 = tpu.memref_slice %arg2[%dma_wait3A_190, %dma_wait3A_191] : memref<10000x128xf32, #tpu.memory_space<hbm>> -> memref<10000x128xf32, #tpu.memory_space<hbm>>
        tpu.wait_indirect_dma semaphore(%arg14 : memref<!tpu.dma_semaphore, #tpu.memory_space<semaphore_mem>>) src(%dma_wait3A_192 : memref<10000x128xf32, #tpu.memory_space<hbm>>) dst(%arg10 : memref<125x128xf32, #tpu.memory_space<vmem>>)
        "tpu.region"() ({
          %run_scoped3A = tpu.sem_alloc : memref<!tpu.dma_semaphore, #tpu.memory_space<semaphore_mem>>
          %dma_start3A_207 = arith.constant 0 : i32
          %dma_start3A_208 = tpu.memref_slice %arg9[%add3A_122, %dma_start3A_207] : memref<16x125xi32, #tpu.memory_space<vmem>> -> memref<1x125xi32, #tpu.memory_space<vmem>>
          %dma_start3A_209 = tpu.memref_squeeze %dma_start3A_208 : memref<1x125xi32, #tpu.memory_space<vmem>> -> memref<125xi32, #tpu.memory_space<vmem>>
          %dma_start3A_210 = arith.constant 0 : i32
          %dma_start3A_211 = arith.constant 0 : i32
          %dma_start3A_212 = tpu.memref_slice %arg13[%dma_start3A_210, %dma_start3A_211] : memref<10240x128xf32, #tpu.memory_space<vmem_shared>> -> memref<10240x128xf32, #tpu.memory_space<vmem_shared>>
          tpu.enqueue_indirect_dma source(%arg10 : memref<125x128xf32, #tpu.memory_space<vmem>>) target(%dma_start3A_212 : memref<10240x128xf32, #tpu.memory_space<vmem_shared>>) offsets(%dma_start3A_209 : memref<125xi32, #tpu.memory_space<vmem>>) semaphore(%run_scoped3A : memref<!tpu.dma_semaphore, #tpu.memory_space<semaphore_mem>>) {add = true}
          %dma_wait3A_213 = arith.constant 0 : i32
          %dma_wait3A_214 = tpu.memref_slice %arg9[%add3A_122, %dma_wait3A_213] : memref<16x125xi32, #tpu.memory_space<vmem>> -> memref<1x125xi32, #tpu.memory_space<vmem>>
          %dma_wait3A_215 = tpu.memref_squeeze %dma_wait3A_214 : memref<1x125xi32, #tpu.memory_space<vmem>> -> memref<125xi32, #tpu.memory_space<vmem>>
          %dma_wait3A_216 = arith.constant 0 : i32
          %dma_wait3A_217 = arith.constant 0 : i32
          %dma_wait3A_218 = tpu.memref_slice %arg13[%dma_wait3A_216, %dma_wait3A_217] : memref<10240x128xf32, #tpu.memory_space<vmem_shared>> -> memref<10240x128xf32, #tpu.memory_space<vmem_shared>>
          tpu.wait_indirect_dma semaphore(%run_scoped3A : memref<!tpu.dma_semaphore, #tpu.memory_space<semaphore_mem>>) src(%arg10 : memref<125x128xf32, #tpu.memory_space<vmem>>) dst(%dma_wait3A_218 : memref<10240x128xf32, #tpu.memory_space<vmem_shared>>)
          tpu.yield
        }) : () -> ()
        %add3A_193 = arith.constant 2 : i32
        %add3A_194 = arith.addi %mul3A_45, %add3A_193 : i32
        %lt3A_195 = arith.constant 80 : i32
        %lt3A_196 = arith.cmpi slt, %add3A_194, %lt3A_195 : i32
        %convert_element_type3A_197 = arith.extui %lt3A_196 : i1 to i32
        %cond3A_198 = arith.constant 0 : i32
        %cond3A_199 = arith.cmpi ne, %convert_element_type3A_197, %cond3A_198 : i32
        scf.if %cond3A_199 {
          %add3A_207 = arith.constant 2 : i32
          %add3A_208 = arith.addi %mul3A_45, %add3A_207 : i32
          %jit3A_209 = arith.constant 8 : i32
          %eq3A_210 = arith.constant 0 : i32
          %eq3A_211 = arith.cmpi eq, %jit3A_209, %eq3A_210 : i32
          %jit3A_212 = arith.constant 1 : i32
          %select_n3A_213 = arith.select %eq3A_211, %jit3A_212, %jit3A_209 : i32
          %rem3A_214 = arith.remsi %add3A_208, %select_n3A_213 : i32
          %ne3A_215 = arith.constant 0 : i32
          %ne3A_216 = arith.cmpi ne, %rem3A_214, %ne3A_215 : i32
          %lt3A_217 = arith.constant 0 : i32
          %lt3A_218 = arith.cmpi slt, %rem3A_214, %lt3A_217 : i32
          %lt3A_219 = arith.constant 0 : i32
          %lt3A_220 = arith.cmpi slt, %select_n3A_213, %lt3A_219 : i32
          %ne3A_221 = arith.xori %lt3A_218, %lt3A_220 : i1
          %and3A_222 = arith.andi %ne3A_221, %ne3A_216 : i1
          %add3A_223 = arith.addi %rem3A_214, %select_n3A_213 : i32
          %select_n3A_224 = arith.select %and3A_222, %add3A_223, %rem3A_214 : i32
          %eq3A_225 = arith.constant 0 : i32
          %eq3A_226 = arith.cmpi eq, %select_n3A_224, %eq3A_225 : i32
          %convert_element_type3A_227 = arith.extui %eq3A_226 : i1 to i32
          %cond3A_228 = arith.constant 0 : i32
          %cond3A_229 = arith.cmpi ne, %convert_element_type3A_227, %cond3A_228 : i32
          scf.if %cond3A_229 {
            %dma_wait3A_297 = arith.constant 0 : i32
            %dma_wait3A_298 = arith.constant 0 : i32
            %dma_wait3A_299 = tpu.memref_slice %arg8[%dma_wait3A_297, %dma_wait3A_298] : memref<16x125xi32, #tpu.memory_space<vmem>> -> memref<8x125xi32, #tpu.memory_space<vmem>>
            %dma_wait3A_300 = arith.constant 0 : i32
            %dma_wait3A_301 = tpu.memref_slice %arg4[%mul3A_20, %dma_wait3A_300] : memref<1280x125xi32, #tpu.memory_space<hbm>> -> memref<8x125xi32, #tpu.memory_space<hbm>>
            %dma_wait3A_302 = arith.constant 0 : i32
            %dma_wait3A_303 = arith.constant 0 : i32
            %dma_wait3A_304 = tpu.memref_slice %arg8[%dma_wait3A_302, %dma_wait3A_303] : memref<16x125xi32, #tpu.memory_space<vmem>> -> memref<8x125xi32, #tpu.memory_space<vmem>>
            %dma_wait3A_305 = arith.constant 0 : i32
            %dma_wait3A_306 = tpu.memref_slice %arg4[%mul3A_20, %dma_wait3A_305] : memref<1280x125xi32, #tpu.memory_space<hbm>> -> memref<8x125xi32, #tpu.memory_space<hbm>>
            tpu.wait_dma2 semaphore(%arg16 : memref<!tpu.dma_semaphore, #tpu.memory_space<semaphore_mem>>) src(%dma_wait3A_306 : memref<8x125xi32, #tpu.memory_space<hbm>>) dst(%dma_wait3A_304 : memref<8x125xi32, #tpu.memory_space<vmem>>)
            %dma_wait3A_307 = arith.constant 0 : i32
            %dma_wait3A_308 = arith.constant 0 : i32
            %dma_wait3A_309 = tpu.memref_slice %arg9[%dma_wait3A_307, %dma_wait3A_308] : memref<16x125xi32, #tpu.memory_space<vmem>> -> memref<8x125xi32, #tpu.memory_space<vmem>>
            %dma_wait3A_310 = arith.constant 0 : i32
            %dma_wait3A_311 = tpu.memref_slice %arg5[%mul3A_20, %dma_wait3A_310] : memref<1280x125xi32, #tpu.memory_space<hbm>> -> memref<8x125xi32, #tpu.memory_space<hbm>>
            %dma_wait3A_312 = arith.constant 0 : i32
            %dma_wait3A_313 = arith.constant 0 : i32
            %dma_wait3A_314 = tpu.memref_slice %arg9[%dma_wait3A_312, %dma_wait3A_313] : memref<16x125xi32, #tpu.memory_space<vmem>> -> memref<8x125xi32, #tpu.memory_space<vmem>>
            %dma_wait3A_315 = arith.constant 0 : i32
            %dma_wait3A_316 = tpu.memref_slice %arg5[%mul3A_20, %dma_wait3A_315] : memref<1280x125xi32, #tpu.memory_space<hbm>> -> memref<8x125xi32, #tpu.memory_space<hbm>>
            tpu.wait_dma2 semaphore(%arg17 : memref<!tpu.dma_semaphore, #tpu.memory_space<semaphore_mem>>) src(%dma_wait3A_316 : memref<8x125xi32, #tpu.memory_space<hbm>>) dst(%dma_wait3A_314 : memref<8x125xi32, #tpu.memory_space<vmem>>)
          } else {
          }
          %add3A_230 = arith.constant 2 : i32
          %add3A_231 = arith.addi %mul3A_45, %add3A_230 : i32
          %jit3A_232 = arith.constant 8 : i32
          %div3A_233 = arith.divsi %add3A_231, %jit3A_232 : i32
          %sign3A_234 = arith.constant 0 : i32
          %sign3A_235 = arith.cmpi sgt, %add3A_231, %sign3A_234 : i32
          %sign3A_236 = arith.extui %sign3A_235 : i1 to i32
          %sign3A_237 = arith.constant 0 : i32
          %sign3A_238 = arith.cmpi slt, %add3A_231, %sign3A_237 : i32
          %sign3A_239 = arith.extui %sign3A_238 : i1 to i32
          %sign3A_240 = arith.subi %sign3A_236, %sign3A_239 : i32
          %sign3A_241 = arith.constant 0 : i32
          %sign3A_242 = arith.cmpi sgt, %jit3A_232, %sign3A_241 : i32
          %sign3A_243 = arith.extui %sign3A_242 : i1 to i32
          %sign3A_244 = arith.constant 0 : i32
          %sign3A_245 = arith.cmpi slt, %jit3A_232, %sign3A_244 : i32
          %sign3A_246 = arith.extui %sign3A_245 : i1 to i32
          %sign3A_247 = arith.subi %sign3A_243, %sign3A_246 : i32
          %ne3A_248 = arith.cmpi ne, %sign3A_240, %sign3A_247 : i32
          %rem3A_249 = arith.remsi %add3A_231, %jit3A_232 : i32
          %ne3A_250 = arith.constant 0 : i32
          %ne3A_251 = arith.cmpi ne, %rem3A_249, %ne3A_250 : i32
          %and3A_252 = arith.andi %ne3A_248, %ne3A_251 : i1
          %sub3A_253 = arith.constant 1 : i32
          %sub3A_254 = arith.subi %div3A_233, %sub3A_253 : i32
          %select_n3A_255 = arith.select %and3A_252, %sub3A_254, %div3A_233 : i32
          %jit3A_256 = arith.constant 2 : i32
          %eq3A_257 = arith.constant 0 : i32
          %eq3A_258 = arith.cmpi eq, %jit3A_256, %eq3A_257 : i32
          %jit3A_259 = arith.constant 1 : i32
          %select_n3A_260 = arith.select %eq3A_258, %jit3A_259, %jit3A_256 : i32
          %rem3A_261 = arith.remsi %select_n3A_255, %select_n3A_260 : i32
          %ne3A_262 = arith.constant 0 : i32
          %ne3A_263 = arith.cmpi ne, %rem3A_261, %ne3A_262 : i32
          %lt3A_264 = arith.constant 0 : i32
          %lt3A_265 = arith.cmpi slt, %rem3A_261, %lt3A_264 : i32
          %lt3A_266 = arith.constant 0 : i32
          %lt3A_267 = arith.cmpi slt, %select_n3A_260, %lt3A_266 : i32
          %ne3A_268 = arith.xori %lt3A_265, %lt3A_267 : i1
          %and3A_269 = arith.andi %ne3A_268, %ne3A_263 : i1
          %add3A_270 = arith.addi %rem3A_261, %select_n3A_260 : i32
          %select_n3A_271 = arith.select %and3A_269, %add3A_270, %rem3A_261 : i32
          %mul3A_272 = arith.constant 8 : i32
          %mul3A_273 = arith.muli %select_n3A_271, %mul3A_272 : i32
          %jit3A_274 = arith.constant 8 : i32
          %eq3A_275 = arith.constant 0 : i32
          %eq3A_276 = arith.cmpi eq, %jit3A_274, %eq3A_275 : i32
          %jit3A_277 = arith.constant 1 : i32
          %select_n3A_278 = arith.select %eq3A_276, %jit3A_277, %jit3A_274 : i32
          %rem3A_279 = arith.remsi %add3A_231, %select_n3A_278 : i32
          %ne3A_280 = arith.constant 0 : i32
          %ne3A_281 = arith.cmpi ne, %rem3A_279, %ne3A_280 : i32
          %lt3A_282 = arith.constant 0 : i32
          %lt3A_283 = arith.cmpi slt, %rem3A_279, %lt3A_282 : i32
          %lt3A_284 = arith.constant 0 : i32
          %lt3A_285 = arith.cmpi slt, %select_n3A_278, %lt3A_284 : i32
          %ne3A_286 = arith.xori %lt3A_283, %lt3A_285 : i1
          %and3A_287 = arith.andi %ne3A_286, %ne3A_281 : i1
          %add3A_288 = arith.addi %rem3A_279, %select_n3A_278 : i32
          %select_n3A_289 = arith.select %and3A_287, %add3A_288, %rem3A_279 : i32
          %add3A_290 = arith.addi %mul3A_273, %select_n3A_289 : i32
          %dma_start3A_291 = arith.constant 0 : i32
          %dma_start3A_292 = tpu.memref_slice %arg8[%add3A_290, %dma_start3A_291] : memref<16x125xi32, #tpu.memory_space<vmem>> -> memref<1x125xi32, #tpu.memory_space<vmem>>
          %dma_start3A_293 = tpu.memref_squeeze %dma_start3A_292 : memref<1x125xi32, #tpu.memory_space<vmem>> -> memref<125xi32, #tpu.memory_space<vmem>>
          %dma_start3A_294 = arith.constant 0 : i32
          %dma_start3A_295 = arith.constant 0 : i32
          %dma_start3A_296 = tpu.memref_slice %arg2[%dma_start3A_294, %dma_start3A_295] : memref<10000x128xf32, #tpu.memory_space<hbm>> -> memref<10000x128xf32, #tpu.memory_space<hbm>>
          tpu.enqueue_indirect_dma source(%dma_start3A_296 : memref<10000x128xf32, #tpu.memory_space<hbm>>) target(%arg10 : memref<125x128xf32, #tpu.memory_space<vmem>>) offsets(%dma_start3A_293 : memref<125xi32, #tpu.memory_space<vmem>>) semaphore(%arg14 : memref<!tpu.dma_semaphore, #tpu.memory_space<semaphore_mem>>)
        } else {
        }
        %dma_wait3A_200 = arith.constant 0 : i32
        %dma_wait3A_201 = tpu.memref_slice %arg8[%add3A_181, %dma_wait3A_200] : memref<16x125xi32, #tpu.memory_space<vmem>> -> memref<1x125xi32, #tpu.memory_space<vmem>>
        %dma_wait3A_202 = tpu.memref_squeeze %dma_wait3A_201 : memref<1x125xi32, #tpu.memory_space<vmem>> -> memref<125xi32, #tpu.memory_space<vmem>>
        %dma_wait3A_203 = arith.constant 0 : i32
        %dma_wait3A_204 = arith.constant 0 : i32
        %dma_wait3A_205 = tpu.memref_slice %arg2[%dma_wait3A_203, %dma_wait3A_204] : memref<10000x128xf32, #tpu.memory_space<hbm>> -> memref<10000x128xf32, #tpu.memory_space<hbm>>
        tpu.wait_indirect_dma semaphore(%arg15 : memref<!tpu.dma_semaphore, #tpu.memory_space<semaphore_mem>>) src(%dma_wait3A_205 : memref<10000x128xf32, #tpu.memory_space<hbm>>) dst(%arg11 : memref<125x128xf32, #tpu.memory_space<vmem>>)
        "tpu.region"() ({
          %run_scoped3A = tpu.sem_alloc : memref<!tpu.dma_semaphore, #tpu.memory_space<semaphore_mem>>
          %dma_start3A_207 = arith.constant 0 : i32
          %dma_start3A_208 = tpu.memref_slice %arg9[%add3A_181, %dma_start3A_207] : memref<16x125xi32, #tpu.memory_space<vmem>> -> memref<1x125xi32, #tpu.memory_space<vmem>>
          %dma_start3A_209 = tpu.memref_squeeze %dma_start3A_208 : memref<1x125xi32, #tpu.memory_space<vmem>> -> memref<125xi32, #tpu.memory_space<vmem>>
          %dma_start3A_210 = arith.constant 0 : i32
          %dma_start3A_211 = arith.constant 0 : i32
          %dma_start3A_212 = tpu.memref_slice %arg13[%dma_start3A_210, %dma_start3A_211] : memref<10240x128xf32, #tpu.memory_space<vmem_shared>> -> memref<10240x128xf32, #tpu.memory_space<vmem_shared>>
          tpu.enqueue_indirect_dma source(%arg11 : memref<125x128xf32, #tpu.memory_space<vmem>>) target(%dma_start3A_212 : memref<10240x128xf32, #tpu.memory_space<vmem_shared>>) offsets(%dma_start3A_209 : memref<125xi32, #tpu.memory_space<vmem>>) semaphore(%run_scoped3A : memref<!tpu.dma_semaphore, #tpu.memory_space<semaphore_mem>>) {add = true}
          %dma_wait3A_213 = arith.constant 0 : i32
          %dma_wait3A_214 = tpu.memref_slice %arg9[%add3A_181, %dma_wait3A_213] : memref<16x125xi32, #tpu.memory_space<vmem>> -> memref<1x125xi32, #tpu.memory_space<vmem>>
          %dma_wait3A_215 = tpu.memref_squeeze %dma_wait3A_214 : memref<1x125xi32, #tpu.memory_space<vmem>> -> memref<125xi32, #tpu.memory_space<vmem>>
          %dma_wait3A_216 = arith.constant 0 : i32
          %dma_wait3A_217 = arith.constant 0 : i32
          %dma_wait3A_218 = tpu.memref_slice %arg13[%dma_wait3A_216, %dma_wait3A_217] : memref<10240x128xf32, #tpu.memory_space<vmem_shared>> -> memref<10240x128xf32, #tpu.memory_space<vmem_shared>>
          tpu.wait_indirect_dma semaphore(%run_scoped3A : memref<!tpu.dma_semaphore, #tpu.memory_space<semaphore_mem>>) src(%arg11 : memref<125x128xf32, #tpu.memory_space<vmem>>) dst(%dma_wait3A_218 : memref<10240x128xf32, #tpu.memory_space<vmem_shared>>)
          tpu.yield
        }) : () -> ()
        %scan3A_206 = arith.constant 0 : i32
        scf.yield %scan3A_206 : i32
      }
      %scan3A_33 = arith.constant 40 : i32
      %barrier3A_34 = arith.constant 0 : index
      tpu.barrier barrier_id(%barrier3A_34)
      %scan3A_35 = arith.constant 0 : i32
      %scan3A_36 = arith.constant 0 : i32
      %scan3A_37 = arith.constant 10 : i32
      %scan3A_38 = arith.addi %scan3A_36, %scan3A_37 : i32
      %scan3A_39 = arith.constant 1 : i32
      %scan3A_40 = scf.for %scan3A_42 = %scan3A_36 to %scan3A_38 step %scan3A_39 iter_args(%scan3A_43 = %scan3A_35) -> (i32)  : i32 {
        %mul3A_44 = arith.constant 640 : i32
        %mul3A_45 = arith.muli %arg1, %mul3A_44 : i32
        %mul3A_46 = arith.constant 64 : i32
        %mul3A_47 = arith.muli %scan3A_42, %mul3A_46 : i32
        %add3A = arith.addi %mul3A_45, %mul3A_47 : i32
        "tpu.region"() ({
          %run_scoped3A = tpu.sem_alloc : memref<!tpu.dma_semaphore, #tpu.memory_space<semaphore_mem>>
          %dma_start3A_54 = arith.constant 0 : i32
          %dma_start3A_55 = tpu.memref_slice %arg13[%add3A, %dma_start3A_54] : memref<10240x128xf32, #tpu.memory_space<vmem_shared>> -> memref<64x128xf32, #tpu.memory_space<vmem_shared>>
          %dma_start3A_56 = arith.constant 0 : i32
          %dma_start3A_57 = tpu.memref_slice %arg13[%add3A, %dma_start3A_56] : memref<10240x128xf32, #tpu.memory_space<vmem_shared>> -> memref<64x128xf32, #tpu.memory_space<vmem_shared>>
          tpu.enqueue_dma source(%dma_start3A_57 : memref<64x128xf32, #tpu.memory_space<vmem_shared>>) target(%arg12 : memref<64x128xf32, #tpu.memory_space<vmem>>) target_semaphore(%run_scoped3A : memref<!tpu.dma_semaphore, #tpu.memory_space<semaphore_mem>>)
          %dma_wait3A = arith.constant 0 : i32
          %dma_wait3A_58 = tpu.memref_slice %arg13[%add3A, %dma_wait3A] : memref<10240x128xf32, #tpu.memory_space<vmem_shared>> -> memref<64x128xf32, #tpu.memory_space<vmem_shared>>
          %dma_wait3A_59 = arith.constant 0 : i32
          %dma_wait3A_60 = tpu.memref_slice %arg13[%add3A, %dma_wait3A_59] : memref<10240x128xf32, #tpu.memory_space<vmem_shared>> -> memref<64x128xf32, #tpu.memory_space<vmem_shared>>
          tpu.wait_dma2 semaphore(%run_scoped3A : memref<!tpu.dma_semaphore, #tpu.memory_space<semaphore_mem>>) src(%dma_wait3A_60 : memref<64x128xf32, #tpu.memory_space<vmem_shared>>) dst(%arg12 : memref<64x128xf32, #tpu.memory_space<vmem>>)
          tpu.yield
        }) : () -> ()
        %mul3A_48 = arith.constant 640 : i32
        %mul3A_49 = arith.muli %arg1, %mul3A_48 : i32
        %mul3A_50 = arith.constant 64 : i32
        %mul3A_51 = arith.muli %scan3A_42, %mul3A_50 : i32
        %add3A_52 = arith.addi %mul3A_49, %mul3A_51 : i32
        "tpu.region"() ({
          %run_scoped3A = tpu.sem_alloc : memref<!tpu.dma_semaphore, #tpu.memory_space<semaphore_mem>>
          %dma_start3A_54 = arith.constant 0 : i32
          %dma_start3A_55 = tpu.memref_slice %arg6[%add3A_52, %dma_start3A_54] : memref<10240x128xf32, #tpu.memory_space<hbm>> -> memref<64x128xf32, #tpu.memory_space<hbm>>
          %dma_start3A_56 = arith.constant 0 : i32
          %dma_start3A_57 = tpu.memref_slice %arg6[%add3A_52, %dma_start3A_56] : memref<10240x128xf32, #tpu.memory_space<hbm>> -> memref<64x128xf32, #tpu.memory_space<hbm>>
          tpu.enqueue_dma source(%arg12 : memref<64x128xf32, #tpu.memory_space<vmem>>) target(%dma_start3A_57 : memref<64x128xf32, #tpu.memory_space<hbm>>) target_semaphore(%run_scoped3A : memref<!tpu.dma_semaphore, #tpu.memory_space<semaphore_mem>>)
          %dma_wait3A = arith.constant 0 : i32
          %dma_wait3A_58 = tpu.memref_slice %arg6[%add3A_52, %dma_wait3A] : memref<10240x128xf32, #tpu.memory_space<hbm>> -> memref<64x128xf32, #tpu.memory_space<hbm>>
          %dma_wait3A_59 = arith.constant 0 : i32
          %dma_wait3A_60 = tpu.memref_slice %arg6[%add3A_52, %dma_wait3A_59] : memref<10240x128xf32, #tpu.memory_space<hbm>> -> memref<64x128xf32, #tpu.memory_space<hbm>>
          tpu.wait_dma2 semaphore(%run_scoped3A : memref<!tpu.dma_semaphore, #tpu.memory_space<semaphore_mem>>) src(%arg12 : memref<64x128xf32, #tpu.memory_space<vmem>>) dst(%dma_wait3A_60 : memref<64x128xf32, #tpu.memory_space<hbm>>)
          tpu.yield
        }) : () -> ()
        %scan3A_53 = arith.constant 0 : i32
        scf.yield %scan3A_53 : i32
      }
      %scan3A_41 = arith.constant 10 : i32
    } else {
    }
    %eq3A_15 = arith.constant 1 : i32
    %eq3A_16 = arith.cmpi eq, %arg0, %eq3A_15 : i32
    %convert_element_type3A_17 = arith.extui %eq3A_16 : i1 to i32
    %cond3A_18 = arith.constant 0 : i32
    %cond3A_19 = arith.cmpi ne, %convert_element_type3A_17, %cond3A_18 : i32
    scf.if %cond3A_19 {
      %mul3A = arith.constant 80 : i32
      %mul3A_20 = arith.muli %arg1, %mul3A : i32
      "tpu.region"() ({
        %run_scoped3A = tpu.sem_alloc : memref<!tpu.dma_semaphore, #tpu.memory_space<semaphore_mem>>
        %dma_start3A_42 = arith.constant 0 : i32
        %dma_start3A_43 = arith.constant 0 : i32
        %dma_start3A_44 = tpu.memref_slice %arg8[%dma_start3A_42, %dma_start3A_43] : memref<16x125xi32, #tpu.memory_space<vmem>> -> memref<8x125xi32, #tpu.memory_space<vmem>>
        %dma_start3A_45 = arith.constant 0 : i32
        %dma_start3A_46 = tpu.memref_slice %arg4[%mul3A_20, %dma_start3A_45] : memref<1280x125xi32, #tpu.memory_space<hbm>> -> memref<8x125xi32, #tpu.memory_space<hbm>>
        %dma_start3A_47 = arith.constant 0 : i32
        %dma_start3A_48 = arith.constant 0 : i32
        %dma_start3A_49 = tpu.memref_slice %arg8[%dma_start3A_47, %dma_start3A_48] : memref<16x125xi32, #tpu.memory_space<vmem>> -> memref<8x125xi32, #tpu.memory_space<vmem>>
        %dma_start3A_50 = arith.constant 0 : i32
        %dma_start3A_51 = tpu.memref_slice %arg4[%mul3A_20, %dma_start3A_50] : memref<1280x125xi32, #tpu.memory_space<hbm>> -> memref<8x125xi32, #tpu.memory_space<hbm>>
        tpu.enqueue_dma source(%dma_start3A_51 : memref<8x125xi32, #tpu.memory_space<hbm>>) target(%dma_start3A_49 : memref<8x125xi32, #tpu.memory_space<vmem>>) target_semaphore(%run_scoped3A : memref<!tpu.dma_semaphore, #tpu.memory_space<semaphore_mem>>)
        %dma_wait3A = arith.constant 0 : i32
        %dma_wait3A_52 = arith.constant 0 : i32
        %dma_wait3A_53 = tpu.memref_slice %arg8[%dma_wait3A, %dma_wait3A_52] : memref<16x125xi32, #tpu.memory_space<vmem>> -> memref<8x125xi32, #tpu.memory_space<vmem>>
        %dma_wait3A_54 = arith.constant 0 : i32
        %dma_wait3A_55 = tpu.memref_slice %arg4[%mul3A_20, %dma_wait3A_54] : memref<1280x125xi32, #tpu.memory_space<hbm>> -> memref<8x125xi32, #tpu.memory_space<hbm>>
        %dma_wait3A_56 = arith.constant 0 : i32
        %dma_wait3A_57 = arith.constant 0 : i32
        %dma_wait3A_58 = tpu.memref_slice %arg8[%dma_wait3A_56, %dma_wait3A_57] : memref<16x125xi32, #tpu.memory_space<vmem>> -> memref<8x125xi32, #tpu.memory_space<vmem>>
        %dma_wait3A_59 = arith.constant 0 : i32
        %dma_wait3A_60 = tpu.memref_slice %arg4[%mul3A_20, %dma_wait3A_59] : memref<1280x125xi32, #tpu.memory_space<hbm>> -> memref<8x125xi32, #tpu.memory_space<hbm>>
        tpu.wait_dma2 semaphore(%run_scoped3A : memref<!tpu.dma_semaphore, #tpu.memory_space<semaphore_mem>>) src(%dma_wait3A_60 : memref<8x125xi32, #tpu.memory_space<hbm>>) dst(%dma_wait3A_58 : memref<8x125xi32, #tpu.memory_space<vmem>>)
        tpu.yield
      }) : () -> ()
      "tpu.region"() ({
        %run_scoped3A = tpu.sem_alloc : memref<!tpu.dma_semaphore, #tpu.memory_space<semaphore_mem>>
        %dma_start3A_42 = arith.constant 0 : i32
        %dma_start3A_43 = arith.constant 0 : i32
        %dma_start3A_44 = tpu.memref_slice %arg9[%dma_start3A_42, %dma_start3A_43] : memref<16x125xi32, #tpu.memory_space<vmem>> -> memref<8x125xi32, #tpu.memory_space<vmem>>
        %dma_start3A_45 = arith.constant 0 : i32
        %dma_start3A_46 = tpu.memref_slice %arg5[%mul3A_20, %dma_start3A_45] : memref<1280x125xi32, #tpu.memory_space<hbm>> -> memref<8x125xi32, #tpu.memory_space<hbm>>
        %dma_start3A_47 = arith.constant 0 : i32
        %dma_start3A_48 = arith.constant 0 : i32
        %dma_start3A_49 = tpu.memref_slice %arg9[%dma_start3A_47, %dma_start3A_48] : memref<16x125xi32, #tpu.memory_space<vmem>> -> memref<8x125xi32, #tpu.memory_space<vmem>>
        %dma_start3A_50 = arith.constant 0 : i32
        %dma_start3A_51 = tpu.memref_slice %arg5[%mul3A_20, %dma_start3A_50] : memref<1280x125xi32, #tpu.memory_space<hbm>> -> memref<8x125xi32, #tpu.memory_space<hbm>>
        tpu.enqueue_dma source(%dma_start3A_51 : memref<8x125xi32, #tpu.memory_space<hbm>>) target(%dma_start3A_49 : memref<8x125xi32, #tpu.memory_space<vmem>>) target_semaphore(%run_scoped3A : memref<!tpu.dma_semaphore, #tpu.memory_space<semaphore_mem>>)
        %dma_wait3A = arith.constant 0 : i32
        %dma_wait3A_52 = arith.constant 0 : i32
        %dma_wait3A_53 = tpu.memref_slice %arg9[%dma_wait3A, %dma_wait3A_52] : memref<16x125xi32, #tpu.memory_space<vmem>> -> memref<8x125xi32, #tpu.memory_space<vmem>>
        %dma_wait3A_54 = arith.constant 0 : i32
        %dma_wait3A_55 = tpu.memref_slice %arg5[%mul3A_20, %dma_wait3A_54] : memref<1280x125xi32, #tpu.memory_space<hbm>> -> memref<8x125xi32, #tpu.memory_space<hbm>>
        %dma_wait3A_56 = arith.constant 0 : i32
        %dma_wait3A_57 = arith.constant 0 : i32
        %dma_wait3A_58 = tpu.memref_slice %arg9[%dma_wait3A_56, %dma_wait3A_57] : memref<16x125xi32, #tpu.memory_space<vmem>> -> memref<8x125xi32, #tpu.memory_space<vmem>>
        %dma_wait3A_59 = arith.constant 0 : i32
        %dma_wait3A_60 = tpu.memref_slice %arg5[%mul3A_20, %dma_wait3A_59] : memref<1280x125xi32, #tpu.memory_space<hbm>> -> memref<8x125xi32, #tpu.memory_space<hbm>>
        tpu.wait_dma2 semaphore(%run_scoped3A : memref<!tpu.dma_semaphore, #tpu.memory_space<semaphore_mem>>) src(%dma_wait3A_60 : memref<8x125xi32, #tpu.memory_space<hbm>>) dst(%dma_wait3A_58 : memref<8x125xi32, #tpu.memory_space<vmem>>)
        tpu.yield
      }) : () -> ()
      %dma_start3A = arith.constant 0 : i32
      %dma_start3A_21 = arith.constant 0 : i32
      %dma_start3A_22 = tpu.memref_slice %arg8[%dma_start3A, %dma_start3A_21] : memref<16x125xi32, #tpu.memory_space<vmem>> -> memref<1x125xi32, #tpu.memory_space<vmem>>
      %dma_start3A_23 = tpu.memref_squeeze %dma_start3A_22 : memref<1x125xi32, #tpu.memory_space<vmem>> -> memref<125xi32, #tpu.memory_space<vmem>>
      %dma_start3A_24 = arith.constant 0 : i32
      %dma_start3A_25 = arith.constant 0 : i32
      %dma_start3A_26 = tpu.memref_slice %arg3[%dma_start3A_24, %dma_start3A_25] : memref<10000x128xf32, #tpu.memory_space<hbm>> -> memref<10000x128xf32, #tpu.memory_space<hbm>>
      tpu.enqueue_indirect_dma source(%dma_start3A_26 : memref<10000x128xf32, #tpu.memory_space<hbm>>) target(%arg10 : memref<125x128xf32, #tpu.memory_space<vmem>>) offsets(%dma_start3A_23 : memref<125xi32, #tpu.memory_space<vmem>>) semaphore(%arg14 : memref<!tpu.dma_semaphore, #tpu.memory_space<semaphore_mem>>)
      %scan3A_27 = arith.constant 0 : i32
      %scan3A_28 = arith.constant 0 : i32
      %scan3A_29 = arith.constant 40 : i32
      %scan3A_30 = arith.addi %scan3A_28, %scan3A_29 : i32
      %scan3A_31 = arith.constant 1 : i32
      %scan3A_32 = scf.for %scan3A_42 = %scan3A_28 to %scan3A_30 step %scan3A_31 iter_args(%scan3A_43 = %scan3A_27) -> (i32)  : i32 {
        %mul3A_44 = arith.constant 2 : i32
        %mul3A_45 = arith.muli %mul3A_44, %scan3A_42 : i32
        %add3A = arith.constant 1 : i32
        %add3A_46 = arith.addi %mul3A_45, %add3A : i32
        %jit3A = arith.constant 8 : i32
        %eq3A_47 = arith.constant 0 : i32
        %eq3A_48 = arith.cmpi eq, %jit3A, %eq3A_47 : i32
        %jit3A_49 = arith.constant 1 : i32
        %select_n3A = arith.select %eq3A_48, %jit3A_49, %jit3A : i32
        %rem3A = arith.remsi %mul3A_45, %select_n3A : i32
        %ne3A = arith.constant 0 : i32
        %ne3A_50 = arith.cmpi ne, %rem3A, %ne3A : i32
        %lt3A = arith.constant 0 : i32
        %lt3A_51 = arith.cmpi slt, %rem3A, %lt3A : i32
        %lt3A_52 = arith.constant 0 : i32
        %lt3A_53 = arith.cmpi slt, %select_n3A, %lt3A_52 : i32
        %ne3A_54 = arith.xori %lt3A_51, %lt3A_53 : i1
        %and3A = arith.andi %ne3A_54, %ne3A_50 : i1
        %add3A_55 = arith.addi %rem3A, %select_n3A : i32
        %select_n3A_56 = arith.select %and3A, %add3A_55, %rem3A : i32
        %eq3A_57 = arith.constant 0 : i32
        %eq3A_58 = arith.cmpi eq, %select_n3A_56, %eq3A_57 : i32
        %add3A_59 = arith.constant 8 : i32
        %add3A_60 = arith.addi %mul3A_45, %add3A_59 : i32
        %lt3A_61 = arith.constant 80 : i32
        %lt3A_62 = arith.cmpi slt, %add3A_60, %lt3A_61 : i32
        %and3A_63 = arith.andi %eq3A_58, %lt3A_62 : i1
        %convert_element_type3A_64 = arith.extui %and3A_63 : i1 to i32
        %cond3A_65 = arith.constant 0 : i32
        %cond3A_66 = arith.cmpi ne, %convert_element_type3A_64, %cond3A_65 : i32
        scf.if %cond3A_66 {
          %jit3A_207 = arith.constant 8 : i32
          %div3A_208 = arith.divsi %mul3A_45, %jit3A_207 : i32
          %sign3A_209 = arith.constant 0 : i32
          %sign3A_210 = arith.cmpi sgt, %mul3A_45, %sign3A_209 : i32
          %sign3A_211 = arith.extui %sign3A_210 : i1 to i32
          %sign3A_212 = arith.constant 0 : i32
          %sign3A_213 = arith.cmpi slt, %mul3A_45, %sign3A_212 : i32
          %sign3A_214 = arith.extui %sign3A_213 : i1 to i32
          %sign3A_215 = arith.subi %sign3A_211, %sign3A_214 : i32
          %sign3A_216 = arith.constant 0 : i32
          %sign3A_217 = arith.cmpi sgt, %jit3A_207, %sign3A_216 : i32
          %sign3A_218 = arith.extui %sign3A_217 : i1 to i32
          %sign3A_219 = arith.constant 0 : i32
          %sign3A_220 = arith.cmpi slt, %jit3A_207, %sign3A_219 : i32
          %sign3A_221 = arith.extui %sign3A_220 : i1 to i32
          %sign3A_222 = arith.subi %sign3A_218, %sign3A_221 : i32
          %ne3A_223 = arith.cmpi ne, %sign3A_215, %sign3A_222 : i32
          %rem3A_224 = arith.remsi %mul3A_45, %jit3A_207 : i32
          %ne3A_225 = arith.constant 0 : i32
          %ne3A_226 = arith.cmpi ne, %rem3A_224, %ne3A_225 : i32
          %and3A_227 = arith.andi %ne3A_223, %ne3A_226 : i1
          %sub3A_228 = arith.constant 1 : i32
          %sub3A_229 = arith.subi %div3A_208, %sub3A_228 : i32
          %select_n3A_230 = arith.select %and3A_227, %sub3A_229, %div3A_208 : i32
          %add3A_231 = arith.constant 1 : i32
          %add3A_232 = arith.addi %select_n3A_230, %add3A_231 : i32
          %jit3A_233 = arith.constant 2 : i32
          %eq3A_234 = arith.constant 0 : i32
          %eq3A_235 = arith.cmpi eq, %jit3A_233, %eq3A_234 : i32
          %jit3A_236 = arith.constant 1 : i32
          %select_n3A_237 = arith.select %eq3A_235, %jit3A_236, %jit3A_233 : i32
          %rem3A_238 = arith.remsi %add3A_232, %select_n3A_237 : i32
          %ne3A_239 = arith.constant 0 : i32
          %ne3A_240 = arith.cmpi ne, %rem3A_238, %ne3A_239 : i32
          %lt3A_241 = arith.constant 0 : i32
          %lt3A_242 = arith.cmpi slt, %rem3A_238, %lt3A_241 : i32
          %lt3A_243 = arith.constant 0 : i32
          %lt3A_244 = arith.cmpi slt, %select_n3A_237, %lt3A_243 : i32
          %ne3A_245 = arith.xori %lt3A_242, %lt3A_244 : i1
          %and3A_246 = arith.andi %ne3A_245, %ne3A_240 : i1
          %add3A_247 = arith.addi %rem3A_238, %select_n3A_237 : i32
          %select_n3A_248 = arith.select %and3A_246, %add3A_247, %rem3A_238 : i32
          %mul3A_249 = arith.constant 8 : i32
          %mul3A_250 = arith.muli %select_n3A_248, %mul3A_249 : i32
          %multiple_of3A = tpu.assume_multiple %mul3A_250, 8 : i32
          %mul3A_251 = arith.constant 8 : i32
          %mul3A_252 = arith.muli %add3A_232, %mul3A_251 : i32
          %add3A_253 = arith.addi %mul3A_20, %mul3A_252 : i32
          %dma_start3A_254 = arith.constant 0 : i32
          %dma_start3A_255 = tpu.memref_slice %arg8[%multiple_of3A, %dma_start3A_254] : memref<16x125xi32, #tpu.memory_space<vmem>> -> memref<8x125xi32, #tpu.memory_space<vmem>>
          %dma_start3A_256 = arith.constant 0 : i32
          %dma_start3A_257 = tpu.memref_slice %arg4[%add3A_253, %dma_start3A_256] : memref<1280x125xi32, #tpu.memory_space<hbm>> -> memref<8x125xi32, #tpu.memory_space<hbm>>
          %dma_start3A_258 = arith.constant 0 : i32
          %dma_start3A_259 = tpu.memref_slice %arg8[%multiple_of3A, %dma_start3A_258] : memref<16x125xi32, #tpu.memory_space<vmem>> -> memref<8x125xi32, #tpu.memory_space<vmem>>
          %dma_start3A_260 = arith.constant 0 : i32
          %dma_start3A_261 = tpu.memref_slice %arg4[%add3A_253, %dma_start3A_260] : memref<1280x125xi32, #tpu.memory_space<hbm>> -> memref<8x125xi32, #tpu.memory_space<hbm>>
          tpu.enqueue_dma source(%dma_start3A_261 : memref<8x125xi32, #tpu.memory_space<hbm>>) target(%dma_start3A_259 : memref<8x125xi32, #tpu.memory_space<vmem>>) target_semaphore(%arg16 : memref<!tpu.dma_semaphore, #tpu.memory_space<semaphore_mem>>)
          %mul3A_262 = arith.constant 8 : i32
          %mul3A_263 = arith.muli %add3A_232, %mul3A_262 : i32
          %add3A_264 = arith.addi %mul3A_20, %mul3A_263 : i32
          %dma_start3A_265 = arith.constant 0 : i32
          %dma_start3A_266 = tpu.memref_slice %arg9[%multiple_of3A, %dma_start3A_265] : memref<16x125xi32, #tpu.memory_space<vmem>> -> memref<8x125xi32, #tpu.memory_space<vmem>>
          %dma_start3A_267 = arith.constant 0 : i32
          %dma_start3A_268 = tpu.memref_slice %arg5[%add3A_264, %dma_start3A_267] : memref<1280x125xi32, #tpu.memory_space<hbm>> -> memref<8x125xi32, #tpu.memory_space<hbm>>
          %dma_start3A_269 = arith.constant 0 : i32
          %dma_start3A_270 = tpu.memref_slice %arg9[%multiple_of3A, %dma_start3A_269] : memref<16x125xi32, #tpu.memory_space<vmem>> -> memref<8x125xi32, #tpu.memory_space<vmem>>
          %dma_start3A_271 = arith.constant 0 : i32
          %dma_start3A_272 = tpu.memref_slice %arg5[%add3A_264, %dma_start3A_271] : memref<1280x125xi32, #tpu.memory_space<hbm>> -> memref<8x125xi32, #tpu.memory_space<hbm>>
          tpu.enqueue_dma source(%dma_start3A_272 : memref<8x125xi32, #tpu.memory_space<hbm>>) target(%dma_start3A_270 : memref<8x125xi32, #tpu.memory_space<vmem>>) target_semaphore(%arg17 : memref<!tpu.dma_semaphore, #tpu.memory_space<semaphore_mem>>)
        } else {
        }
        %jit3A_67 = arith.constant 8 : i32
        %div3A = arith.divsi %mul3A_45, %jit3A_67 : i32
        %sign3A = arith.constant 0 : i32
        %sign3A_68 = arith.cmpi sgt, %mul3A_45, %sign3A : i32
        %sign3A_69 = arith.extui %sign3A_68 : i1 to i32
        %sign3A_70 = arith.constant 0 : i32
        %sign3A_71 = arith.cmpi slt, %mul3A_45, %sign3A_70 : i32
        %sign3A_72 = arith.extui %sign3A_71 : i1 to i32
        %sign3A_73 = arith.subi %sign3A_69, %sign3A_72 : i32
        %sign3A_74 = arith.constant 0 : i32
        %sign3A_75 = arith.cmpi sgt, %jit3A_67, %sign3A_74 : i32
        %sign3A_76 = arith.extui %sign3A_75 : i1 to i32
        %sign3A_77 = arith.constant 0 : i32
        %sign3A_78 = arith.cmpi slt, %jit3A_67, %sign3A_77 : i32
        %sign3A_79 = arith.extui %sign3A_78 : i1 to i32
        %sign3A_80 = arith.subi %sign3A_76, %sign3A_79 : i32
        %ne3A_81 = arith.cmpi ne, %sign3A_73, %sign3A_80 : i32
        %rem3A_82 = arith.remsi %mul3A_45, %jit3A_67 : i32
        %ne3A_83 = arith.constant 0 : i32
        %ne3A_84 = arith.cmpi ne, %rem3A_82, %ne3A_83 : i32
        %and3A_85 = arith.andi %ne3A_81, %ne3A_84 : i1
        %sub3A = arith.constant 1 : i32
        %sub3A_86 = arith.subi %div3A, %sub3A : i32
        %select_n3A_87 = arith.select %and3A_85, %sub3A_86, %div3A : i32
        %jit3A_88 = arith.constant 2 : i32
        %eq3A_89 = arith.constant 0 : i32
        %eq3A_90 = arith.cmpi eq, %jit3A_88, %eq3A_89 : i32
        %jit3A_91 = arith.constant 1 : i32
        %select_n3A_92 = arith.select %eq3A_90, %jit3A_91, %jit3A_88 : i32
        %rem3A_93 = arith.remsi %select_n3A_87, %select_n3A_92 : i32
        %ne3A_94 = arith.constant 0 : i32
        %ne3A_95 = arith.cmpi ne, %rem3A_93, %ne3A_94 : i32
        %lt3A_96 = arith.constant 0 : i32
        %lt3A_97 = arith.cmpi slt, %rem3A_93, %lt3A_96 : i32
        %lt3A_98 = arith.constant 0 : i32
        %lt3A_99 = arith.cmpi slt, %select_n3A_92, %lt3A_98 : i32
        %ne3A_100 = arith.xori %lt3A_97, %lt3A_99 : i1
        %and3A_101 = arith.andi %ne3A_100, %ne3A_95 : i1
        %add3A_102 = arith.addi %rem3A_93, %select_n3A_92 : i32
        %select_n3A_103 = arith.select %and3A_101, %add3A_102, %rem3A_93 : i32
        %mul3A_104 = arith.constant 8 : i32
        %mul3A_105 = arith.muli %select_n3A_103, %mul3A_104 : i32
        %jit3A_106 = arith.constant 8 : i32
        %eq3A_107 = arith.constant 0 : i32
        %eq3A_108 = arith.cmpi eq, %jit3A_106, %eq3A_107 : i32
        %jit3A_109 = arith.constant 1 : i32
        %select_n3A_110 = arith.select %eq3A_108, %jit3A_109, %jit3A_106 : i32
        %rem3A_111 = arith.remsi %mul3A_45, %select_n3A_110 : i32
        %ne3A_112 = arith.constant 0 : i32
        %ne3A_113 = arith.cmpi ne, %rem3A_111, %ne3A_112 : i32
        %lt3A_114 = arith.constant 0 : i32
        %lt3A_115 = arith.cmpi slt, %rem3A_111, %lt3A_114 : i32
        %lt3A_116 = arith.constant 0 : i32
        %lt3A_117 = arith.cmpi slt, %select_n3A_110, %lt3A_116 : i32
        %ne3A_118 = arith.xori %lt3A_115, %lt3A_117 : i1
        %and3A_119 = arith.andi %ne3A_118, %ne3A_113 : i1
        %add3A_120 = arith.addi %rem3A_111, %select_n3A_110 : i32
        %select_n3A_121 = arith.select %and3A_119, %add3A_120, %rem3A_111 : i32
        %add3A_122 = arith.addi %mul3A_105, %select_n3A_121 : i32
        %jit3A_123 = arith.constant 8 : i32
        %div3A_124 = arith.divsi %add3A_46, %jit3A_123 : i32
        %sign3A_125 = arith.constant 0 : i32
        %sign3A_126 = arith.cmpi sgt, %add3A_46, %sign3A_125 : i32
        %sign3A_127 = arith.extui %sign3A_126 : i1 to i32
        %sign3A_128 = arith.constant 0 : i32
        %sign3A_129 = arith.cmpi slt, %add3A_46, %sign3A_128 : i32
        %sign3A_130 = arith.extui %sign3A_129 : i1 to i32
        %sign3A_131 = arith.subi %sign3A_127, %sign3A_130 : i32
        %sign3A_132 = arith.constant 0 : i32
        %sign3A_133 = arith.cmpi sgt, %jit3A_123, %sign3A_132 : i32
        %sign3A_134 = arith.extui %sign3A_133 : i1 to i32
        %sign3A_135 = arith.constant 0 : i32
        %sign3A_136 = arith.cmpi slt, %jit3A_123, %sign3A_135 : i32
        %sign3A_137 = arith.extui %sign3A_136 : i1 to i32
        %sign3A_138 = arith.subi %sign3A_134, %sign3A_137 : i32
        %ne3A_139 = arith.cmpi ne, %sign3A_131, %sign3A_138 : i32
        %rem3A_140 = arith.remsi %add3A_46, %jit3A_123 : i32
        %ne3A_141 = arith.constant 0 : i32
        %ne3A_142 = arith.cmpi ne, %rem3A_140, %ne3A_141 : i32
        %and3A_143 = arith.andi %ne3A_139, %ne3A_142 : i1
        %sub3A_144 = arith.constant 1 : i32
        %sub3A_145 = arith.subi %div3A_124, %sub3A_144 : i32
        %select_n3A_146 = arith.select %and3A_143, %sub3A_145, %div3A_124 : i32
        %jit3A_147 = arith.constant 2 : i32
        %eq3A_148 = arith.constant 0 : i32
        %eq3A_149 = arith.cmpi eq, %jit3A_147, %eq3A_148 : i32
        %jit3A_150 = arith.constant 1 : i32
        %select_n3A_151 = arith.select %eq3A_149, %jit3A_150, %jit3A_147 : i32
        %rem3A_152 = arith.remsi %select_n3A_146, %select_n3A_151 : i32
        %ne3A_153 = arith.constant 0 : i32
        %ne3A_154 = arith.cmpi ne, %rem3A_152, %ne3A_153 : i32
        %lt3A_155 = arith.constant 0 : i32
        %lt3A_156 = arith.cmpi slt, %rem3A_152, %lt3A_155 : i32
        %lt3A_157 = arith.constant 0 : i32
        %lt3A_158 = arith.cmpi slt, %select_n3A_151, %lt3A_157 : i32
        %ne3A_159 = arith.xori %lt3A_156, %lt3A_158 : i1
        %and3A_160 = arith.andi %ne3A_159, %ne3A_154 : i1
        %add3A_161 = arith.addi %rem3A_152, %select_n3A_151 : i32
        %select_n3A_162 = arith.select %and3A_160, %add3A_161, %rem3A_152 : i32
        %mul3A_163 = arith.constant 8 : i32
        %mul3A_164 = arith.muli %select_n3A_162, %mul3A_163 : i32
        %jit3A_165 = arith.constant 8 : i32
        %eq3A_166 = arith.constant 0 : i32
        %eq3A_167 = arith.cmpi eq, %jit3A_165, %eq3A_166 : i32
        %jit3A_168 = arith.constant 1 : i32
        %select_n3A_169 = arith.select %eq3A_167, %jit3A_168, %jit3A_165 : i32
        %rem3A_170 = arith.remsi %add3A_46, %select_n3A_169 : i32
        %ne3A_171 = arith.constant 0 : i32
        %ne3A_172 = arith.cmpi ne, %rem3A_170, %ne3A_171 : i32
        %lt3A_173 = arith.constant 0 : i32
        %lt3A_174 = arith.cmpi slt, %rem3A_170, %lt3A_173 : i32
        %lt3A_175 = arith.constant 0 : i32
        %lt3A_176 = arith.cmpi slt, %select_n3A_169, %lt3A_175 : i32
        %ne3A_177 = arith.xori %lt3A_174, %lt3A_176 : i1
        %and3A_178 = arith.andi %ne3A_177, %ne3A_172 : i1
        %add3A_179 = arith.addi %rem3A_170, %select_n3A_169 : i32
        %select_n3A_180 = arith.select %and3A_178, %add3A_179, %rem3A_170 : i32
        %add3A_181 = arith.addi %mul3A_164, %select_n3A_180 : i32
        %dma_start3A_182 = arith.constant 0 : i32
        %dma_start3A_183 = tpu.memref_slice %arg8[%add3A_181, %dma_start3A_182] : memref<16x125xi32, #tpu.memory_space<vmem>> -> memref<1x125xi32, #tpu.memory_space<vmem>>
        %dma_start3A_184 = tpu.memref_squeeze %dma_start3A_183 : memref<1x125xi32, #tpu.memory_space<vmem>> -> memref<125xi32, #tpu.memory_space<vmem>>
        %dma_start3A_185 = arith.constant 0 : i32
        %dma_start3A_186 = arith.constant 0 : i32
        %dma_start3A_187 = tpu.memref_slice %arg3[%dma_start3A_185, %dma_start3A_186] : memref<10000x128xf32, #tpu.memory_space<hbm>> -> memref<10000x128xf32, #tpu.memory_space<hbm>>
        tpu.enqueue_indirect_dma source(%dma_start3A_187 : memref<10000x128xf32, #tpu.memory_space<hbm>>) target(%arg11 : memref<125x128xf32, #tpu.memory_space<vmem>>) offsets(%dma_start3A_184 : memref<125xi32, #tpu.memory_space<vmem>>) semaphore(%arg15 : memref<!tpu.dma_semaphore, #tpu.memory_space<semaphore_mem>>)
        %dma_wait3A = arith.constant 0 : i32
        %dma_wait3A_188 = tpu.memref_slice %arg8[%add3A_122, %dma_wait3A] : memref<16x125xi32, #tpu.memory_space<vmem>> -> memref<1x125xi32, #tpu.memory_space<vmem>>
        %dma_wait3A_189 = tpu.memref_squeeze %dma_wait3A_188 : memref<1x125xi32, #tpu.memory_space<vmem>> -> memref<125xi32, #tpu.memory_space<vmem>>
        %dma_wait3A_190 = arith.constant 0 : i32
        %dma_wait3A_191 = arith.constant 0 : i32
        %dma_wait3A_192 = tpu.memref_slice %arg3[%dma_wait3A_190, %dma_wait3A_191] : memref<10000x128xf32, #tpu.memory_space<hbm>> -> memref<10000x128xf32, #tpu.memory_space<hbm>>
        tpu.wait_indirect_dma semaphore(%arg14 : memref<!tpu.dma_semaphore, #tpu.memory_space<semaphore_mem>>) src(%dma_wait3A_192 : memref<10000x128xf32, #tpu.memory_space<hbm>>) dst(%arg10 : memref<125x128xf32, #tpu.memory_space<vmem>>)
        "tpu.region"() ({
          %run_scoped3A = tpu.sem_alloc : memref<!tpu.dma_semaphore, #tpu.memory_space<semaphore_mem>>
          %dma_start3A_207 = arith.constant 0 : i32
          %dma_start3A_208 = tpu.memref_slice %arg9[%add3A_122, %dma_start3A_207] : memref<16x125xi32, #tpu.memory_space<vmem>> -> memref<1x125xi32, #tpu.memory_space<vmem>>
          %dma_start3A_209 = tpu.memref_squeeze %dma_start3A_208 : memref<1x125xi32, #tpu.memory_space<vmem>> -> memref<125xi32, #tpu.memory_space<vmem>>
          %dma_start3A_210 = arith.constant 0 : i32
          %dma_start3A_211 = arith.constant 0 : i32
          %dma_start3A_212 = tpu.memref_slice %arg13[%dma_start3A_210, %dma_start3A_211] : memref<10240x128xf32, #tpu.memory_space<vmem_shared>> -> memref<10240x128xf32, #tpu.memory_space<vmem_shared>>
          tpu.enqueue_indirect_dma source(%arg10 : memref<125x128xf32, #tpu.memory_space<vmem>>) target(%dma_start3A_212 : memref<10240x128xf32, #tpu.memory_space<vmem_shared>>) offsets(%dma_start3A_209 : memref<125xi32, #tpu.memory_space<vmem>>) semaphore(%run_scoped3A : memref<!tpu.dma_semaphore, #tpu.memory_space<semaphore_mem>>) {add = true}
          %dma_wait3A_213 = arith.constant 0 : i32
          %dma_wait3A_214 = tpu.memref_slice %arg9[%add3A_122, %dma_wait3A_213] : memref<16x125xi32, #tpu.memory_space<vmem>> -> memref<1x125xi32, #tpu.memory_space<vmem>>
          %dma_wait3A_215 = tpu.memref_squeeze %dma_wait3A_214 : memref<1x125xi32, #tpu.memory_space<vmem>> -> memref<125xi32, #tpu.memory_space<vmem>>
          %dma_wait3A_216 = arith.constant 0 : i32
          %dma_wait3A_217 = arith.constant 0 : i32
          %dma_wait3A_218 = tpu.memref_slice %arg13[%dma_wait3A_216, %dma_wait3A_217] : memref<10240x128xf32, #tpu.memory_space<vmem_shared>> -> memref<10240x128xf32, #tpu.memory_space<vmem_shared>>
          tpu.wait_indirect_dma semaphore(%run_scoped3A : memref<!tpu.dma_semaphore, #tpu.memory_space<semaphore_mem>>) src(%arg10 : memref<125x128xf32, #tpu.memory_space<vmem>>) dst(%dma_wait3A_218 : memref<10240x128xf32, #tpu.memory_space<vmem_shared>>)
          tpu.yield
        }) : () -> ()
        %add3A_193 = arith.constant 2 : i32
        %add3A_194 = arith.addi %mul3A_45, %add3A_193 : i32
        %lt3A_195 = arith.constant 80 : i32
        %lt3A_196 = arith.cmpi slt, %add3A_194, %lt3A_195 : i32
        %convert_element_type3A_197 = arith.extui %lt3A_196 : i1 to i32
        %cond3A_198 = arith.constant 0 : i32
        %cond3A_199 = arith.cmpi ne, %convert_element_type3A_197, %cond3A_198 : i32
        scf.if %cond3A_199 {
          %add3A_207 = arith.constant 2 : i32
          %add3A_208 = arith.addi %mul3A_45, %add3A_207 : i32
          %jit3A_209 = arith.constant 8 : i32
          %eq3A_210 = arith.constant 0 : i32
          %eq3A_211 = arith.cmpi eq, %jit3A_209, %eq3A_210 : i32
          %jit3A_212 = arith.constant 1 : i32
          %select_n3A_213 = arith.select %eq3A_211, %jit3A_212, %jit3A_209 : i32
          %rem3A_214 = arith.remsi %add3A_208, %select_n3A_213 : i32
          %ne3A_215 = arith.constant 0 : i32
          %ne3A_216 = arith.cmpi ne, %rem3A_214, %ne3A_215 : i32
          %lt3A_217 = arith.constant 0 : i32
          %lt3A_218 = arith.cmpi slt, %rem3A_214, %lt3A_217 : i32
          %lt3A_219 = arith.constant 0 : i32
          %lt3A_220 = arith.cmpi slt, %select_n3A_213, %lt3A_219 : i32
          %ne3A_221 = arith.xori %lt3A_218, %lt3A_220 : i1
          %and3A_222 = arith.andi %ne3A_221, %ne3A_216 : i1
          %add3A_223 = arith.addi %rem3A_214, %select_n3A_213 : i32
          %select_n3A_224 = arith.select %and3A_222, %add3A_223, %rem3A_214 : i32
          %eq3A_225 = arith.constant 0 : i32
          %eq3A_226 = arith.cmpi eq, %select_n3A_224, %eq3A_225 : i32
          %convert_element_type3A_227 = arith.extui %eq3A_226 : i1 to i32
          %cond3A_228 = arith.constant 0 : i32
          %cond3A_229 = arith.cmpi ne, %convert_element_type3A_227, %cond3A_228 : i32
          scf.if %cond3A_229 {
            %dma_wait3A_297 = arith.constant 0 : i32
            %dma_wait3A_298 = arith.constant 0 : i32
            %dma_wait3A_299 = tpu.memref_slice %arg8[%dma_wait3A_297, %dma_wait3A_298] : memref<16x125xi32, #tpu.memory_space<vmem>> -> memref<8x125xi32, #tpu.memory_space<vmem>>
            %dma_wait3A_300 = arith.constant 0 : i32
            %dma_wait3A_301 = tpu.memref_slice %arg4[%mul3A_20, %dma_wait3A_300] : memref<1280x125xi32, #tpu.memory_space<hbm>> -> memref<8x125xi32, #tpu.memory_space<hbm>>
            %dma_wait3A_302 = arith.constant 0 : i32
            %dma_wait3A_303 = arith.constant 0 : i32
            %dma_wait3A_304 = tpu.memref_slice %arg8[%dma_wait3A_302, %dma_wait3A_303] : memref<16x125xi32, #tpu.memory_space<vmem>> -> memref<8x125xi32, #tpu.memory_space<vmem>>
            %dma_wait3A_305 = arith.constant 0 : i32
            %dma_wait3A_306 = tpu.memref_slice %arg4[%mul3A_20, %dma_wait3A_305] : memref<1280x125xi32, #tpu.memory_space<hbm>> -> memref<8x125xi32, #tpu.memory_space<hbm>>
            tpu.wait_dma2 semaphore(%arg16 : memref<!tpu.dma_semaphore, #tpu.memory_space<semaphore_mem>>) src(%dma_wait3A_306 : memref<8x125xi32, #tpu.memory_space<hbm>>) dst(%dma_wait3A_304 : memref<8x125xi32, #tpu.memory_space<vmem>>)
            %dma_wait3A_307 = arith.constant 0 : i32
            %dma_wait3A_308 = arith.constant 0 : i32
            %dma_wait3A_309 = tpu.memref_slice %arg9[%dma_wait3A_307, %dma_wait3A_308] : memref<16x125xi32, #tpu.memory_space<vmem>> -> memref<8x125xi32, #tpu.memory_space<vmem>>
            %dma_wait3A_310 = arith.constant 0 : i32
            %dma_wait3A_311 = tpu.memref_slice %arg5[%mul3A_20, %dma_wait3A_310] : memref<1280x125xi32, #tpu.memory_space<hbm>> -> memref<8x125xi32, #tpu.memory_space<hbm>>
            %dma_wait3A_312 = arith.constant 0 : i32
            %dma_wait3A_313 = arith.constant 0 : i32
            %dma_wait3A_314 = tpu.memref_slice %arg9[%dma_wait3A_312, %dma_wait3A_313] : memref<16x125xi32, #tpu.memory_space<vmem>> -> memref<8x125xi32, #tpu.memory_space<vmem>>
            %dma_wait3A_315 = arith.constant 0 : i32
            %dma_wait3A_316 = tpu.memref_slice %arg5[%mul3A_20, %dma_wait3A_315] : memref<1280x125xi32, #tpu.memory_space<hbm>> -> memref<8x125xi32, #tpu.memory_space<hbm>>
            tpu.wait_dma2 semaphore(%arg17 : memref<!tpu.dma_semaphore, #tpu.memory_space<semaphore_mem>>) src(%dma_wait3A_316 : memref<8x125xi32, #tpu.memory_space<hbm>>) dst(%dma_wait3A_314 : memref<8x125xi32, #tpu.memory_space<vmem>>)
          } else {
          }
          %add3A_230 = arith.constant 2 : i32
          %add3A_231 = arith.addi %mul3A_45, %add3A_230 : i32
          %jit3A_232 = arith.constant 8 : i32
          %div3A_233 = arith.divsi %add3A_231, %jit3A_232 : i32
          %sign3A_234 = arith.constant 0 : i32
          %sign3A_235 = arith.cmpi sgt, %add3A_231, %sign3A_234 : i32
          %sign3A_236 = arith.extui %sign3A_235 : i1 to i32
          %sign3A_237 = arith.constant 0 : i32
          %sign3A_238 = arith.cmpi slt, %add3A_231, %sign3A_237 : i32
          %sign3A_239 = arith.extui %sign3A_238 : i1 to i32
          %sign3A_240 = arith.subi %sign3A_236, %sign3A_239 : i32
          %sign3A_241 = arith.constant 0 : i32
          %sign3A_242 = arith.cmpi sgt, %jit3A_232, %sign3A_241 : i32
          %sign3A_243 = arith.extui %sign3A_242 : i1 to i32
          %sign3A_244 = arith.constant 0 : i32
          %sign3A_245 = arith.cmpi slt, %jit3A_232, %sign3A_244 : i32
          %sign3A_246 = arith.extui %sign3A_245 : i1 to i32
          %sign3A_247 = arith.subi %sign3A_243, %sign3A_246 : i32
          %ne3A_248 = arith.cmpi ne, %sign3A_240, %sign3A_247 : i32
          %rem3A_249 = arith.remsi %add3A_231, %jit3A_232 : i32
          %ne3A_250 = arith.constant 0 : i32
          %ne3A_251 = arith.cmpi ne, %rem3A_249, %ne3A_250 : i32
          %and3A_252 = arith.andi %ne3A_248, %ne3A_251 : i1
          %sub3A_253 = arith.constant 1 : i32
          %sub3A_254 = arith.subi %div3A_233, %sub3A_253 : i32
          %select_n3A_255 = arith.select %and3A_252, %sub3A_254, %div3A_233 : i32
          %jit3A_256 = arith.constant 2 : i32
          %eq3A_257 = arith.constant 0 : i32
          %eq3A_258 = arith.cmpi eq, %jit3A_256, %eq3A_257 : i32
          %jit3A_259 = arith.constant 1 : i32
          %select_n3A_260 = arith.select %eq3A_258, %jit3A_259, %jit3A_256 : i32
          %rem3A_261 = arith.remsi %select_n3A_255, %select_n3A_260 : i32
          %ne3A_262 = arith.constant 0 : i32
          %ne3A_263 = arith.cmpi ne, %rem3A_261, %ne3A_262 : i32
          %lt3A_264 = arith.constant 0 : i32
          %lt3A_265 = arith.cmpi slt, %rem3A_261, %lt3A_264 : i32
          %lt3A_266 = arith.constant 0 : i32
          %lt3A_267 = arith.cmpi slt, %select_n3A_260, %lt3A_266 : i32
          %ne3A_268 = arith.xori %lt3A_265, %lt3A_267 : i1
          %and3A_269 = arith.andi %ne3A_268, %ne3A_263 : i1
          %add3A_270 = arith.addi %rem3A_261, %select_n3A_260 : i32
          %select_n3A_271 = arith.select %and3A_269, %add3A_270, %rem3A_261 : i32
          %mul3A_272 = arith.constant 8 : i32
          %mul3A_273 = arith.muli %select_n3A_271, %mul3A_272 : i32
          %jit3A_274 = arith.constant 8 : i32
          %eq3A_275 = arith.constant 0 : i32
          %eq3A_276 = arith.cmpi eq, %jit3A_274, %eq3A_275 : i32
          %jit3A_277 = arith.constant 1 : i32
          %select_n3A_278 = arith.select %eq3A_276, %jit3A_277, %jit3A_274 : i32
          %rem3A_279 = arith.remsi %add3A_231, %select_n3A_278 : i32
          %ne3A_280 = arith.constant 0 : i32
          %ne3A_281 = arith.cmpi ne, %rem3A_279, %ne3A_280 : i32
          %lt3A_282 = arith.constant 0 : i32
          %lt3A_283 = arith.cmpi slt, %rem3A_279, %lt3A_282 : i32
          %lt3A_284 = arith.constant 0 : i32
          %lt3A_285 = arith.cmpi slt, %select_n3A_278, %lt3A_284 : i32
          %ne3A_286 = arith.xori %lt3A_283, %lt3A_285 : i1
          %and3A_287 = arith.andi %ne3A_286, %ne3A_281 : i1
          %add3A_288 = arith.addi %rem3A_279, %select_n3A_278 : i32
          %select_n3A_289 = arith.select %and3A_287, %add3A_288, %rem3A_279 : i32
          %add3A_290 = arith.addi %mul3A_273, %select_n3A_289 : i32
          %dma_start3A_291 = arith.constant 0 : i32
          %dma_start3A_292 = tpu.memref_slice %arg8[%add3A_290, %dma_start3A_291] : memref<16x125xi32, #tpu.memory_space<vmem>> -> memref<1x125xi32, #tpu.memory_space<vmem>>
          %dma_start3A_293 = tpu.memref_squeeze %dma_start3A_292 : memref<1x125xi32, #tpu.memory_space<vmem>> -> memref<125xi32, #tpu.memory_space<vmem>>
          %dma_start3A_294 = arith.constant 0 : i32
          %dma_start3A_295 = arith.constant 0 : i32
          %dma_start3A_296 = tpu.memref_slice %arg3[%dma_start3A_294, %dma_start3A_295] : memref<10000x128xf32, #tpu.memory_space<hbm>> -> memref<10000x128xf32, #tpu.memory_space<hbm>>
          tpu.enqueue_indirect_dma source(%dma_start3A_296 : memref<10000x128xf32, #tpu.memory_space<hbm>>) target(%arg10 : memref<125x128xf32, #tpu.memory_space<vmem>>) offsets(%dma_start3A_293 : memref<125xi32, #tpu.memory_space<vmem>>) semaphore(%arg14 : memref<!tpu.dma_semaphore, #tpu.memory_space<semaphore_mem>>)
        } else {
        }
        %dma_wait3A_200 = arith.constant 0 : i32
        %dma_wait3A_201 = tpu.memref_slice %arg8[%add3A_181, %dma_wait3A_200] : memref<16x125xi32, #tpu.memory_space<vmem>> -> memref<1x125xi32, #tpu.memory_space<vmem>>
        %dma_wait3A_202 = tpu.memref_squeeze %dma_wait3A_201 : memref<1x125xi32, #tpu.memory_space<vmem>> -> memref<125xi32, #tpu.memory_space<vmem>>
        %dma_wait3A_203 = arith.constant 0 : i32
        %dma_wait3A_204 = arith.constant 0 : i32
        %dma_wait3A_205 = tpu.memref_slice %arg3[%dma_wait3A_203, %dma_wait3A_204] : memref<10000x128xf32, #tpu.memory_space<hbm>> -> memref<10000x128xf32, #tpu.memory_space<hbm>>
        tpu.wait_indirect_dma semaphore(%arg15 : memref<!tpu.dma_semaphore, #tpu.memory_space<semaphore_mem>>) src(%dma_wait3A_205 : memref<10000x128xf32, #tpu.memory_space<hbm>>) dst(%arg11 : memref<125x128xf32, #tpu.memory_space<vmem>>)
        "tpu.region"() ({
          %run_scoped3A = tpu.sem_alloc : memref<!tpu.dma_semaphore, #tpu.memory_space<semaphore_mem>>
          %dma_start3A_207 = arith.constant 0 : i32
          %dma_start3A_208 = tpu.memref_slice %arg9[%add3A_181, %dma_start3A_207] : memref<16x125xi32, #tpu.memory_space<vmem>> -> memref<1x125xi32, #tpu.memory_space<vmem>>
          %dma_start3A_209 = tpu.memref_squeeze %dma_start3A_208 : memref<1x125xi32, #tpu.memory_space<vmem>> -> memref<125xi32, #tpu.memory_space<vmem>>
          %dma_start3A_210 = arith.constant 0 : i32
          %dma_start3A_211 = arith.constant 0 : i32
          %dma_start3A_212 = tpu.memref_slice %arg13[%dma_start3A_210, %dma_start3A_211] : memref<10240x128xf32, #tpu.memory_space<vmem_shared>> -> memref<10240x128xf32, #tpu.memory_space<vmem_shared>>
          tpu.enqueue_indirect_dma source(%arg11 : memref<125x128xf32, #tpu.memory_space<vmem>>) target(%dma_start3A_212 : memref<10240x128xf32, #tpu.memory_space<vmem_shared>>) offsets(%dma_start3A_209 : memref<125xi32, #tpu.memory_space<vmem>>) semaphore(%run_scoped3A : memref<!tpu.dma_semaphore, #tpu.memory_space<semaphore_mem>>) {add = true}
          %dma_wait3A_213 = arith.constant 0 : i32
          %dma_wait3A_214 = tpu.memref_slice %arg9[%add3A_181, %dma_wait3A_213] : memref<16x125xi32, #tpu.memory_space<vmem>> -> memref<1x125xi32, #tpu.memory_space<vmem>>
          %dma_wait3A_215 = tpu.memref_squeeze %dma_wait3A_214 : memref<1x125xi32, #tpu.memory_space<vmem>> -> memref<125xi32, #tpu.memory_space<vmem>>
          %dma_wait3A_216 = arith.constant 0 : i32
          %dma_wait3A_217 = arith.constant 0 : i32
          %dma_wait3A_218 = tpu.memref_slice %arg13[%dma_wait3A_216, %dma_wait3A_217] : memref<10240x128xf32, #tpu.memory_space<vmem_shared>> -> memref<10240x128xf32, #tpu.memory_space<vmem_shared>>
          tpu.wait_indirect_dma semaphore(%run_scoped3A : memref<!tpu.dma_semaphore, #tpu.memory_space<semaphore_mem>>) src(%arg11 : memref<125x128xf32, #tpu.memory_space<vmem>>) dst(%dma_wait3A_218 : memref<10240x128xf32, #tpu.memory_space<vmem_shared>>)
          tpu.yield
        }) : () -> ()
        %scan3A_206 = arith.constant 0 : i32
        scf.yield %scan3A_206 : i32
      }
      %scan3A_33 = arith.constant 40 : i32
      %barrier3A_34 = arith.constant 0 : index
      tpu.barrier barrier_id(%barrier3A_34)
      %scan3A_35 = arith.constant 0 : i32
      %scan3A_36 = arith.constant 0 : i32
      %scan3A_37 = arith.constant 10 : i32
      %scan3A_38 = arith.addi %scan3A_36, %scan3A_37 : i32
      %scan3A_39 = arith.constant 1 : i32
      %scan3A_40 = scf.for %scan3A_42 = %scan3A_36 to %scan3A_38 step %scan3A_39 iter_args(%scan3A_43 = %scan3A_35) -> (i32)  : i32 {
        %mul3A_44 = arith.constant 640 : i32
        %mul3A_45 = arith.muli %arg1, %mul3A_44 : i32
        %mul3A_46 = arith.constant 64 : i32
        %mul3A_47 = arith.muli %scan3A_42, %mul3A_46 : i32
        %add3A = arith.addi %mul3A_45, %mul3A_47 : i32
        "tpu.region"() ({
          %run_scoped3A = tpu.sem_alloc : memref<!tpu.dma_semaphore, #tpu.memory_space<semaphore_mem>>
          %dma_start3A_54 = arith.constant 0 : i32
          %dma_start3A_55 = tpu.memref_slice %arg13[%add3A, %dma_start3A_54] : memref<10240x128xf32, #tpu.memory_space<vmem_shared>> -> memref<64x128xf32, #tpu.memory_space<vmem_shared>>
          %dma_start3A_56 = arith.constant 0 : i32
          %dma_start3A_57 = tpu.memref_slice %arg13[%add3A, %dma_start3A_56] : memref<10240x128xf32, #tpu.memory_space<vmem_shared>> -> memref<64x128xf32, #tpu.memory_space<vmem_shared>>
          tpu.enqueue_dma source(%dma_start3A_57 : memref<64x128xf32, #tpu.memory_space<vmem_shared>>) target(%arg12 : memref<64x128xf32, #tpu.memory_space<vmem>>) target_semaphore(%run_scoped3A : memref<!tpu.dma_semaphore, #tpu.memory_space<semaphore_mem>>)
          %dma_wait3A = arith.constant 0 : i32
          %dma_wait3A_58 = tpu.memref_slice %arg13[%add3A, %dma_wait3A] : memref<10240x128xf32, #tpu.memory_space<vmem_shared>> -> memref<64x128xf32, #tpu.memory_space<vmem_shared>>
          %dma_wait3A_59 = arith.constant 0 : i32
          %dma_wait3A_60 = tpu.memref_slice %arg13[%add3A, %dma_wait3A_59] : memref<10240x128xf32, #tpu.memory_space<vmem_shared>> -> memref<64x128xf32, #tpu.memory_space<vmem_shared>>
          tpu.wait_dma2 semaphore(%run_scoped3A : memref<!tpu.dma_semaphore, #tpu.memory_space<semaphore_mem>>) src(%dma_wait3A_60 : memref<64x128xf32, #tpu.memory_space<vmem_shared>>) dst(%arg12 : memref<64x128xf32, #tpu.memory_space<vmem>>)
          tpu.yield
        }) : () -> ()
        %mul3A_48 = arith.constant 640 : i32
        %mul3A_49 = arith.muli %arg1, %mul3A_48 : i32
        %mul3A_50 = arith.constant 64 : i32
        %mul3A_51 = arith.muli %scan3A_42, %mul3A_50 : i32
        %add3A_52 = arith.addi %mul3A_49, %mul3A_51 : i32
        "tpu.region"() ({
          %run_scoped3A = tpu.sem_alloc : memref<!tpu.dma_semaphore, #tpu.memory_space<semaphore_mem>>
          %dma_start3A_54 = arith.constant 0 : i32
          %dma_start3A_55 = tpu.memref_slice %arg7[%add3A_52, %dma_start3A_54] : memref<10240x128xf32, #tpu.memory_space<hbm>> -> memref<64x128xf32, #tpu.memory_space<hbm>>
          %dma_start3A_56 = arith.constant 0 : i32
          %dma_start3A_57 = tpu.memref_slice %arg7[%add3A_52, %dma_start3A_56] : memref<10240x128xf32, #tpu.memory_space<hbm>> -> memref<64x128xf32, #tpu.memory_space<hbm>>
          tpu.enqueue_dma source(%arg12 : memref<64x128xf32, #tpu.memory_space<vmem>>) target(%dma_start3A_57 : memref<64x128xf32, #tpu.memory_space<hbm>>) target_semaphore(%run_scoped3A : memref<!tpu.dma_semaphore, #tpu.memory_space<semaphore_mem>>)
          %dma_wait3A = arith.constant 0 : i32
          %dma_wait3A_58 = tpu.memref_slice %arg7[%add3A_52, %dma_wait3A] : memref<10240x128xf32, #tpu.memory_space<hbm>> -> memref<64x128xf32, #tpu.memory_space<hbm>>
          %dma_wait3A_59 = arith.constant 0 : i32
          %dma_wait3A_60 = tpu.memref_slice %arg7[%add3A_52, %dma_wait3A_59] : memref<10240x128xf32, #tpu.memory_space<hbm>> -> memref<64x128xf32, #tpu.memory_space<hbm>>
          tpu.wait_dma2 semaphore(%run_scoped3A : memref<!tpu.dma_semaphore, #tpu.memory_space<semaphore_mem>>) src(%arg12 : memref<64x128xf32, #tpu.memory_space<vmem>>) dst(%dma_wait3A_60 : memref<64x128xf32, #tpu.memory_space<hbm>>)
          tpu.yield
        }) : () -> ()
        %scan3A_53 = arith.constant 0 : i32
        scf.yield %scan3A_53 : i32
      }
      %scan3A_41 = arith.constant 10 : i32
    } else {
    }
    return
  }
}

#map = affine_map<(d0, d1) -> (0, 0)>
module attributes {stable_mosaic.version = 14 : i64} {
  func.func @k(%arg0: i32, %arg1: i32, %arg2: memref<1280x125xi32, #tpu.memory_space<hbm>>, %arg3: memref<20480x8xf32, #tpu.memory_space<hbm>>, %arg4: memref<40x125xi32, #tpu.memory_space<vmem>>, %arg5: memref<128x8xf32, #tpu.memory_space<vmem>>, %arg6: memref<64x8xf32, #tpu.memory_space<vmem>>, %arg7: memref<10240x8xf32, #tpu.memory_space<vmem_shared>>) attributes {dimension_semantics = [#tpu.dimension_semantics<core_parallel>, #tpu.dimension_semantics<subcore_parallel>], iteration_bounds = array<i64: 2, 16>, scalar_prefetch = 0 : i64, scratch_operands = 4 : i64, tpu.core_type = #tpu.core_type<sc_vector_subcore>, window_params = [{transform_indices = #map}, {transform_indices = #map}]} {
    %mul3A = arith.constant 16 : i32
    %mul3A_0 = arith.muli %arg0, %mul3A : i32
    %add3A = arith.addi %mul3A_0, %arg1 : i32
    %scan3A = arith.constant 0 : i32
    %scan3A_1 = arith.constant 0 : i32
    %scan3A_2 = arith.constant 8 : i32
    %scan3A_3 = arith.addi %scan3A_1, %scan3A_2 : i32
    %scan3A_4 = arith.constant 1 : i32
    %scan3A_5 = scf.for %scan3A_38 = %scan3A_1 to %scan3A_3 step %scan3A_4 iter_args(%scan3A_39 = %scan3A) -> (i32)  : i32 {
      %broadcast_in_dim3A = arith.constant 1.000000e+00 : f32
      %broadcast_in_dim3A_40 = vector.broadcast %broadcast_in_dim3A : f32 to vector<16x8xf32>
      %mul3A_41 = arith.constant 16 : i32
      %mul3A_42 = arith.muli %scan3A_38, %mul3A_41 : i32
      %swap3A = arith.index_cast %mul3A_42 : i32 to index
      %swap3A_43 = arith.constant 0 : index
      %swap3A_44 = tpu.vector_load %arg5[%swap3A, %swap3A_43] {strides = array<i32>} : memref<128x8xf32, #tpu.memory_space<vmem>>, vector<16x8xf32>,
      %swap3A_45 = vector.shape_cast %swap3A_44 : vector<16x8xf32> to vector<16x8xf32>
      %swap3A_46 = vector.shape_cast %broadcast_in_dim3A_40 : vector<16x8xf32> to vector<16x8xf32>
      tpu.vector_store %arg5[%swap3A, %swap3A_43], %swap3A_46 {strides = array<i32>} : memref<128x8xf32, #tpu.memory_space<vmem>>, vector<16x8xf32>,
      %scan3A_47 = arith.constant 0 : i32
      scf.yield %scan3A_47 : i32
    }
    %scan3A_6 = arith.constant 8 : i32
    %scan3A_7 = arith.constant 0 : i32
    %scan3A_8 = arith.constant 0 : i32
    %scan3A_9 = arith.constant 4 : i32
    %scan3A_10 = arith.addi %scan3A_8, %scan3A_9 : i32
    %scan3A_11 = arith.constant 1 : i32
    %scan3A_12 = scf.for %scan3A_38 = %scan3A_8 to %scan3A_10 step %scan3A_11 iter_args(%scan3A_39 = %scan3A_7) -> (i32)  : i32 {
      %broadcast_in_dim3A = arith.constant 0.000000e+00 : f32
      %broadcast_in_dim3A_40 = vector.broadcast %broadcast_in_dim3A : f32 to vector<16x8xf32>
      %mul3A_41 = arith.constant 16 : i32
      %mul3A_42 = arith.muli %scan3A_38, %mul3A_41 : i32
      %swap3A = arith.index_cast %mul3A_42 : i32 to index
      %swap3A_43 = arith.constant 0 : index
      %swap3A_44 = tpu.vector_load %arg6[%swap3A, %swap3A_43] {strides = array<i32>} : memref<64x8xf32, #tpu.memory_space<vmem>>, vector<16x8xf32>,
      %swap3A_45 = vector.shape_cast %swap3A_44 : vector<16x8xf32> to vector<16x8xf32>
      %swap3A_46 = vector.shape_cast %broadcast_in_dim3A_40 : vector<16x8xf32> to vector<16x8xf32>
      tpu.vector_store %arg6[%swap3A, %swap3A_43], %swap3A_46 {strides = array<i32>} : memref<64x8xf32, #tpu.memory_space<vmem>>, vector<16x8xf32>,
      %scan3A_47 = arith.constant 0 : i32
      scf.yield %scan3A_47 : i32
    }
    %scan3A_13 = arith.constant 4 : i32
    %scan3A_14 = arith.constant 0 : i32
    %scan3A_15 = arith.constant 0 : i32
    %scan3A_16 = arith.constant 10 : i32
    %scan3A_17 = arith.addi %scan3A_15, %scan3A_16 : i32
    %scan3A_18 = arith.constant 1 : i32
    %scan3A_19 = scf.for %scan3A_38 = %scan3A_15 to %scan3A_17 step %scan3A_18 iter_args(%scan3A_39 = %scan3A_14) -> (i32)  : i32 {
      %mul3A_40 = arith.constant 640 : i32
      %mul3A_41 = arith.muli %arg1, %mul3A_40 : i32
      %mul3A_42 = arith.constant 64 : i32
      %mul3A_43 = arith.muli %scan3A_38, %mul3A_42 : i32
      %add3A_44 = arith.addi %mul3A_41, %mul3A_43 : i32
      "tpu.region"() ({
        %run_scoped3A = tpu.sem_alloc : memref<!tpu.dma_semaphore, #tpu.memory_space<semaphore_mem>>
        %dma_start3A = arith.constant 0 : i32
        %dma_start3A_46 = tpu.memref_slice %arg7[%add3A_44, %dma_start3A] : memref<10240x8xf32, #tpu.memory_space<vmem_shared>> -> memref<64x8xf32, #tpu.memory_space<vmem_shared>>
        %dma_start3A_47 = arith.constant 0 : i32
        %dma_start3A_48 = tpu.memref_slice %arg7[%add3A_44, %dma_start3A_47] : memref<10240x8xf32, #tpu.memory_space<vmem_shared>> -> memref<64x8xf32, #tpu.memory_space<vmem_shared>>
        tpu.enqueue_dma source(%arg6 : memref<64x8xf32, #tpu.memory_space<vmem>>) target(%dma_start3A_48 : memref<64x8xf32, #tpu.memory_space<vmem_shared>>) target_semaphore(%run_scoped3A : memref<!tpu.dma_semaphore, #tpu.memory_space<semaphore_mem>>)
        %dma_wait3A = arith.constant 0 : i32
        %dma_wait3A_49 = tpu.memref_slice %arg7[%add3A_44, %dma_wait3A] : memref<10240x8xf32, #tpu.memory_space<vmem_shared>> -> memref<64x8xf32, #tpu.memory_space<vmem_shared>>
        %dma_wait3A_50 = arith.constant 0 : i32
        %dma_wait3A_51 = tpu.memref_slice %arg7[%add3A_44, %dma_wait3A_50] : memref<10240x8xf32, #tpu.memory_space<vmem_shared>> -> memref<64x8xf32, #tpu.memory_space<vmem_shared>>
        tpu.wait_dma2 semaphore(%run_scoped3A : memref<!tpu.dma_semaphore, #tpu.memory_space<semaphore_mem>>) src(%arg6 : memref<64x8xf32, #tpu.memory_space<vmem>>) dst(%dma_wait3A_51 : memref<64x8xf32, #tpu.memory_space<vmem_shared>>)
        tpu.yield
      }) : () -> ()
      %scan3A_45 = arith.constant 0 : i32
      scf.yield %scan3A_45 : i32
    }
    %scan3A_20 = arith.constant 10 : i32
    %mul3A_21 = arith.constant 40 : i32
    %mul3A_22 = arith.muli %add3A, %mul3A_21 : i32
    "tpu.region"() ({
      %run_scoped3A = tpu.sem_alloc : memref<!tpu.dma_semaphore, #tpu.memory_space<semaphore_mem>>
      %dma_start3A = arith.constant 0 : i32
      %dma_start3A_38 = tpu.memref_slice %arg2[%mul3A_22, %dma_start3A] : memref<1280x125xi32, #tpu.memory_space<hbm>> -> memref<40x125xi32, #tpu.memory_space<hbm>>
      %dma_start3A_39 = arith.constant 0 : i32
      %dma_start3A_40 = tpu.memref_slice %arg2[%mul3A_22, %dma_start3A_39] : memref<1280x125xi32, #tpu.memory_space<hbm>> -> memref<40x125xi32, #tpu.memory_space<hbm>>
      tpu.enqueue_dma source(%dma_start3A_40 : memref<40x125xi32, #tpu.memory_space<hbm>>) target(%arg4 : memref<40x125xi32, #tpu.memory_space<vmem>>) target_semaphore(%run_scoped3A : memref<!tpu.dma_semaphore, #tpu.memory_space<semaphore_mem>>)
      %dma_wait3A = arith.constant 0 : i32
      %dma_wait3A_41 = tpu.memref_slice %arg2[%mul3A_22, %dma_wait3A] : memref<1280x125xi32, #tpu.memory_space<hbm>> -> memref<40x125xi32, #tpu.memory_space<hbm>>
      %dma_wait3A_42 = arith.constant 0 : i32
      %dma_wait3A_43 = tpu.memref_slice %arg2[%mul3A_22, %dma_wait3A_42] : memref<1280x125xi32, #tpu.memory_space<hbm>> -> memref<40x125xi32, #tpu.memory_space<hbm>>
      tpu.wait_dma2 semaphore(%run_scoped3A : memref<!tpu.dma_semaphore, #tpu.memory_space<semaphore_mem>>) src(%dma_wait3A_43 : memref<40x125xi32, #tpu.memory_space<hbm>>) dst(%arg4 : memref<40x125xi32, #tpu.memory_space<vmem>>)
      tpu.yield
    }) : () -> ()
    %barrier3A = arith.constant 0 : index
    tpu.barrier barrier_id(%barrier3A)
    %scan3A_23 = arith.constant 0 : i32
    %scan3A_24 = arith.constant 0 : i32
    %scan3A_25 = arith.constant 40 : i32
    %scan3A_26 = arith.addi %scan3A_24, %scan3A_25 : i32
    %scan3A_27 = arith.constant 1 : i32
    %scan3A_28 = scf.for %scan3A_38 = %scan3A_24 to %scan3A_26 step %scan3A_27 iter_args(%scan3A_39 = %scan3A_23) -> (i32)  : i32 {
      "tpu.region"() ({
        %run_scoped3A = tpu.sem_alloc : memref<!tpu.dma_semaphore, #tpu.memory_space<semaphore_mem>>
        %dma_start3A = arith.constant 0 : i32
        %dma_start3A_41 = arith.constant 0 : i32
        %dma_start3A_42 = tpu.memref_slice %arg5[%dma_start3A, %dma_start3A_41] : memref<128x8xf32, #tpu.memory_space<vmem>> -> memref<125x8xf32, #tpu.memory_space<vmem>>
        %dma_start3A_43 = arith.constant 0 : i32
        %dma_start3A_44 = tpu.memref_slice %arg4[%scan3A_38, %dma_start3A_43] : memref<40x125xi32, #tpu.memory_space<vmem>> -> memref<1x125xi32, #tpu.memory_space<vmem>>
        %dma_start3A_45 = tpu.memref_squeeze %dma_start3A_44 : memref<1x125xi32, #tpu.memory_space<vmem>> -> memref<125xi32, #tpu.memory_space<vmem>>
        %dma_start3A_46 = arith.constant 0 : i32
        %dma_start3A_47 = arith.constant 0 : i32
        %dma_start3A_48 = tpu.memref_slice %arg7[%dma_start3A_46, %dma_start3A_47] : memref<10240x8xf32, #tpu.memory_space<vmem_shared>> -> memref<10240x8xf32, #tpu.memory_space<vmem_shared>>
        tpu.enqueue_indirect_dma source(%dma_start3A_42 : memref<125x8xf32, #tpu.memory_space<vmem>>) target(%dma_start3A_48 : memref<10240x8xf32, #tpu.memory_space<vmem_shared>>) offsets(%dma_start3A_45 : memref<125xi32, #tpu.memory_space<vmem>>) semaphore(%run_scoped3A : memref<!tpu.dma_semaphore, #tpu.memory_space<semaphore_mem>>) {add = true}
        %dma_wait3A = arith.constant 0 : i32
        %dma_wait3A_49 = arith.constant 0 : i32
        %dma_wait3A_50 = tpu.memref_slice %arg5[%dma_wait3A, %dma_wait3A_49] : memref<128x8xf32, #tpu.memory_space<vmem>> -> memref<125x8xf32, #tpu.memory_space<vmem>>
        %dma_wait3A_51 = arith.constant 0 : i32
        %dma_wait3A_52 = tpu.memref_slice %arg4[%scan3A_38, %dma_wait3A_51] : memref<40x125xi32, #tpu.memory_space<vmem>> -> memref<1x125xi32, #tpu.memory_space<vmem>>
        %dma_wait3A_53 = tpu.memref_squeeze %dma_wait3A_52 : memref<1x125xi32, #tpu.memory_space<vmem>> -> memref<125xi32, #tpu.memory_space<vmem>>
        %dma_wait3A_54 = arith.constant 0 : i32
        %dma_wait3A_55 = arith.constant 0 : i32
        %dma_wait3A_56 = tpu.memref_slice %arg7[%dma_wait3A_54, %dma_wait3A_55] : memref<10240x8xf32, #tpu.memory_space<vmem_shared>> -> memref<10240x8xf32, #tpu.memory_space<vmem_shared>>
        tpu.wait_indirect_dma semaphore(%run_scoped3A : memref<!tpu.dma_semaphore, #tpu.memory_space<semaphore_mem>>) src(%dma_wait3A_50 : memref<125x8xf32, #tpu.memory_space<vmem>>) dst(%dma_wait3A_56 : memref<10240x8xf32, #tpu.memory_space<vmem_shared>>)
        tpu.yield
      }) : () -> ()
      %scan3A_40 = arith.constant 0 : i32
      scf.yield %scan3A_40 : i32
    }
    %scan3A_29 = arith.constant 40 : i32
    %barrier3A_30 = arith.constant 0 : index
    tpu.barrier barrier_id(%barrier3A_30)
    %scan3A_31 = arith.constant 0 : i32
    %scan3A_32 = arith.constant 0 : i32
    %scan3A_33 = arith.constant 10 : i32
    %scan3A_34 = arith.addi %scan3A_32, %scan3A_33 : i32
    %scan3A_35 = arith.constant 1 : i32
    %scan3A_36 = scf.for %scan3A_38 = %scan3A_32 to %scan3A_34 step %scan3A_35 iter_args(%scan3A_39 = %scan3A_31) -> (i32)  : i32 {
      %mul3A_40 = arith.constant 640 : i32
      %mul3A_41 = arith.muli %arg1, %mul3A_40 : i32
      %mul3A_42 = arith.constant 64 : i32
      %mul3A_43 = arith.muli %scan3A_38, %mul3A_42 : i32
      %add3A_44 = arith.addi %mul3A_41, %mul3A_43 : i32
      "tpu.region"() ({
        %run_scoped3A = tpu.sem_alloc : memref<!tpu.dma_semaphore, #tpu.memory_space<semaphore_mem>>
        %dma_start3A = arith.constant 0 : i32
        %dma_start3A_54 = tpu.memref_slice %arg7[%add3A_44, %dma_start3A] : memref<10240x8xf32, #tpu.memory_space<vmem_shared>> -> memref<64x8xf32, #tpu.memory_space<vmem_shared>>
        %dma_start3A_55 = arith.constant 0 : i32
        %dma_start3A_56 = tpu.memref_slice %arg7[%add3A_44, %dma_start3A_55] : memref<10240x8xf32, #tpu.memory_space<vmem_shared>> -> memref<64x8xf32, #tpu.memory_space<vmem_shared>>
        tpu.enqueue_dma source(%dma_start3A_56 : memref<64x8xf32, #tpu.memory_space<vmem_shared>>) target(%arg6 : memref<64x8xf32, #tpu.memory_space<vmem>>) target_semaphore(%run_scoped3A : memref<!tpu.dma_semaphore, #tpu.memory_space<semaphore_mem>>)
        %dma_wait3A = arith.constant 0 : i32
        %dma_wait3A_57 = tpu.memref_slice %arg7[%add3A_44, %dma_wait3A] : memref<10240x8xf32, #tpu.memory_space<vmem_shared>> -> memref<64x8xf32, #tpu.memory_space<vmem_shared>>
        %dma_wait3A_58 = arith.constant 0 : i32
        %dma_wait3A_59 = tpu.memref_slice %arg7[%add3A_44, %dma_wait3A_58] : memref<10240x8xf32, #tpu.memory_space<vmem_shared>> -> memref<64x8xf32, #tpu.memory_space<vmem_shared>>
        tpu.wait_dma2 semaphore(%run_scoped3A : memref<!tpu.dma_semaphore, #tpu.memory_space<semaphore_mem>>) src(%dma_wait3A_59 : memref<64x8xf32, #tpu.memory_space<vmem_shared>>) dst(%arg6 : memref<64x8xf32, #tpu.memory_space<vmem>>)
        tpu.yield
      }) : () -> ()
      %mul3A_45 = arith.constant 10240 : i32
      %mul3A_46 = arith.muli %arg0, %mul3A_45 : i32
      %mul3A_47 = arith.constant 640 : i32
      %mul3A_48 = arith.muli %arg1, %mul3A_47 : i32
      %add3A_49 = arith.addi %mul3A_46, %mul3A_48 : i32
      %mul3A_50 = arith.constant 64 : i32
      %mul3A_51 = arith.muli %scan3A_38, %mul3A_50 : i32
      %add3A_52 = arith.addi %add3A_49, %mul3A_51 : i32
      %multiple_of3A = tpu.assume_multiple %add3A_52, 64 : i32
      "tpu.region"() ({
        %run_scoped3A = tpu.sem_alloc : memref<!tpu.dma_semaphore, #tpu.memory_space<semaphore_mem>>
        %dma_start3A = arith.constant 0 : i32
        %dma_start3A_54 = tpu.memref_slice %arg3[%multiple_of3A, %dma_start3A] : memref<20480x8xf32, #tpu.memory_space<hbm>> -> memref<64x8xf32, #tpu.memory_space<hbm>>
        %dma_start3A_55 = arith.constant 0 : i32
        %dma_start3A_56 = tpu.memref_slice %arg3[%multiple_of3A, %dma_start3A_55] : memref<20480x8xf32, #tpu.memory_space<hbm>> -> memref<64x8xf32, #tpu.memory_space<hbm>>
        tpu.enqueue_dma source(%arg6 : memref<64x8xf32, #tpu.memory_space<vmem>>) target(%dma_start3A_56 : memref<64x8xf32, #tpu.memory_space<hbm>>) target_semaphore(%run_scoped3A : memref<!tpu.dma_semaphore, #tpu.memory_space<semaphore_mem>>)
        %dma_wait3A = arith.constant 0 : i32
        %dma_wait3A_57 = tpu.memref_slice %arg3[%multiple_of3A, %dma_wait3A] : memref<20480x8xf32, #tpu.memory_space<hbm>> -> memref<64x8xf32, #tpu.memory_space<hbm>>
        %dma_wait3A_58 = arith.constant 0 : i32
        %dma_wait3A_59 = tpu.memref_slice %arg3[%multiple_of3A, %dma_wait3A_58] : memref<20480x8xf32, #tpu.memory_space<hbm>> -> memref<64x8xf32, #tpu.memory_space<hbm>>
        tpu.wait_dma2 semaphore(%run_scoped3A : memref<!tpu.dma_semaphore, #tpu.memory_space<semaphore_mem>>) src(%arg6 : memref<64x8xf32, #tpu.memory_space<vmem>>) dst(%dma_wait3A_59 : memref<64x8xf32, #tpu.memory_space<hbm>>)
        tpu.yield
      }) : () -> ()
      %scan3A_53 = arith.constant 0 : i32
      scf.yield %scan3A_53 : i32
    }
    %scan3A_37 = arith.constant 10 : i32
    return
  }
}

#map = affine_map<(d0, d1) -> (0, 0)>
module attributes {stable_mosaic.version = 14 : i64} {
  func.func @k(%arg0: i32, %arg1: i32, %arg2: memref<10000x64xf32, #tpu.memory_space<hbm>>, %arg3: memref<1280x125xi32, #tpu.memory_space<hbm>>, %arg4: memref<1280x125xi32, #tpu.memory_space<hbm>>, %arg5: memref<20480x64xf32, #tpu.memory_space<hbm>>, %arg6: memref<40x125xi32, #tpu.memory_space<vmem>>, %arg7: memref<40x125xi32, #tpu.memory_space<vmem>>, %arg8: memref<125x64xf32, #tpu.memory_space<vmem>>, %arg9: memref<125x64xf32, #tpu.memory_space<vmem>>, %arg10: memref<125x64xf32, #tpu.memory_space<vmem>>, %arg11: memref<64x64xf32, #tpu.memory_space<vmem>>, %arg12: memref<10240x64xf32, #tpu.memory_space<vmem_shared>>, %arg13: memref<!tpu.dma_semaphore, #tpu.memory_space<semaphore_mem>>, %arg14: memref<!tpu.dma_semaphore, #tpu.memory_space<semaphore_mem>>, %arg15: memref<!tpu.dma_semaphore, #tpu.memory_space<semaphore_mem>>, %arg16: memref<!tpu.dma_semaphore, #tpu.memory_space<semaphore_mem>>, %arg17: memref<!tpu.dma_semaphore, #tpu.memory_space<semaphore_mem>>, %arg18: memref<!tpu.dma_semaphore, #tpu.memory_space<semaphore_mem>>) attributes {dimension_semantics = [#tpu.dimension_semantics<core_parallel>, #tpu.dimension_semantics<subcore_parallel>], iteration_bounds = array<i64: 2, 16>, scalar_prefetch = 0 : i64, scratch_operands = 13 : i64, tpu.core_type = #tpu.core_type<sc_vector_subcore>, window_params = [{transform_indices = #map}, {transform_indices = #map}, {transform_indices = #map}, {transform_indices = #map}]} {
    %mul3A = arith.constant 16 : i32
    %mul3A_0 = arith.muli %arg0, %mul3A : i32
    %add3A = arith.addi %mul3A_0, %arg1 : i32
    %scan3A = arith.constant 0 : i32
    %scan3A_1 = arith.constant 0 : i32
    %scan3A_2 = arith.constant 64 : i32
    %scan3A_3 = arith.addi %scan3A_1, %scan3A_2 : i32
    %scan3A_4 = arith.constant 1 : i32
    %scan3A_5 = scf.for %scan3A_66 = %scan3A_1 to %scan3A_3 step %scan3A_4 iter_args(%scan3A_67 = %scan3A) -> (i32)  : i32 {
      %scan3A_68 = arith.constant 0 : i32
      %scan3A_69 = arith.constant 0 : i32
      %scan3A_70 = arith.constant 4 : i32
      %scan3A_71 = arith.addi %scan3A_69, %scan3A_70 : i32
      %scan3A_72 = arith.constant 1 : i32
      %scan3A_73 = scf.for %scan3A_75 = %scan3A_69 to %scan3A_71 step %scan3A_72 iter_args(%scan3A_76 = %scan3A_68) -> (i32)  : i32 {
        %broadcast_in_dim3A = arith.constant 0.000000e+00 : f32
        %broadcast_in_dim3A_77 = vector.broadcast %broadcast_in_dim3A : f32 to vector<16xf32>
        %mul3A_78 = arith.constant 16 : i32
        %mul3A_79 = arith.muli %scan3A_75, %mul3A_78 : i32
        %swap3A = arith.index_cast %scan3A_66 : i32 to index
        %swap3A_80 = arith.index_cast %mul3A_79 : i32 to index
        %swap3A_81 = tpu.vector_load %arg11[%swap3A, %swap3A_80] {strides = array<i32>} : memref<64x64xf32, #tpu.memory_space<vmem>>, vector<1x16xf32>,
        %swap3A_82 = vector.shape_cast %swap3A_81 : vector<1x16xf32> to vector<16xf32>
        %swap3A_83 = vector.shape_cast %broadcast_in_dim3A_77 : vector<16xf32> to vector<1x16xf32>
        tpu.vector_store %arg11[%swap3A, %swap3A_80], %swap3A_83 {strides = array<i32>} : memref<64x64xf32, #tpu.memory_space<vmem>>, vector<1x16xf32>,
        %scan3A_84 = arith.constant 0 : i32
        scf.yield %scan3A_84 : i32
      }
      %scan3A_74 = arith.constant 4 : i32
      scf.yield %scan3A_73 : i32
    }
    %scan3A_6 = arith.constant 64 : i32
    %scan3A_7 = arith.constant 0 : i32
    %scan3A_8 = arith.constant 0 : i32
    %scan3A_9 = arith.constant 10 : i32
    %scan3A_10 = arith.addi %scan3A_8, %scan3A_9 : i32
    %scan3A_11 = arith.constant 1 : i32
    %scan3A_12 = scf.for %scan3A_66 = %scan3A_8 to %scan3A_10 step %scan3A_11 iter_args(%scan3A_67 = %scan3A_7) -> (i32)  : i32 {
      %mul3A_68 = arith.constant 640 : i32
      %mul3A_69 = arith.muli %arg1, %mul3A_68 : i32
      %mul3A_70 = arith.constant 64 : i32
      %mul3A_71 = arith.muli %scan3A_66, %mul3A_70 : i32
      %add3A_72 = arith.addi %mul3A_69, %mul3A_71 : i32
      "tpu.region"() ({
        %run_scoped3A = tpu.sem_alloc : memref<!tpu.dma_semaphore, #tpu.memory_space<semaphore_mem>>
        %dma_start3A_74 = arith.constant 0 : i32
        %dma_start3A_75 = tpu.memref_slice %arg12[%add3A_72, %dma_start3A_74] : memref<10240x64xf32, #tpu.memory_space<vmem_shared>> -> memref<64x64xf32, #tpu.memory_space<vmem_shared>>
        %dma_start3A_76 = arith.constant 0 : i32
        %dma_start3A_77 = tpu.memref_slice %arg12[%add3A_72, %dma_start3A_76] : memref<10240x64xf32, #tpu.memory_space<vmem_shared>> -> memref<64x64xf32, #tpu.memory_space<vmem_shared>>
        tpu.enqueue_dma source(%arg11 : memref<64x64xf32, #tpu.memory_space<vmem>>) target(%dma_start3A_77 : memref<64x64xf32, #tpu.memory_space<vmem_shared>>) target_semaphore(%run_scoped3A : memref<!tpu.dma_semaphore, #tpu.memory_space<semaphore_mem>>)
        %dma_wait3A_78 = arith.constant 0 : i32
        %dma_wait3A_79 = tpu.memref_slice %arg12[%add3A_72, %dma_wait3A_78] : memref<10240x64xf32, #tpu.memory_space<vmem_shared>> -> memref<64x64xf32, #tpu.memory_space<vmem_shared>>
        %dma_wait3A_80 = arith.constant 0 : i32
        %dma_wait3A_81 = tpu.memref_slice %arg12[%add3A_72, %dma_wait3A_80] : memref<10240x64xf32, #tpu.memory_space<vmem_shared>> -> memref<64x64xf32, #tpu.memory_space<vmem_shared>>
        tpu.wait_dma2 semaphore(%run_scoped3A : memref<!tpu.dma_semaphore, #tpu.memory_space<semaphore_mem>>) src(%arg11 : memref<64x64xf32, #tpu.memory_space<vmem>>) dst(%dma_wait3A_81 : memref<64x64xf32, #tpu.memory_space<vmem_shared>>)
        tpu.yield
      }) : () -> ()
      %scan3A_73 = arith.constant 0 : i32
      scf.yield %scan3A_73 : i32
    }
    %scan3A_13 = arith.constant 10 : i32
    %mul3A_14 = arith.constant 40 : i32
    %mul3A_15 = arith.muli %add3A, %mul3A_14 : i32
    "tpu.region"() ({
      %run_scoped3A = tpu.sem_alloc : memref<!tpu.dma_semaphore, #tpu.memory_space<semaphore_mem>>
      %dma_start3A_66 = arith.constant 0 : i32
      %dma_start3A_67 = tpu.memref_slice %arg3[%mul3A_15, %dma_start3A_66] : memref<1280x125xi32, #tpu.memory_space<hbm>> -> memref<40x125xi32, #tpu.memory_space<hbm>>
      %dma_start3A_68 = arith.constant 0 : i32
      %dma_start3A_69 = tpu.memref_slice %arg3[%mul3A_15, %dma_start3A_68] : memref<1280x125xi32, #tpu.memory_space<hbm>> -> memref<40x125xi32, #tpu.memory_space<hbm>>
      tpu.enqueue_dma source(%dma_start3A_69 : memref<40x125xi32, #tpu.memory_space<hbm>>) target(%arg6 : memref<40x125xi32, #tpu.memory_space<vmem>>) target_semaphore(%run_scoped3A : memref<!tpu.dma_semaphore, #tpu.memory_space<semaphore_mem>>)
      %dma_wait3A_70 = arith.constant 0 : i32
      %dma_wait3A_71 = tpu.memref_slice %arg3[%mul3A_15, %dma_wait3A_70] : memref<1280x125xi32, #tpu.memory_space<hbm>> -> memref<40x125xi32, #tpu.memory_space<hbm>>
      %dma_wait3A_72 = arith.constant 0 : i32
      %dma_wait3A_73 = tpu.memref_slice %arg3[%mul3A_15, %dma_wait3A_72] : memref<1280x125xi32, #tpu.memory_space<hbm>> -> memref<40x125xi32, #tpu.memory_space<hbm>>
      tpu.wait_dma2 semaphore(%run_scoped3A : memref<!tpu.dma_semaphore, #tpu.memory_space<semaphore_mem>>) src(%dma_wait3A_73 : memref<40x125xi32, #tpu.memory_space<hbm>>) dst(%arg6 : memref<40x125xi32, #tpu.memory_space<vmem>>)
      tpu.yield
    }) : () -> ()
    %mul3A_16 = arith.constant 40 : i32
    %mul3A_17 = arith.muli %add3A, %mul3A_16 : i32
    "tpu.region"() ({
      %run_scoped3A = tpu.sem_alloc : memref<!tpu.dma_semaphore, #tpu.memory_space<semaphore_mem>>
      %dma_start3A_66 = arith.constant 0 : i32
      %dma_start3A_67 = tpu.memref_slice %arg4[%mul3A_17, %dma_start3A_66] : memref<1280x125xi32, #tpu.memory_space<hbm>> -> memref<40x125xi32, #tpu.memory_space<hbm>>
      %dma_start3A_68 = arith.constant 0 : i32
      %dma_start3A_69 = tpu.memref_slice %arg4[%mul3A_17, %dma_start3A_68] : memref<1280x125xi32, #tpu.memory_space<hbm>> -> memref<40x125xi32, #tpu.memory_space<hbm>>
      tpu.enqueue_dma source(%dma_start3A_69 : memref<40x125xi32, #tpu.memory_space<hbm>>) target(%arg7 : memref<40x125xi32, #tpu.memory_space<vmem>>) target_semaphore(%run_scoped3A : memref<!tpu.dma_semaphore, #tpu.memory_space<semaphore_mem>>)
      %dma_wait3A_70 = arith.constant 0 : i32
      %dma_wait3A_71 = tpu.memref_slice %arg4[%mul3A_17, %dma_wait3A_70] : memref<1280x125xi32, #tpu.memory_space<hbm>> -> memref<40x125xi32, #tpu.memory_space<hbm>>
      %dma_wait3A_72 = arith.constant 0 : i32
      %dma_wait3A_73 = tpu.memref_slice %arg4[%mul3A_17, %dma_wait3A_72] : memref<1280x125xi32, #tpu.memory_space<hbm>> -> memref<40x125xi32, #tpu.memory_space<hbm>>
      tpu.wait_dma2 semaphore(%run_scoped3A : memref<!tpu.dma_semaphore, #tpu.memory_space<semaphore_mem>>) src(%dma_wait3A_73 : memref<40x125xi32, #tpu.memory_space<hbm>>) dst(%arg7 : memref<40x125xi32, #tpu.memory_space<vmem>>)
      tpu.yield
    }) : () -> ()
    %barrier3A = arith.constant 0 : index
    tpu.barrier barrier_id(%barrier3A)
    %dma_start3A = arith.constant 0 : i32
    %dma_start3A_18 = arith.constant 0 : i32
    %dma_start3A_19 = tpu.memref_slice %arg6[%dma_start3A, %dma_start3A_18] : memref<40x125xi32, #tpu.memory_space<vmem>> -> memref<1x125xi32, #tpu.memory_space<vmem>>
    %dma_start3A_20 = tpu.memref_squeeze %dma_start3A_19 : memref<1x125xi32, #tpu.memory_space<vmem>> -> memref<125xi32, #tpu.memory_space<vmem>>
    %dma_start3A_21 = arith.constant 0 : i32
    %dma_start3A_22 = arith.constant 0 : i32
    %dma_start3A_23 = tpu.memref_slice %arg2[%dma_start3A_21, %dma_start3A_22] : memref<10000x64xf32, #tpu.memory_space<hbm>> -> memref<10000x64xf32, #tpu.memory_space<hbm>>
    tpu.enqueue_indirect_dma source(%dma_start3A_23 : memref<10000x64xf32, #tpu.memory_space<hbm>>) target(%arg8 : memref<125x64xf32, #tpu.memory_space<vmem>>) offsets(%dma_start3A_20 : memref<125xi32, #tpu.memory_space<vmem>>) semaphore(%arg13 : memref<!tpu.dma_semaphore, #tpu.memory_space<semaphore_mem>>)
    %dma_start3A_24 = arith.constant 1 : i32
    %dma_start3A_25 = arith.constant 0 : i32
    %dma_start3A_26 = tpu.memref_slice %arg6[%dma_start3A_24, %dma_start3A_25] : memref<40x125xi32, #tpu.memory_space<vmem>> -> memref<1x125xi32, #tpu.memory_space<vmem>>
    %dma_start3A_27 = tpu.memref_squeeze %dma_start3A_26 : memref<1x125xi32, #tpu.memory_space<vmem>> -> memref<125xi32, #tpu.memory_space<vmem>>
    %dma_start3A_28 = arith.constant 0 : i32
    %dma_start3A_29 = arith.constant 0 : i32
    %dma_start3A_30 = tpu.memref_slice %arg2[%dma_start3A_28, %dma_start3A_29] : memref<10000x64xf32, #tpu.memory_space<hbm>> -> memref<10000x64xf32, #tpu.memory_space<hbm>>
    tpu.enqueue_indirect_dma source(%dma_start3A_30 : memref<10000x64xf32, #tpu.memory_space<hbm>>) target(%arg9 : memref<125x64xf32, #tpu.memory_space<vmem>>) offsets(%dma_start3A_27 : memref<125xi32, #tpu.memory_space<vmem>>) semaphore(%arg14 : memref<!tpu.dma_semaphore, #tpu.memory_space<semaphore_mem>>)
    %scan3A_31 = arith.constant 0 : i32
    %scan3A_32 = arith.constant 0 : i32
    %scan3A_33 = arith.constant 14 : i32
    %scan3A_34 = arith.addi %scan3A_32, %scan3A_33 : i32
    %scan3A_35 = arith.constant 1 : i32
    %scan3A_36 = scf.for %scan3A_66 = %scan3A_32 to %scan3A_34 step %scan3A_35 iter_args(%scan3A_67 = %scan3A_31) -> (i32)  : i32 {
      %mul3A_68 = arith.constant 3 : i32
      %mul3A_69 = arith.muli %mul3A_68, %scan3A_66 : i32
      %add3A_70 = arith.constant 0 : i32
      %add3A_71 = arith.addi %mul3A_69, %add3A_70 : i32
      %lt3A = arith.constant 40 : i32
      %lt3A_72 = arith.cmpi slt, %add3A_71, %lt3A : i32
      %convert_element_type3A = arith.extui %lt3A_72 : i1 to i32
      %cond3A = arith.constant 0 : i32
      %cond3A_73 = arith.cmpi ne, %convert_element_type3A, %cond3A : i32
      scf.if %cond3A_73 {
        %add3A_93 = arith.constant 0 : i32
        %add3A_94 = arith.addi %add3A_93, %add3A_71 : i32
        %dma_wait3A_95 = arith.constant 0 : i32
        %dma_wait3A_96 = tpu.memref_slice %arg6[%add3A_94, %dma_wait3A_95] : memref<40x125xi32, #tpu.memory_space<vmem>> -> memref<1x125xi32, #tpu.memory_space<vmem>>
        %dma_wait3A_97 = tpu.memref_squeeze %dma_wait3A_96 : memref<1x125xi32, #tpu.memory_space<vmem>> -> memref<125xi32, #tpu.memory_space<vmem>>
        %dma_wait3A_98 = arith.constant 0 : i32
        %dma_wait3A_99 = arith.constant 0 : i32
        %dma_wait3A_100 = tpu.memref_slice %arg2[%dma_wait3A_98, %dma_wait3A_99] : memref<10000x64xf32, #tpu.memory_space<hbm>> -> memref<10000x64xf32, #tpu.memory_space<hbm>>
        tpu.wait_indirect_dma semaphore(%arg13 : memref<!tpu.dma_semaphore, #tpu.memory_space<semaphore_mem>>) src(%dma_wait3A_100 : memref<10000x64xf32, #tpu.memory_space<hbm>>) dst(%arg8 : memref<125x64xf32, #tpu.memory_space<vmem>>)
        %add3A_101 = arith.constant 0 : i32
        %add3A_102 = arith.addi %add3A_101, %add3A_71 : i32
        %dma_start3A_103 = arith.constant 0 : i32
        %dma_start3A_104 = tpu.memref_slice %arg7[%add3A_102, %dma_start3A_103] : memref<40x125xi32, #tpu.memory_space<vmem>> -> memref<1x125xi32, #tpu.memory_space<vmem>>
        %dma_start3A_105 = tpu.memref_squeeze %dma_start3A_104 : memref<1x125xi32, #tpu.memory_space<vmem>> -> memref<125xi32, #tpu.memory_space<vmem>>
        %dma_start3A_106 = arith.constant 0 : i32
        %dma_start3A_107 = arith.constant 0 : i32
        %dma_start3A_108 = tpu.memref_slice %arg12[%dma_start3A_106, %dma_start3A_107] : memref<10240x64xf32, #tpu.memory_space<vmem_shared>> -> memref<10240x64xf32, #tpu.memory_space<vmem_shared>>
        tpu.enqueue_indirect_dma source(%arg8 : memref<125x64xf32, #tpu.memory_space<vmem>>) target(%dma_start3A_108 : memref<10240x64xf32, #tpu.memory_space<vmem_shared>>) offsets(%dma_start3A_105 : memref<125xi32, #tpu.memory_space<vmem>>) semaphore(%arg16 : memref<!tpu.dma_semaphore, #tpu.memory_space<semaphore_mem>>) {add = true}
        %add3A_109 = arith.constant 2 : i32
        %add3A_110 = arith.addi %add3A_71, %add3A_109 : i32
        %lt3A_111 = arith.constant 40 : i32
        %lt3A_112 = arith.cmpi slt, %add3A_110, %lt3A_111 : i32
        %convert_element_type3A_113 = arith.extui %lt3A_112 : i1 to i32
        %cond3A_114 = arith.constant 0 : i32
        %cond3A_115 = arith.cmpi ne, %convert_element_type3A_113, %cond3A_114 : i32
        scf.if %cond3A_115 {
          %ge3A = arith.constant 3 : i32
          %ge3A_116 = arith.cmpi sge, %add3A_110, %ge3A : i32
          %convert_element_type3A_117 = arith.extui %ge3A_116 : i1 to i32
          %cond3A_118 = arith.constant 0 : i32
          %cond3A_119 = arith.cmpi ne, %convert_element_type3A_117, %cond3A_118 : i32
          scf.if %cond3A_119 {
            %sub3A = arith.constant 3 : i32
            %sub3A_128 = arith.subi %add3A_110, %sub3A : i32
            %add3A_129 = arith.constant 0 : i32
            %add3A_130 = arith.addi %add3A_129, %sub3A_128 : i32
            %dma_wait3A_131 = arith.constant 0 : i32
            %dma_wait3A_132 = tpu.memref_slice %arg7[%add3A_130, %dma_wait3A_131] : memref<40x125xi32, #tpu.memory_space<vmem>> -> memref<1x125xi32, #tpu.memory_space<vmem>>
            %dma_wait3A_133 = tpu.memref_squeeze %dma_wait3A_132 : memref<1x125xi32, #tpu.memory_space<vmem>> -> memref<125xi32, #tpu.memory_space<vmem>>
            %dma_wait3A_134 = arith.constant 0 : i32
            %dma_wait3A_135 = arith.constant 0 : i32
            %dma_wait3A_136 = tpu.memref_slice %arg12[%dma_wait3A_134, %dma_wait3A_135] : memref<10240x64xf32, #tpu.memory_space<vmem_shared>> -> memref<10240x64xf32, #tpu.memory_space<vmem_shared>>
            tpu.wait_indirect_dma semaphore(%arg18 : memref<!tpu.dma_semaphore, #tpu.memory_space<semaphore_mem>>) src(%arg10 : memref<125x64xf32, #tpu.memory_space<vmem>>) dst(%dma_wait3A_136 : memref<10240x64xf32, #tpu.memory_space<vmem_shared>>)
          } else {
          }
          %add3A_120 = arith.constant 0 : i32
          %add3A_121 = arith.addi %add3A_120, %add3A_110 : i32
          %dma_start3A_122 = arith.constant 0 : i32
          %dma_start3A_123 = tpu.memref_slice %arg6[%add3A_121, %dma_start3A_122] : memref<40x125xi32, #tpu.memory_space<vmem>> -> memref<1x125xi32, #tpu.memory_space<vmem>>
          %dma_start3A_124 = tpu.memref_squeeze %dma_start3A_123 : memref<1x125xi32, #tpu.memory_space<vmem>> -> memref<125xi32, #tpu.memory_space<vmem>>
          %dma_start3A_125 = arith.constant 0 : i32
          %dma_start3A_126 = arith.constant 0 : i32
          %dma_start3A_127 = tpu.memref_slice %arg2[%dma_start3A_125, %dma_start3A_126] : memref<10000x64xf32, #tpu.memory_space<hbm>> -> memref<10000x64xf32, #tpu.memory_space<hbm>>
          tpu.enqueue_indirect_dma source(%dma_start3A_127 : memref<10000x64xf32, #tpu.memory_space<hbm>>) target(%arg10 : memref<125x64xf32, #tpu.memory_space<vmem>>) offsets(%dma_start3A_124 : memref<125xi32, #tpu.memory_space<vmem>>) semaphore(%arg15 : memref<!tpu.dma_semaphore, #tpu.memory_space<semaphore_mem>>)
        } else {
        }
      } else {
      }
      %mul3A_74 = arith.constant 3 : i32
      %mul3A_75 = arith.muli %mul3A_74, %scan3A_66 : i32
      %add3A_76 = arith.constant 1 : i32
      %add3A_77 = arith.addi %mul3A_75, %add3A_76 : i32
      %lt3A_78 = arith.constant 40 : i32
      %lt3A_79 = arith.cmpi slt, %add3A_77, %lt3A_78 : i32
      %convert_element_type3A_80 = arith.extui %lt3A_79 : i1 to i32
      %cond3A_81 = arith.constant 0 : i32
      %cond3A_82 = arith.cmpi ne, %convert_element_type3A_80, %cond3A_81 : i32
      scf.if %cond3A_82 {
        %add3A_93 = arith.constant 0 : i32
        %add3A_94 = arith.addi %add3A_93, %add3A_77 : i32
        %dma_wait3A_95 = arith.constant 0 : i32
        %dma_wait3A_96 = tpu.memref_slice %arg6[%add3A_94, %dma_wait3A_95] : memref<40x125xi32, #tpu.memory_space<vmem>> -> memref<1x125xi32, #tpu.memory_space<vmem>>
        %dma_wait3A_97 = tpu.memref_squeeze %dma_wait3A_96 : memref<1x125xi32, #tpu.memory_space<vmem>> -> memref<125xi32, #tpu.memory_space<vmem>>
        %dma_wait3A_98 = arith.constant 0 : i32
        %dma_wait3A_99 = arith.constant 0 : i32
        %dma_wait3A_100 = tpu.memref_slice %arg2[%dma_wait3A_98, %dma_wait3A_99] : memref<10000x64xf32, #tpu.memory_space<hbm>> -> memref<10000x64xf32, #tpu.memory_space<hbm>>
        tpu.wait_indirect_dma semaphore(%arg14 : memref<!tpu.dma_semaphore, #tpu.memory_space<semaphore_mem>>) src(%dma_wait3A_100 : memref<10000x64xf32, #tpu.memory_space<hbm>>) dst(%arg9 : memref<125x64xf32, #tpu.memory_space<vmem>>)
        %add3A_101 = arith.constant 0 : i32
        %add3A_102 = arith.addi %add3A_101, %add3A_77 : i32
        %dma_start3A_103 = arith.constant 0 : i32
        %dma_start3A_104 = tpu.memref_slice %arg7[%add3A_102, %dma_start3A_103] : memref<40x125xi32, #tpu.memory_space<vmem>> -> memref<1x125xi32, #tpu.memory_space<vmem>>
        %dma_start3A_105 = tpu.memref_squeeze %dma_start3A_104 : memref<1x125xi32, #tpu.memory_space<vmem>> -> memref<125xi32, #tpu.memory_space<vmem>>
        %dma_start3A_106 = arith.constant 0 : i32
        %dma_start3A_107 = arith.constant 0 : i32
        %dma_start3A_108 = tpu.memref_slice %arg12[%dma_start3A_106, %dma_start3A_107] : memref<10240x64xf32, #tpu.memory_space<vmem_shared>> -> memref<10240x64xf32, #tpu.memory_space<vmem_shared>>
        tpu.enqueue_indirect_dma source(%arg9 : memref<125x64xf32, #tpu.memory_space<vmem>>) target(%dma_start3A_108 : memref<10240x64xf32, #tpu.memory_space<vmem_shared>>) offsets(%dma_start3A_105 : memref<125xi32, #tpu.memory_space<vmem>>) semaphore(%arg17 : memref<!tpu.dma_semaphore, #tpu.memory_space<semaphore_mem>>) {add = true}
        %add3A_109 = arith.constant 2 : i32
        %add3A_110 = arith.addi %add3A_77, %add3A_109 : i32
        %lt3A_111 = arith.constant 40 : i32
        %lt3A_112 = arith.cmpi slt, %add3A_110, %lt3A_111 : i32
        %convert_element_type3A_113 = arith.extui %lt3A_112 : i1 to i32
        %cond3A_114 = arith.constant 0 : i32
        %cond3A_115 = arith.cmpi ne, %convert_element_type3A_113, %cond3A_114 : i32
        scf.if %cond3A_115 {
          %ge3A = arith.constant 3 : i32
          %ge3A_116 = arith.cmpi sge, %add3A_110, %ge3A : i32
          %convert_element_type3A_117 = arith.extui %ge3A_116 : i1 to i32
          %cond3A_118 = arith.constant 0 : i32
          %cond3A_119 = arith.cmpi ne, %convert_element_type3A_117, %cond3A_118 : i32
          scf.if %cond3A_119 {
            %sub3A = arith.constant 3 : i32
            %sub3A_128 = arith.subi %add3A_110, %sub3A : i32
            %add3A_129 = arith.constant 0 : i32
            %add3A_130 = arith.addi %add3A_129, %sub3A_128 : i32
            %dma_wait3A_131 = arith.constant 0 : i32
            %dma_wait3A_132 = tpu.memref_slice %arg7[%add3A_130, %dma_wait3A_131] : memref<40x125xi32, #tpu.memory_space<vmem>> -> memref<1x125xi32, #tpu.memory_space<vmem>>
            %dma_wait3A_133 = tpu.memref_squeeze %dma_wait3A_132 : memref<1x125xi32, #tpu.memory_space<vmem>> -> memref<125xi32, #tpu.memory_space<vmem>>
            %dma_wait3A_134 = arith.constant 0 : i32
            %dma_wait3A_135 = arith.constant 0 : i32
            %dma_wait3A_136 = tpu.memref_slice %arg12[%dma_wait3A_134, %dma_wait3A_135] : memref<10240x64xf32, #tpu.memory_space<vmem_shared>> -> memref<10240x64xf32, #tpu.memory_space<vmem_shared>>
            tpu.wait_indirect_dma semaphore(%arg16 : memref<!tpu.dma_semaphore, #tpu.memory_space<semaphore_mem>>) src(%arg8 : memref<125x64xf32, #tpu.memory_space<vmem>>) dst(%dma_wait3A_136 : memref<10240x64xf32, #tpu.memory_space<vmem_shared>>)
          } else {
          }
          %add3A_120 = arith.constant 0 : i32
          %add3A_121 = arith.addi %add3A_120, %add3A_110 : i32
          %dma_start3A_122 = arith.constant 0 : i32
          %dma_start3A_123 = tpu.memref_slice %arg6[%add3A_121, %dma_start3A_122] : memref<40x125xi32, #tpu.memory_space<vmem>> -> memref<1x125xi32, #tpu.memory_space<vmem>>
          %dma_start3A_124 = tpu.memref_squeeze %dma_start3A_123 : memref<1x125xi32, #tpu.memory_space<vmem>> -> memref<125xi32, #tpu.memory_space<vmem>>
          %dma_start3A_125 = arith.constant 0 : i32
          %dma_start3A_126 = arith.constant 0 : i32
          %dma_start3A_127 = tpu.memref_slice %arg2[%dma_start3A_125, %dma_start3A_126] : memref<10000x64xf32, #tpu.memory_space<hbm>> -> memref<10000x64xf32, #tpu.memory_space<hbm>>
          tpu.enqueue_indirect_dma source(%dma_start3A_127 : memref<10000x64xf32, #tpu.memory_space<hbm>>) target(%arg8 : memref<125x64xf32, #tpu.memory_space<vmem>>) offsets(%dma_start3A_124 : memref<125xi32, #tpu.memory_space<vmem>>) semaphore(%arg13 : memref<!tpu.dma_semaphore, #tpu.memory_space<semaphore_mem>>)
        } else {
        }
      } else {
      }
      %mul3A_83 = arith.constant 3 : i32
      %mul3A_84 = arith.muli %mul3A_83, %scan3A_66 : i32
      %add3A_85 = arith.constant 2 : i32
      %add3A_86 = arith.addi %mul3A_84, %add3A_85 : i32
      %lt3A_87 = arith.constant 40 : i32
      %lt3A_88 = arith.cmpi slt, %add3A_86, %lt3A_87 : i32
      %convert_element_type3A_89 = arith.extui %lt3A_88 : i1 to i32
      %cond3A_90 = arith.constant 0 : i32
      %cond3A_91 = arith.cmpi ne, %convert_element_type3A_89, %cond3A_90 : i32
      scf.if %cond3A_91 {
        %add3A_93 = arith.constant 0 : i32
        %add3A_94 = arith.addi %add3A_93, %add3A_86 : i32
        %dma_wait3A_95 = arith.constant 0 : i32
        %dma_wait3A_96 = tpu.memref_slice %arg6[%add3A_94, %dma_wait3A_95] : memref<40x125xi32, #tpu.memory_space<vmem>> -> memref<1x125xi32, #tpu.memory_space<vmem>>
        %dma_wait3A_97 = tpu.memref_squeeze %dma_wait3A_96 : memref<1x125xi32, #tpu.memory_space<vmem>> -> memref<125xi32, #tpu.memory_space<vmem>>
        %dma_wait3A_98 = arith.constant 0 : i32
        %dma_wait3A_99 = arith.constant 0 : i32
        %dma_wait3A_100 = tpu.memref_slice %arg2[%dma_wait3A_98, %dma_wait3A_99] : memref<10000x64xf32, #tpu.memory_space<hbm>> -> memref<10000x64xf32, #tpu.memory_space<hbm>>
        tpu.wait_indirect_dma semaphore(%arg15 : memref<!tpu.dma_semaphore, #tpu.memory_space<semaphore_mem>>) src(%dma_wait3A_100 : memref<10000x64xf32, #tpu.memory_space<hbm>>) dst(%arg10 : memref<125x64xf32, #tpu.memory_space<vmem>>)
        %add3A_101 = arith.constant 0 : i32
        %add3A_102 = arith.addi %add3A_101, %add3A_86 : i32
        %dma_start3A_103 = arith.constant 0 : i32
        %dma_start3A_104 = tpu.memref_slice %arg7[%add3A_102, %dma_start3A_103] : memref<40x125xi32, #tpu.memory_space<vmem>> -> memref<1x125xi32, #tpu.memory_space<vmem>>
        %dma_start3A_105 = tpu.memref_squeeze %dma_start3A_104 : memref<1x125xi32, #tpu.memory_space<vmem>> -> memref<125xi32, #tpu.memory_space<vmem>>
        %dma_start3A_106 = arith.constant 0 : i32
        %dma_start3A_107 = arith.constant 0 : i32
        %dma_start3A_108 = tpu.memref_slice %arg12[%dma_start3A_106, %dma_start3A_107] : memref<10240x64xf32, #tpu.memory_space<vmem_shared>> -> memref<10240x64xf32, #tpu.memory_space<vmem_shared>>
        tpu.enqueue_indirect_dma source(%arg10 : memref<125x64xf32, #tpu.memory_space<vmem>>) target(%dma_start3A_108 : memref<10240x64xf32, #tpu.memory_space<vmem_shared>>) offsets(%dma_start3A_105 : memref<125xi32, #tpu.memory_space<vmem>>) semaphore(%arg18 : memref<!tpu.dma_semaphore, #tpu.memory_space<semaphore_mem>>) {add = true}
        %add3A_109 = arith.constant 2 : i32
        %add3A_110 = arith.addi %add3A_86, %add3A_109 : i32
        %lt3A_111 = arith.constant 40 : i32
        %lt3A_112 = arith.cmpi slt, %add3A_110, %lt3A_111 : i32
        %convert_element_type3A_113 = arith.extui %lt3A_112 : i1 to i32
        %cond3A_114 = arith.constant 0 : i32
        %cond3A_115 = arith.cmpi ne, %convert_element_type3A_113, %cond3A_114 : i32
        scf.if %cond3A_115 {
          %ge3A = arith.constant 3 : i32
          %ge3A_116 = arith.cmpi sge, %add3A_110, %ge3A : i32
          %convert_element_type3A_117 = arith.extui %ge3A_116 : i1 to i32
          %cond3A_118 = arith.constant 0 : i32
          %cond3A_119 = arith.cmpi ne, %convert_element_type3A_117, %cond3A_118 : i32
          scf.if %cond3A_119 {
            %sub3A = arith.constant 3 : i32
            %sub3A_128 = arith.subi %add3A_110, %sub3A : i32
            %add3A_129 = arith.constant 0 : i32
            %add3A_130 = arith.addi %add3A_129, %sub3A_128 : i32
            %dma_wait3A_131 = arith.constant 0 : i32
            %dma_wait3A_132 = tpu.memref_slice %arg7[%add3A_130, %dma_wait3A_131] : memref<40x125xi32, #tpu.memory_space<vmem>> -> memref<1x125xi32, #tpu.memory_space<vmem>>
            %dma_wait3A_133 = tpu.memref_squeeze %dma_wait3A_132 : memref<1x125xi32, #tpu.memory_space<vmem>> -> memref<125xi32, #tpu.memory_space<vmem>>
            %dma_wait3A_134 = arith.constant 0 : i32
            %dma_wait3A_135 = arith.constant 0 : i32
            %dma_wait3A_136 = tpu.memref_slice %arg12[%dma_wait3A_134, %dma_wait3A_135] : memref<10240x64xf32, #tpu.memory_space<vmem_shared>> -> memref<10240x64xf32, #tpu.memory_space<vmem_shared>>
            tpu.wait_indirect_dma semaphore(%arg17 : memref<!tpu.dma_semaphore, #tpu.memory_space<semaphore_mem>>) src(%arg9 : memref<125x64xf32, #tpu.memory_space<vmem>>) dst(%dma_wait3A_136 : memref<10240x64xf32, #tpu.memory_space<vmem_shared>>)
          } else {
          }
          %add3A_120 = arith.constant 0 : i32
          %add3A_121 = arith.addi %add3A_120, %add3A_110 : i32
          %dma_start3A_122 = arith.constant 0 : i32
          %dma_start3A_123 = tpu.memref_slice %arg6[%add3A_121, %dma_start3A_122] : memref<40x125xi32, #tpu.memory_space<vmem>> -> memref<1x125xi32, #tpu.memory_space<vmem>>
          %dma_start3A_124 = tpu.memref_squeeze %dma_start3A_123 : memref<1x125xi32, #tpu.memory_space<vmem>> -> memref<125xi32, #tpu.memory_space<vmem>>
          %dma_start3A_125 = arith.constant 0 : i32
          %dma_start3A_126 = arith.constant 0 : i32
          %dma_start3A_127 = tpu.memref_slice %arg2[%dma_start3A_125, %dma_start3A_126] : memref<10000x64xf32, #tpu.memory_space<hbm>> -> memref<10000x64xf32, #tpu.memory_space<hbm>>
          tpu.enqueue_indirect_dma source(%dma_start3A_127 : memref<10000x64xf32, #tpu.memory_space<hbm>>) target(%arg9 : memref<125x64xf32, #tpu.memory_space<vmem>>) offsets(%dma_start3A_124 : memref<125xi32, #tpu.memory_space<vmem>>) semaphore(%arg14 : memref<!tpu.dma_semaphore, #tpu.memory_space<semaphore_mem>>)
        } else {
        }
      } else {
      }
      %scan3A_92 = arith.constant 0 : i32
      scf.yield %scan3A_92 : i32
    }
    %scan3A_37 = arith.constant 14 : i32
    %dma_wait3A = arith.constant 39 : i32
    %dma_wait3A_38 = arith.constant 0 : i32
    %dma_wait3A_39 = tpu.memref_slice %arg7[%dma_wait3A, %dma_wait3A_38] : memref<40x125xi32, #tpu.memory_space<vmem>> -> memref<1x125xi32, #tpu.memory_space<vmem>>
    %dma_wait3A_40 = tpu.memref_squeeze %dma_wait3A_39 : memref<1x125xi32, #tpu.memory_space<vmem>> -> memref<125xi32, #tpu.memory_space<vmem>>
    %dma_wait3A_41 = arith.constant 0 : i32
    %dma_wait3A_42 = arith.constant 0 : i32
    %dma_wait3A_43 = tpu.memref_slice %arg12[%dma_wait3A_41, %dma_wait3A_42] : memref<10240x64xf32, #tpu.memory_space<vmem_shared>> -> memref<10240x64xf32, #tpu.memory_space<vmem_shared>>
    tpu.wait_indirect_dma semaphore(%arg16 : memref<!tpu.dma_semaphore, #tpu.memory_space<semaphore_mem>>) src(%arg8 : memref<125x64xf32, #tpu.memory_space<vmem>>) dst(%dma_wait3A_43 : memref<10240x64xf32, #tpu.memory_space<vmem_shared>>)
    %dma_wait3A_44 = arith.constant 38 : i32
    %dma_wait3A_45 = arith.constant 0 : i32
    %dma_wait3A_46 = tpu.memref_slice %arg7[%dma_wait3A_44, %dma_wait3A_45] : memref<40x125xi32, #tpu.memory_space<vmem>> -> memref<1x125xi32, #tpu.memory_space<vmem>>
    %dma_wait3A_47 = tpu.memref_squeeze %dma_wait3A_46 : memref<1x125xi32, #tpu.memory_space<vmem>> -> memref<125xi32, #tpu.memory_space<vmem>>
    %dma_wait3A_48 = arith.constant 0 : i32
    %dma_wait3A_49 = arith.constant 0 : i32
    %dma_wait3A_50 = tpu.memref_slice %arg12[%dma_wait3A_48, %dma_wait3A_49] : memref<10240x64xf32, #tpu.memory_space<vmem_shared>> -> memref<10240x64xf32, #tpu.memory_space<vmem_shared>>
    tpu.wait_indirect_dma semaphore(%arg18 : memref<!tpu.dma_semaphore, #tpu.memory_space<semaphore_mem>>) src(%arg10 : memref<125x64xf32, #tpu.memory_space<vmem>>) dst(%dma_wait3A_50 : memref<10240x64xf32, #tpu.memory_space<vmem_shared>>)
    %dma_wait3A_51 = arith.constant 37 : i32
    %dma_wait3A_52 = arith.constant 0 : i32
    %dma_wait3A_53 = tpu.memref_slice %arg7[%dma_wait3A_51, %dma_wait3A_52] : memref<40x125xi32, #tpu.memory_space<vmem>> -> memref<1x125xi32, #tpu.memory_space<vmem>>
    %dma_wait3A_54 = tpu.memref_squeeze %dma_wait3A_53 : memref<1x125xi32, #tpu.memory_space<vmem>> -> memref<125xi32, #tpu.memory_space<vmem>>
    %dma_wait3A_55 = arith.constant 0 : i32
    %dma_wait3A_56 = arith.constant 0 : i32
    %dma_wait3A_57 = tpu.memref_slice %arg12[%dma_wait3A_55, %dma_wait3A_56] : memref<10240x64xf32, #tpu.memory_space<vmem_shared>> -> memref<10240x64xf32, #tpu.memory_space<vmem_shared>>
    tpu.wait_indirect_dma semaphore(%arg17 : memref<!tpu.dma_semaphore, #tpu.memory_space<semaphore_mem>>) src(%arg9 : memref<125x64xf32, #tpu.memory_space<vmem>>) dst(%dma_wait3A_57 : memref<10240x64xf32, #tpu.memory_space<vmem_shared>>)
    %barrier3A_58 = arith.constant 0 : index
    tpu.barrier barrier_id(%barrier3A_58)
    %scan3A_59 = arith.constant 0 : i32
    %scan3A_60 = arith.constant 0 : i32
    %scan3A_61 = arith.constant 10 : i32
    %scan3A_62 = arith.addi %scan3A_60, %scan3A_61 : i32
    %scan3A_63 = arith.constant 1 : i32
    %scan3A_64 = scf.for %scan3A_66 = %scan3A_60 to %scan3A_62 step %scan3A_63 iter_args(%scan3A_67 = %scan3A_59) -> (i32)  : i32 {
      %mul3A_68 = arith.constant 640 : i32
      %mul3A_69 = arith.muli %arg1, %mul3A_68 : i32
      %mul3A_70 = arith.constant 64 : i32
      %mul3A_71 = arith.muli %scan3A_66, %mul3A_70 : i32
      %add3A_72 = arith.addi %mul3A_69, %mul3A_71 : i32
      "tpu.region"() ({
        %run_scoped3A = tpu.sem_alloc : memref<!tpu.dma_semaphore, #tpu.memory_space<semaphore_mem>>
        %dma_start3A_82 = arith.constant 0 : i32
        %dma_start3A_83 = tpu.memref_slice %arg12[%add3A_72, %dma_start3A_82] : memref<10240x64xf32, #tpu.memory_space<vmem_shared>> -> memref<64x64xf32, #tpu.memory_space<vmem_shared>>
        %dma_start3A_84 = arith.constant 0 : i32
        %dma_start3A_85 = tpu.memref_slice %arg12[%add3A_72, %dma_start3A_84] : memref<10240x64xf32, #tpu.memory_space<vmem_shared>> -> memref<64x64xf32, #tpu.memory_space<vmem_shared>>
        tpu.enqueue_dma source(%dma_start3A_85 : memref<64x64xf32, #tpu.memory_space<vmem_shared>>) target(%arg11 : memref<64x64xf32, #tpu.memory_space<vmem>>) target_semaphore(%run_scoped3A : memref<!tpu.dma_semaphore, #tpu.memory_space<semaphore_mem>>)
        %dma_wait3A_86 = arith.constant 0 : i32
        %dma_wait3A_87 = tpu.memref_slice %arg12[%add3A_72, %dma_wait3A_86] : memref<10240x64xf32, #tpu.memory_space<vmem_shared>> -> memref<64x64xf32, #tpu.memory_space<vmem_shared>>
        %dma_wait3A_88 = arith.constant 0 : i32
        %dma_wait3A_89 = tpu.memref_slice %arg12[%add3A_72, %dma_wait3A_88] : memref<10240x64xf32, #tpu.memory_space<vmem_shared>> -> memref<64x64xf32, #tpu.memory_space<vmem_shared>>
        tpu.wait_dma2 semaphore(%run_scoped3A : memref<!tpu.dma_semaphore, #tpu.memory_space<semaphore_mem>>) src(%dma_wait3A_89 : memref<64x64xf32, #tpu.memory_space<vmem_shared>>) dst(%arg11 : memref<64x64xf32, #tpu.memory_space<vmem>>)
        tpu.yield
      }) : () -> ()
      %mul3A_73 = arith.constant 10240 : i32
      %mul3A_74 = arith.muli %arg0, %mul3A_73 : i32
      %mul3A_75 = arith.constant 640 : i32
      %mul3A_76 = arith.muli %arg1, %mul3A_75 : i32
      %add3A_77 = arith.addi %mul3A_74, %mul3A_76 : i32
      %mul3A_78 = arith.constant 64 : i32
      %mul3A_79 = arith.muli %scan3A_66, %mul3A_78 : i32
      %add3A_80 = arith.addi %add3A_77, %mul3A_79 : i32
      %multiple_of3A = tpu.assume_multiple %add3A_80, 64 : i32
      "tpu.region"() ({
        %run_scoped3A = tpu.sem_alloc : memref<!tpu.dma_semaphore, #tpu.memory_space<semaphore_mem>>
        %dma_start3A_82 = arith.constant 0 : i32
        %dma_start3A_83 = tpu.memref_slice %arg5[%multiple_of3A, %dma_start3A_82] : memref<20480x64xf32, #tpu.memory_space<hbm>> -> memref<64x64xf32, #tpu.memory_space<hbm>>
        %dma_start3A_84 = arith.constant 0 : i32
        %dma_start3A_85 = tpu.memref_slice %arg5[%multiple_of3A, %dma_start3A_84] : memref<20480x64xf32, #tpu.memory_space<hbm>> -> memref<64x64xf32, #tpu.memory_space<hbm>>
        tpu.enqueue_dma source(%arg11 : memref<64x64xf32, #tpu.memory_space<vmem>>) target(%dma_start3A_85 : memref<64x64xf32, #tpu.memory_space<hbm>>) target_semaphore(%run_scoped3A : memref<!tpu.dma_semaphore, #tpu.memory_space<semaphore_mem>>)
        %dma_wait3A_86 = arith.constant 0 : i32
        %dma_wait3A_87 = tpu.memref_slice %arg5[%multiple_of3A, %dma_wait3A_86] : memref<20480x64xf32, #tpu.memory_space<hbm>> -> memref<64x64xf32, #tpu.memory_space<hbm>>
        %dma_wait3A_88 = arith.constant 0 : i32
        %dma_wait3A_89 = tpu.memref_slice %arg5[%multiple_of3A, %dma_wait3A_88] : memref<20480x64xf32, #tpu.memory_space<hbm>> -> memref<64x64xf32, #tpu.memory_space<hbm>>
        tpu.wait_dma2 semaphore(%run_scoped3A : memref<!tpu.dma_semaphore, #tpu.memory_space<semaphore_mem>>) src(%arg11 : memref<64x64xf32, #tpu.memory_space<vmem>>) dst(%dma_wait3A_89 : memref<64x64xf32, #tpu.memory_space<hbm>>)
        tpu.yield
      }) : () -> ()
      %scan3A_81 = arith.constant 0 : i32
      scf.yield %scan3A_81 : i32
    }
    %scan3A_65 = arith.constant 10 : i32
    return
  }
}

module attributes {stable_mosaic.version = 14 : i64} {
  func.func @_tc0_body(%arg0: i32, %arg1: memref<1000x256xf32, #tpu.memory_space<vmem>>, %arg2: memref<256x256xf32, #tpu.memory_space<vmem>>, %arg3: memref<1000x256xf32, #tpu.memory_space<vmem>>) attributes {dimension_semantics = [#tpu.dimension_semantics<arbitrary>], iteration_bounds = array<i64: 10>, scalar_prefetch = 0 : i64, scratch_operands = 0 : i64, tpu.core_type = #tpu.core_type<tc>, window_params = [{transform_indices = @transform_0, window_bounds = array<i64: 1000, 256>}, {pipeline_mode = #tpu.pipeline_mode<synchronous>, transform_indices = @transform_1, window_bounds = array<i64: 256, 256>}, {transform_indices = @transform_2, window_bounds = array<i64: 1000, 256>}]} {
    %get3A = arith.constant 0 : index
    %get3A_0 = arith.constant 0 : index
    %get3A_1 = vector.load %arg1[%get3A, %get3A_0] : memref<1000x256xf32, #tpu.memory_space<vmem>>, vector<1000x256xf32>
    %get3A_2 = arith.constant 0 : index
    %get3A_3 = arith.constant 0 : index
    %get3A_4 = vector.load %arg2[%get3A_2, %get3A_3] : memref<256x256xf32, #tpu.memory_space<vmem>>, vector<256x256xf32>
    %dot_general3A = arith.constant dense<0.000000e+00> : vector<1000x256xf32>
    %dot_general3A_5 = tpu.matmul %get3A_1, %get3A_4, %dot_general3A {dimension_numbers = #tpu.dot_dimension_numbers<[1], [0], [0], [1], [0, 0, 1, 1], [], []>, transpose_lhs_hint = false} : vector<1000x256xf32>, vector<256x256xf32>, vector<1000x256xf32> -> vector<1000x256xf32>
    %swap3A = arith.constant 0 : index
    %swap3A_6 = arith.constant 0 : index
    %swap3A_7 = vector.load %arg3[%swap3A, %swap3A_6] : memref<1000x256xf32, #tpu.memory_space<vmem>>, vector<1000x256xf32>
    tpu.vector_store %arg3[%swap3A, %swap3A_6], %dot_general3A_5 {strides = array<i32>} : memref<1000x256xf32, #tpu.memory_space<vmem>>, vector<1000x256xf32>,
    return
  }
  func.func @transform_0(%arg0: i32) -> (i32, i32) {
    %c0_i32 = arith.constant 0 : i32
    %c0_i32_0 = arith.constant 0 : i32
    return %arg0, %c0_i32 : i32, i32
  }
  func.func @transform_1(%arg0: i32) -> (i32, i32) {
    %c0_i32 = arith.constant 0 : i32
    %c0_i32_0 = arith.constant 0 : i32
    %c0_i32_1 = arith.constant 0 : i32
    return %c0_i32, %c0_i32_0 : i32, i32
  }
  func.func @transform_2(%arg0: i32) -> (i32, i32) {
    %c0_i32 = arith.constant 0 : i32
    %c0_i32_0 = arith.constant 0 : i32
    return %arg0, %c0_i32 : i32, i32
  }
}

module attributes {stable_mosaic.version = 14 : i64} {
  func.func @_tc1_body(%arg0: i32, %arg1: memref<1000x256xf32, #tpu.memory_space<vmem>>, %arg2: memref<1x1000x8xf32, #tpu.memory_space<vmem>>, %arg3: memref<1x1000x8xf32, #tpu.memory_space<vmem>>, %arg4: memref<1000x128xf32, #tpu.memory_space<vmem>>, %arg5: memref<1000x128xf32, #tpu.memory_space<vmem>>) attributes {dimension_semantics = [#tpu.dimension_semantics<arbitrary>], iteration_bounds = array<i64: 10>, scalar_prefetch = 0 : i64, scratch_operands = 0 : i64, tpu.core_type = #tpu.core_type<tc>, window_params = [{transform_indices = @transform_0, window_bounds = array<i64: 1000, 256>}, {transform_indices = @transform_1, window_bounds = array<i64: 1, 1000, 8>}, {transform_indices = @transform_2, window_bounds = array<i64: 1, 1000, 8>}, {transform_indices = @transform_3, window_bounds = array<i64: 1000, 128>}, {transform_indices = @transform_4, window_bounds = array<i64: 1000, 128>}]} {
    %get3A = arith.constant 0 : index
    %get3A_0 = arith.constant 0 : index
    %get3A_1 = arith.constant 0 : index
    %get3A_2 = vector.load %arg2[%get3A, %get3A_0, %get3A_1] : memref<1x1000x8xf32, #tpu.memory_space<vmem>>, vector<1x1000x1xf32>
    %get3A_3 = vector.shape_cast %get3A_2 : vector<1x1000x1xf32> to vector<1000x1xf32>
    %get3A_4 = arith.constant 0 : index
    %get3A_5 = arith.constant 0 : index
    %get3A_6 = arith.constant 0 : index
    %get3A_7 = vector.load %arg3[%get3A_4, %get3A_5, %get3A_6] : memref<1x1000x8xf32, #tpu.memory_space<vmem>>, vector<1x1000x1xf32>
    %get3A_8 = vector.shape_cast %get3A_7 : vector<1x1000x1xf32> to vector<1000x1xf32>
    %add3A = arith.addf %get3A_3, %get3A_8 : vector<1000x1xf32>
    %add3A_9 = arith.constant 1.000000e+00 : f32
    %add3A_10 = vector.broadcast %add3A_9 : f32 to vector<1000x1xf32>
    %add3A_11 = arith.addf %add3A, %add3A_10 : vector<1000x1xf32>
    %rsqrt3A = math.rsqrt %add3A_11 : vector<1000x1xf32>
    %get3A_12 = arith.constant 0 : index
    %get3A_13 = arith.constant 0 : index
    %get3A_14 = vector.load %arg1[%get3A_12, %get3A_13] : memref<1000x256xf32, #tpu.memory_space<vmem>>, vector<1000x256xf32>
    %mul3A = vector.broadcast %rsqrt3A : vector<1000x1xf32> to vector<1000x256xf32>
    %mul3A_15 = arith.mulf %get3A_14, %mul3A : vector<1000x256xf32>
    %slice3A = vector.extract_strided_slice %mul3A_15 {offsets = [0, 0], sizes = [1000, 128], strides = [1, 1]} : vector<1000x256xf32> to vector<1000x128xf32>
    %swap3A = arith.constant 0 : index
    %swap3A_16 = arith.constant 0 : index
    %swap3A_17 = vector.load %arg4[%swap3A, %swap3A_16] : memref<1000x128xf32, #tpu.memory_space<vmem>>, vector<1000x128xf32>
    tpu.vector_store %arg4[%swap3A, %swap3A_16], %slice3A {strides = array<i32>} : memref<1000x128xf32, #tpu.memory_space<vmem>>, vector<1000x128xf32>,
    %slice3A_18 = vector.extract_strided_slice %mul3A_15 {offsets = [0, 128], sizes = [1000, 128], strides = [1, 1]} : vector<1000x256xf32> to vector<1000x128xf32>
    %swap3A_19 = arith.constant 0 : index
    %swap3A_20 = arith.constant 0 : index
    %swap3A_21 = vector.load %arg5[%swap3A_19, %swap3A_20] : memref<1000x128xf32, #tpu.memory_space<vmem>>, vector<1000x128xf32>
    tpu.vector_store %arg5[%swap3A_19, %swap3A_20], %slice3A_18 {strides = array<i32>} : memref<1000x128xf32, #tpu.memory_space<vmem>>, vector<1000x128xf32>,
    return
  }
  func.func @transform_0(%arg0: i32) -> (i32, i32) {
    %c0_i32 = arith.constant 0 : i32
    %c0_i32_0 = arith.constant 0 : i32
    return %arg0, %c0_i32 : i32, i32
  }
  func.func @transform_1(%arg0: i32) -> (i32, i32, i32) {
    %c0_i32 = arith.constant 0 : i32
    %c0_i32_0 = arith.constant 0 : i32
    %c0_i32_1 = arith.constant 0 : i32
    return %c0_i32, %arg0, %c0_i32_0 : i32, i32, i32
  }
  func.func @transform_2(%arg0: i32) -> (i32, i32, i32) {
    %c1_i32 = arith.constant 1 : i32
    %c0_i32 = arith.constant 0 : i32
    %c0_i32_0 = arith.constant 0 : i32
    return %c1_i32, %arg0, %c0_i32 : i32, i32, i32
  }
  func.func @transform_3(%arg0: i32) -> (i32, i32) {
    %c0_i32 = arith.constant 0 : i32
    %c0_i32_0 = arith.constant 0 : i32
    return %arg0, %c0_i32 : i32, i32
  }
  func.func @transform_4(%arg0: i32) -> (i32, i32) {
    %c0_i32 = arith.constant 0 : i32
    %c0_i32_0 = arith.constant 0 : i32
    return %arg0, %c0_i32 : i32, i32
  }
}

module attributes {stable_mosaic.version = 14 : i64} {
  func.func @_tc2_body(%arg0: i32, %arg1: memref<1000x128xf32, #tpu.memory_space<vmem>>, %arg2: memref<1000x128xf32, #tpu.memory_space<vmem>>, %arg3: memref<1000x128xf32, #tpu.memory_space<vmem>>, %arg4: memref<1000x128xf32, #tpu.memory_space<vmem>>, %arg5: memref<1x1000x8xf32, #tpu.memory_space<vmem>>, %arg6: memref<1x1000x8xf32, #tpu.memory_space<vmem>>, %arg7: memref<1x256xf32, #tpu.memory_space<vmem>>, %arg8: memref<256x64xf32, #tpu.memory_space<vmem>>, %arg9: memref<1000x64xf32, #tpu.memory_space<vmem>>) attributes {dimension_semantics = [#tpu.dimension_semantics<arbitrary>], iteration_bounds = array<i64: 10>, scalar_prefetch = 0 : i64, scratch_operands = 0 : i64, tpu.core_type = #tpu.core_type<tc>, window_params = [{transform_indices = @transform_0, window_bounds = array<i64: 1000, 128>}, {transform_indices = @transform_1, window_bounds = array<i64: 1000, 128>}, {transform_indices = @transform_2, window_bounds = array<i64: 1000, 128>}, {transform_indices = @transform_3, window_bounds = array<i64: 1000, 128>}, {transform_indices = @transform_4, window_bounds = array<i64: 1, 1000, 8>}, {transform_indices = @transform_5, window_bounds = array<i64: 1, 1000, 8>}, {pipeline_mode = #tpu.pipeline_mode<synchronous>, transform_indices = @transform_6, window_bounds = array<i64: 1, 256>}, {pipeline_mode = #tpu.pipeline_mode<synchronous>, transform_indices = @transform_7, window_bounds = array<i64: 256, 64>}, {transform_indices = @transform_8, window_bounds = array<i64: 1000, 64>}]} {
    %get3A = arith.constant 0 : index
    %get3A_0 = arith.constant 0 : index
    %get3A_1 = arith.constant 0 : index
    %get3A_2 = vector.load %arg5[%get3A, %get3A_0, %get3A_1] : memref<1x1000x8xf32, #tpu.memory_space<vmem>>, vector<1x1000x1xf32>
    %get3A_3 = vector.shape_cast %get3A_2 : vector<1x1000x1xf32> to vector<1000x1xf32>
    %get3A_4 = arith.constant 0 : index
    %get3A_5 = arith.constant 0 : index
    %get3A_6 = arith.constant 0 : index
    %get3A_7 = vector.load %arg6[%get3A_4, %get3A_5, %get3A_6] : memref<1x1000x8xf32, #tpu.memory_space<vmem>>, vector<1x1000x1xf32>
    %get3A_8 = vector.shape_cast %get3A_7 : vector<1x1000x1xf32> to vector<1000x1xf32>
    %add3A = arith.addf %get3A_3, %get3A_8 : vector<1000x1xf32>
    %add3A_9 = arith.constant 1.000000e+00 : f32
    %add3A_10 = vector.broadcast %add3A_9 : f32 to vector<1000x1xf32>
    %add3A_11 = arith.addf %add3A, %add3A_10 : vector<1000x1xf32>
    %rsqrt3A = math.rsqrt %add3A_11 : vector<1000x1xf32>
    %get3A_12 = arith.constant 0 : index
    %get3A_13 = arith.constant 0 : index
    %get3A_14 = vector.load %arg1[%get3A_12, %get3A_13] : memref<1000x128xf32, #tpu.memory_space<vmem>>, vector<1000x128xf32>
    %get3A_15 = arith.constant 0 : index
    %get3A_16 = arith.constant 0 : index
    %get3A_17 = vector.load %arg3[%get3A_15, %get3A_16] : memref<1000x128xf32, #tpu.memory_space<vmem>>, vector<1000x128xf32>
    %add3A_18 = arith.addf %get3A_14, %get3A_17 : vector<1000x128xf32>
    %mul3A = vector.broadcast %rsqrt3A : vector<1000x1xf32> to vector<1000x128xf32>
    %mul3A_19 = arith.mulf %mul3A, %add3A_18 : vector<1000x128xf32>
    %get3A_20 = arith.constant 0 : index
    %get3A_21 = arith.constant 0 : index
    %get3A_22 = vector.load %arg7[%get3A_20, %get3A_21] : memref<1x256xf32, #tpu.memory_space<vmem>>, vector<1x128xf32>
    %add3A_23 = vector.broadcast %get3A_22 : vector<1x128xf32> to vector<1000x128xf32>
    %add3A_24 = arith.addf %mul3A_19, %add3A_23 : vector<1000x128xf32>
    %max3A = arith.constant 0.000000e+00 : f32
    %max3A_25 = vector.broadcast %max3A : f32 to vector<1000x128xf32>
    %max3A_26 = arith.maximumf %add3A_24, %max3A_25 : vector<1000x128xf32>
    %get3A_27 = arith.constant 0 : index
    %get3A_28 = arith.constant 0 : index
    %get3A_29 = vector.load %arg2[%get3A_27, %get3A_28] : memref<1000x128xf32, #tpu.memory_space<vmem>>, vector<1000x128xf32>
    %get3A_30 = arith.constant 0 : index
    %get3A_31 = arith.constant 0 : index
    %get3A_32 = vector.load %arg4[%get3A_30, %get3A_31] : memref<1000x128xf32, #tpu.memory_space<vmem>>, vector<1000x128xf32>
    %add3A_33 = arith.addf %get3A_29, %get3A_32 : vector<1000x128xf32>
    %mul3A_34 = vector.broadcast %rsqrt3A : vector<1000x1xf32> to vector<1000x128xf32>
    %mul3A_35 = arith.mulf %mul3A_34, %add3A_33 : vector<1000x128xf32>
    %get3A_36 = arith.constant 0 : index
    %get3A_37 = arith.constant 128 : index
    %get3A_38 = vector.load %arg7[%get3A_36, %get3A_37] : memref<1x256xf32, #tpu.memory_space<vmem>>, vector<1x128xf32>
    %add3A_39 = vector.broadcast %get3A_38 : vector<1x128xf32> to vector<1000x128xf32>
    %add3A_40 = arith.addf %mul3A_35, %add3A_39 : vector<1000x128xf32>
    %max3A_41 = arith.constant 0.000000e+00 : f32
    %max3A_42 = vector.broadcast %max3A_41 : f32 to vector<1000x128xf32>
    %max3A_43 = arith.maximumf %add3A_40, %max3A_42 : vector<1000x128xf32>
    %concatenate3A = tpu.concatenate %max3A_26, %max3A_43 in 1 : vector<1000x128xf32>, vector<1000x128xf32> -> vector<1000x256xf32>
    %get3A_44 = arith.constant 0 : index
    %get3A_45 = arith.constant 0 : index
    %get3A_46 = vector.load %arg8[%get3A_44, %get3A_45] : memref<256x64xf32, #tpu.memory_space<vmem>>, vector<256x64xf32>
    %dot_general3A = arith.constant dense<0.000000e+00> : vector<1000x64xf32>
    %dot_general3A_47 = tpu.matmul %concatenate3A, %get3A_46, %dot_general3A {dimension_numbers = #tpu.dot_dimension_numbers<[1], [0], [0], [1], [0, 0, 1, 1], [], []>, transpose_lhs_hint = false} : vector<1000x256xf32>, vector<256x64xf32>, vector<1000x64xf32> -> vector<1000x64xf32>
    %mul3A_48 = vector.broadcast %rsqrt3A : vector<1000x1xf32> to vector<1000x64xf32>
    %mul3A_49 = arith.mulf %dot_general3A_47, %mul3A_48 : vector<1000x64xf32>
    %swap3A = arith.constant 0 : index
    %swap3A_50 = arith.constant 0 : index
    %swap3A_51 = vector.load %arg9[%swap3A, %swap3A_50] : memref<1000x64xf32, #tpu.memory_space<vmem>>, vector<1000x64xf32>
    tpu.vector_store %arg9[%swap3A, %swap3A_50], %mul3A_49 {strides = array<i32>} : memref<1000x64xf32, #tpu.memory_space<vmem>>, vector<1000x64xf32>,
    return
  }
  func.func @transform_0(%arg0: i32) -> (i32, i32) {
    %c0_i32 = arith.constant 0 : i32
    %c0_i32_0 = arith.constant 0 : i32
    return %arg0, %c0_i32 : i32, i32
  }
  func.func @transform_1(%arg0: i32) -> (i32, i32) {
    %c0_i32 = arith.constant 0 : i32
    %c0_i32_0 = arith.constant 0 : i32
    return %arg0, %c0_i32 : i32, i32
  }
  func.func @transform_2(%arg0: i32) -> (i32, i32) {
    %c0_i32 = arith.constant 0 : i32
    %c0_i32_0 = arith.constant 0 : i32
    return %arg0, %c0_i32 : i32, i32
  }
  func.func @transform_3(%arg0: i32) -> (i32, i32) {
    %c0_i32 = arith.constant 0 : i32
    %c0_i32_0 = arith.constant 0 : i32
    return %arg0, %c0_i32 : i32, i32
  }
  func.func @transform_4(%arg0: i32) -> (i32, i32, i32) {
    %c0_i32 = arith.constant 0 : i32
    %c0_i32_0 = arith.constant 0 : i32
    %c0_i32_1 = arith.constant 0 : i32
    return %c0_i32, %arg0, %c0_i32_0 : i32, i32, i32
  }
  func.func @transform_5(%arg0: i32) -> (i32, i32, i32) {
    %c1_i32 = arith.constant 1 : i32
    %c0_i32 = arith.constant 0 : i32
    %c0_i32_0 = arith.constant 0 : i32
    return %c1_i32, %arg0, %c0_i32 : i32, i32, i32
  }
  func.func @transform_6(%arg0: i32) -> (i32, i32) {
    %c0_i32 = arith.constant 0 : i32
    %c0_i32_0 = arith.constant 0 : i32
    %c0_i32_1 = arith.constant 0 : i32
    return %c0_i32, %c0_i32_0 : i32, i32
  }
  func.func @transform_7(%arg0: i32) -> (i32, i32) {
    %c0_i32 = arith.constant 0 : i32
    %c0_i32_0 = arith.constant 0 : i32
    %c0_i32_1 = arith.constant 0 : i32
    return %c0_i32, %c0_i32_0 : i32, i32
  }
  func.func @transform_8(%arg0: i32) -> (i32, i32) {
    %c0_i32 = arith.constant 0 : i32
    %c0_i32_0 = arith.constant 0 : i32
    return %arg0, %c0_i32 : i32, i32
  }
}

module attributes {stable_mosaic.version = 14 : i64} {
  func.func @_tc3_body(%arg0: i32, %arg1: memref<1x1000x64xf32, #tpu.memory_space<vmem>>, %arg2: memref<1x1000x64xf32, #tpu.memory_space<vmem>>, %arg3: memref<1000x64xf32, #tpu.memory_space<vmem>>, %arg4: memref<1x1000x8xf32, #tpu.memory_space<vmem>>, %arg5: memref<1x1000x8xf32, #tpu.memory_space<vmem>>, %arg6: memref<1x64xf32, #tpu.memory_space<vmem>>, %arg7: memref<1000x64xf32, #tpu.memory_space<vmem>>) attributes {dimension_semantics = [#tpu.dimension_semantics<arbitrary>], iteration_bounds = array<i64: 10>, scalar_prefetch = 0 : i64, scratch_operands = 0 : i64, tpu.core_type = #tpu.core_type<tc>, window_params = [{transform_indices = @transform_0, window_bounds = array<i64: 1, 1000, 64>}, {transform_indices = @transform_1, window_bounds = array<i64: 1, 1000, 64>}, {transform_indices = @transform_2, window_bounds = array<i64: 1000, 64>}, {transform_indices = @transform_3, window_bounds = array<i64: 1, 1000, 8>}, {transform_indices = @transform_4, window_bounds = array<i64: 1, 1000, 8>}, {pipeline_mode = #tpu.pipeline_mode<synchronous>, transform_indices = @transform_5, window_bounds = array<i64: 1, 64>}, {transform_indices = @transform_6, window_bounds = array<i64: 1000, 64>}]} {
    %get3A = arith.constant 0 : index
    %get3A_0 = arith.constant 0 : index
    %get3A_1 = arith.constant 0 : index
    %get3A_2 = vector.load %arg4[%get3A, %get3A_0, %get3A_1] : memref<1x1000x8xf32, #tpu.memory_space<vmem>>, vector<1x1000x1xf32>
    %get3A_3 = vector.shape_cast %get3A_2 : vector<1x1000x1xf32> to vector<1000x1xf32>
    %get3A_4 = arith.constant 0 : index
    %get3A_5 = arith.constant 0 : index
    %get3A_6 = arith.constant 0 : index
    %get3A_7 = vector.load %arg5[%get3A_4, %get3A_5, %get3A_6] : memref<1x1000x8xf32, #tpu.memory_space<vmem>>, vector<1x1000x1xf32>
    %get3A_8 = vector.shape_cast %get3A_7 : vector<1x1000x1xf32> to vector<1000x1xf32>
    %add3A = arith.addf %get3A_3, %get3A_8 : vector<1000x1xf32>
    %add3A_9 = arith.constant 1.000000e+00 : f32
    %add3A_10 = vector.broadcast %add3A_9 : f32 to vector<1000x1xf32>
    %add3A_11 = arith.addf %add3A, %add3A_10 : vector<1000x1xf32>
    %rsqrt3A = math.rsqrt %add3A_11 : vector<1000x1xf32>
    %get3A_12 = arith.constant 0 : index
    %get3A_13 = arith.constant 0 : index
    %get3A_14 = arith.constant 0 : index
    %get3A_15 = vector.load %arg1[%get3A_12, %get3A_13, %get3A_14] : memref<1x1000x64xf32, #tpu.memory_space<vmem>>, vector<1x1000x64xf32>
    %get3A_16 = vector.shape_cast %get3A_15 : vector<1x1000x64xf32> to vector<1000x64xf32>
    %get3A_17 = arith.constant 0 : index
    %get3A_18 = arith.constant 0 : index
    %get3A_19 = arith.constant 0 : index
    %get3A_20 = vector.load %arg2[%get3A_17, %get3A_18, %get3A_19] : memref<1x1000x64xf32, #tpu.memory_space<vmem>>, vector<1x1000x64xf32>
    %get3A_21 = vector.shape_cast %get3A_20 : vector<1x1000x64xf32> to vector<1000x64xf32>
    %add3A_22 = arith.addf %get3A_16, %get3A_21 : vector<1000x64xf32>
    %get3A_23 = arith.constant 0 : index
    %get3A_24 = arith.constant 0 : index
    %get3A_25 = vector.load %arg3[%get3A_23, %get3A_24] : memref<1000x64xf32, #tpu.memory_space<vmem>>, vector<1000x64xf32>
    %add3A_26 = arith.addf %add3A_22, %get3A_25 : vector<1000x64xf32>
    %mul3A = vector.broadcast %rsqrt3A : vector<1000x1xf32> to vector<1000x64xf32>
    %mul3A_27 = arith.mulf %mul3A, %add3A_26 : vector<1000x64xf32>
    %get3A_28 = arith.constant 0 : index
    %get3A_29 = arith.constant 0 : index
    %get3A_30 = vector.load %arg6[%get3A_28, %get3A_29] : memref<1x64xf32, #tpu.memory_space<vmem>>, vector<1x64xf32>
    %add3A_31 = vector.broadcast %get3A_30 : vector<1x64xf32> to vector<1000x64xf32>
    %add3A_32 = arith.addf %mul3A_27, %add3A_31 : vector<1000x64xf32>
    %swap3A = arith.constant 0 : index
    %swap3A_33 = arith.constant 0 : index
    %swap3A_34 = vector.load %arg7[%swap3A, %swap3A_33] : memref<1000x64xf32, #tpu.memory_space<vmem>>, vector<1000x64xf32>
    tpu.vector_store %arg7[%swap3A, %swap3A_33], %add3A_32 {strides = array<i32>} : memref<1000x64xf32, #tpu.memory_space<vmem>>, vector<1000x64xf32>,
    return
  }
  func.func @transform_0(%arg0: i32) -> (i32, i32, i32) {
    %c0_i32 = arith.constant 0 : i32
    %c0_i32_0 = arith.constant 0 : i32
    %c0_i32_1 = arith.constant 0 : i32
    return %c0_i32, %arg0, %c0_i32_0 : i32, i32, i32
  }
  func.func @transform_1(%arg0: i32) -> (i32, i32, i32) {
    %c1_i32 = arith.constant 1 : i32
    %c0_i32 = arith.constant 0 : i32
    %c0_i32_0 = arith.constant 0 : i32
    return %c1_i32, %arg0, %c0_i32 : i32, i32, i32
  }
  func.func @transform_2(%arg0: i32) -> (i32, i32) {
    %c0_i32 = arith.constant 0 : i32
    %c0_i32_0 = arith.constant 0 : i32
    return %arg0, %c0_i32 : i32, i32
  }
  func.func @transform_3(%arg0: i32) -> (i32, i32, i32) {
    %c0_i32 = arith.constant 0 : i32
    %c0_i32_0 = arith.constant 0 : i32
    %c0_i32_1 = arith.constant 0 : i32
    return %c0_i32, %arg0, %c0_i32_0 : i32, i32, i32
  }
  func.func @transform_4(%arg0: i32) -> (i32, i32, i32) {
    %c1_i32 = arith.constant 1 : i32
    %c0_i32 = arith.constant 0 : i32
    %c0_i32_0 = arith.constant 0 : i32
    return %c1_i32, %arg0, %c0_i32 : i32, i32, i32
  }
  func.func @transform_5(%arg0: i32) -> (i32, i32) {
    %c0_i32 = arith.constant 0 : i32
    %c0_i32_0 = arith.constant 0 : i32
    %c0_i32_1 = arith.constant 0 : i32
    return %c0_i32, %c0_i32_0 : i32, i32
  }
  func.func @transform_6(%arg0: i32) -> (i32, i32) {
    %c0_i32 = arith.constant 0 : i32
    %c0_i32_0 = arith.constant 0 : i32
    return %arg0, %c0_i32 : i32, i32
  }
}

</mosaic_0001>

<sc_bundles>
// kernel: kernel.12.cloned.1.call-start
scs
__scs_entry_jumppad:
0x0: {  	(pc) =	sbr.rel $0x88, $3  }
0x1: {  	(tag) =	ssettag $0x0;
	lr =	simm.s32 $0x1  }
0x2: {  	[smem:$0x3F9B] =	sst lr;
	_ =	strace $0xD0000000  }
0x3: {  	_ = 	snop  }
0x4: {  	_ = 	snop  }
0x5: {  	_ = 	snop  }
0x6: {  	_ = 	snop  }
0x7: {  	_ = 	snop  }
__scs_overlays_trampoline_lowered:
0x8: {  	[smem:$0x3FAA] =	sst s0  }
0x9: {  	[smem:$0x3FAB] =	sst s1  }
0xa: {  	[smem:$0x3FAC] =	sst s2  }
0xb: {  	[smem:$0x3FAD] =	sst s3  }
0xc: {  	[smem:$0x3FAE] =	sst s4  }
0xd: {  	[smem:$0x3FAF] =	sst s5  }
0xe: {  	[smem:$0x3FB0] =	sst s6  }
0xf: {  	[smem:$0x3FB1] =	sst s7  }
0x10: {  	[smem:$0x3FB2] =	sst s8  }
0x11: {  	[smem:$0x3FB3] =	sst s9;
	s0 =	simm.s32 @!p0 $0x0  }
0x12: {  	s1 =	sld [smem:$0x3F99];
	s0 =	simm.s32 @p0 $0x1  }
0x13: {  	[smem:$0x3FB4] =	sst s0;
	s0 =	simm.s32 @!p1 $0x0  }
0x14: {  	s2 =	sld [smem:$0x3F98];
	s0 =	simm.s32 @p1 $0x1  }
0x15: {  	[smem:$0x3FB5] =	sst s0;
	s0 =	simm.s32 @!p2 $0x0  }
0x16: {  	s3 =	sld [smem:$0x3FDB];
	s0 =	simm.s32 @p2 $0x1  }
0x17: {  	s4 =	simm.s32 $0x1BF5;
	[smem:$0x3FB7] =	sst s0  }
0x18: {  	s0 =	sld [smem:$0x3F9A];
	_ =	swait.ge [sflag:s4], $0x0  }
0x19: {  	s7 =	sld [smem:$0x3F9B]  }
0x1a: {  	s8 =	sadd.s32 $0xFFFFE003, lr  }
0x1b: {  	s9 =	sadd.s32 $0xFFFFFEF7, lr;
	s5 =	simm.s32 $0xFFFFFFFF;
	p2 =	slt.u32 s8, $0xFFFFF086  }
0x1c: {  	p1 =	slt.u32 s9, $0xF7A;
	s5 =	simm.s32 @!p2 $0x0  }
0x1d: {  	s5 =	simm.s32 @p1 $0x1;
	p0 =	seq.s32 s7, s2  }
0x1e: {  	s7 =	smul.u32 @!p0 $0xF7A, s2;
	p2 =	seq.s32 @!p0 s5, $0x0  }
0x1f: {  	s9 =	smul.u32 $0xF7A, s1;
	s8 =	simm.s32 @!p0 $0x1BF5;
	p2 =	por !p2, p0  }
0x20: {  	[sflag:s8] =	ssyncset.s32 @!p0 $0xFFFFF086;
	s6 =	sadd.s32 @!p0 s3, s7;
	s7 =	simm.s32 @!p0 $0x108  }
0x21: {  	s3 =	sadd.s32 s3, s9;
	s6 =	sadd.s32 @!p0 $0x88, s6;
	s7 =	simm.s32 @p2 $0x1082  }
0x22: {  	[simem:s7], [sflag:s8] =	dma.local @!p0 [hbm:s6], $0xF7A  }
0x23: {  	s9 =	sor.u32 $0xD0000000, s2;
	s6 =	simm.s32 $0x108;
	_ =	swait.ge @!p0 [sflag:s8], $0x0  }
0x24: {  	s3 =	sadd.s32 $0x88, s3;
	s6 =	simm.s32 @!p1 $0x1082;
	[sflag:s4] =	ssyncset.s32 $0xFFFFF086  }
0x25: {  	[simem:s6], [sflag:s4] =	dma.local [hbm:s3], $0xF7A  }
0x26: {  	[smem:$0x3F9B] =	sst s1;
	(tag) =	ssettag s2;
	_ =	strace s9  }
0x27: {  	s1 =	sld [smem:$0x3FAB]  }
0x28: {  	s2 =	sld [smem:$0x3FAC]  }
0x29: {  	s4 =	sld [smem:$0x3FAE]  }
0x2a: {  	p0 =	seq.s32 s5, $0x0;
	s5 =	sld [smem:$0x3FAF]  }
0x2b: {  	s6 =	sld [smem:$0x3FB0]  }
0x2c: {  	s7 =	sld [smem:$0x3FB1]  }
0x2d: {  	s3 =	simm.s32 $0x108;
	s8 =	sld [smem:$0x3FB2]  }
0x2e: {  	s3 =	simm.s32 @!p0 $0x1082;
	s9 =	sld [smem:$0x3FB3]  }
0x2f: {  	lr =	sadd.s32 s0, s3;
	s0 =	sld [smem:$0x3FAA]  }
0x30: {  	s3 =	sld [smem:$0x3FAD]  }
0x31: {  	[smem:$0x3FB6] =	sst s10  }
0x32: {  	s10 =	sld [smem:$0x3FB4];
	_ =	sdelay $0x3  }
0x33: {  	p0 =	seq.s32 s10, $0x1;
	s10 =	sld [smem:$0x3FB6];
	_ =	sdelay $0x3  }
0x34: {  	[smem:$0x3FB6] =	sst s10  }
0x35: {  	s10 =	sld [smem:$0x3FB5];
	_ =	sdelay $0x3  }
0x36: {  	p1 =	seq.s32 s10, $0x1;
	s10 =	sld [smem:$0x3FB6];
	_ =	sdelay $0x3  }
0x37: {  	[smem:$0x3FB6] =	sst s10  }
0x38: {  	s10 =	sld [smem:$0x3FB7]  }
0x39: {  	_ = 	snop;
	(pc) =	sbr.ind lr, $3  }
0x3a: {  	_ = 	snop  }
0x3b: {  	_ = 	snop  }
0x3c: {  	p2 =	seq.s32 s10, $0x1;
	s10 =	sld [smem:$0x3FB6]  }
0x3d: {  	_ =	shalt  }
0x3e: {  	_ =	shalt  }
0x3f: {  	_ =	shalt  }
0x40: {  	_ =	shalt  }
0x41: {  	_ =	shalt  }
0x42: {  	_ =	shalt  }
0x43: {  	_ =	shalt  }
0x44: {  	_ =	shalt  }
0x45: {  	_ =	shalt  }
0x46: {  	_ =	shalt  }
0x47: {  	_ =	shalt  }
0x48: {  	_ =	shalt  }
0x49: {  	_ =	shalt  }
0x4a: {  	_ =	shalt  }
0x4b: {  	_ =	shalt  }
0x4c: {  	_ =	shalt  }
0x4d: {  	_ =	shalt  }
0x4e: {  	_ =	shalt  }
0x4f: {  	_ =	shalt  }
0x50: {  	_ =	shalt  }
0x51: {  	_ =	shalt  }
0x52: {  	_ =	shalt  }
0x53: {  	_ =	shalt  }
0x54: {  	_ =	shalt  }
0x55: {  	_ =	shalt  }
0x56: {  	_ =	shalt  }
0x57: {  	_ =	shalt  }
0x58: {  	_ =	shalt  }
0x59: {  	_ =	shalt  }
0x5a: {  	_ =	shalt  }
0x5b: {  	_ =	shalt  }
0x5c: {  	_ =	shalt  }
0x5d: {  	_ =	shalt  }
0x5e: {  	_ =	shalt  }
0x5f: {  	_ =	shalt  }
0x60: {  	_ =	shalt  }
0x61: {  	_ =	shalt  }
0x62: {  	_ =	shalt  }
0x63: {  	_ =	shalt  }
0x64: {  	_ =	shalt  }
0x65: {  	_ =	shalt  }
0x66: {  	_ =	shalt  }
0x67: {  	_ =	shalt  }
0x68: {  	_ =	shalt  }
0x69: {  	_ =	shalt  }
0x6a: {  	_ =	shalt  }
0x6b: {  	_ =	shalt  }
0x6c: {  	_ =	shalt  }
0x6d: {  	_ =	shalt  }
0x6e: {  	_ =	shalt  }
0x6f: {  	_ =	shalt  }
0x70: {  	_ =	shalt  }
0x71: {  	_ =	shalt  }
0x72: {  	_ =	shalt  }
0x73: {  	_ =	shalt  }
0x74: {  	_ =	shalt  }
0x75: {  	_ =	shalt  }
0x76: {  	_ =	shalt  }
0x77: {  	_ =	shalt  }
0x78: {  	_ =	shalt  }
0x79: {  	_ =	shalt  }
0x7a: {  	_ =	shalt  }
0x7b: {  	_ =	shalt  }
0x7c: {  	_ =	shalt  }
0x7d: {  	_ =	shalt  }
0x7e: {  	_ =	shalt  }
0x7f: {  	_ =	shalt  }
0x80: {  	_ =	shalt  }
0x81: {  	_ =	shalt  }
0x82: {  	_ =	shalt  }
0x83: {  	_ =	shalt  }
0x84: {  	_ =	shalt  }
0x85: {  	_ =	shalt  }
0x86: {  	_ =	shalt  }
0x87: {  	_ =	shalt  }
.Lfunc_end0:
.L_simem_size_0:
called_computation.1_lowered:
.L_overlay_start_0:
0x88: {  	s2 =	sld [smem:$0x3FD9]  }
0x89: {  	s3 =	sld [smem:$0x3FFE];
	_ =	sdelay $0x1  }
0x8a: {  	s1 =	srdreg.scid  }
0x8b: {  	s0 =	sand.u32 $0x1, s1  }
0x8c: {  	s17 =	sshll.u32 s0, $0xA;
	s2 =	sadd.s32 s3, s2  }
0x8d: {  	s2 =	sadd.s32 s2, s17  }
0x8e: {  	[smem:$0x3FC2] =	sst s2  }
0x8f: {  	_ = 	snop  }
0x90: {  	s2 =	sld [smem:$0x3FD0];
	(tm) =	ssettm $0x1  }
0x91: {  	s18 =	sld [smem:$0x3FFB];
	_ =	sdelay $0x3  }
0x92: {  	_ =	strace s18  }
0x93: {  	s3 =	sld [smem:$0x3FFC];
	_ =	sdelay $0x3  }
0x94: {  	_ =	strace s3  }
0x95: {  	s3 =	sld [smem:$0x3FFD];
	_ =	sdelay $0x3  }
0x96: {  	_ =	strace s3  }
0x97: {  	_ =	strace $0x8FFFFFFF  }
0x98: {  	s19 =	sld [smem:$0x3FDB];
	_ =	sdelay $0x1  }
0x99: {  	s4 =	simm.s32 $_scs_section_size  }
0x9a: {  	s5 =	simm.s32 $_size__tile_overlayer_lowered;
	s6 =	simm.s32 $_tile_overlayer_lowered  }
0x9b: {  	s22 =	simm.s32 $0x1BFF;
	s21 =	sshll.u32 s6, $0x1;
	s3 =	sadd.s32 s4, s19  }
0x9c: {  	s7 =	simm.s32 $0x0;
	s20 =	sshll.u32 s5, $0x1;
	s5 =	sadd.s32 s21, s3  }
0x9d: {  	[timem:s7], [sflag:s22] =	dma.local [hbm:s5], s20  }
0x9e: {  	_ =	swait.ge [sflag:s22], s20  }
0x9f: {  	s4 =	ssub.s32 $0x0, s20;
	[sflag:s22] =	ssyncset.done $0x0  }
0xa0: {  	[sflag:s22] =	ssyncadd.s32 s4;
	_ =	sdelay $0x1  }
0xa1: {  	s23 =	simm.s32 $0x1B8B  }
0xa2: {  	_ =	swait.ge [sflag:s23], $0x1  }
0xa3: {  	[sflag:s23] =	ssyncset.done $0x0  }
0xa4: {  	s25 =	simm.s32 $0x1B8E;
	s24 =	sld [smem:$0x3FFE];
	[sflag:s23] =	ssyncadd.s32 $0xFFFFFFFF  }
0xa5: {  	s26 =	simm.s32 $execute0_lowered;
	[smem:$0x3FD2] =	sst s25  }
0xa6: {  	s5 =	sshll.u32 s26, $0x1;
	_ =	strace $0x80000049;
	[dreg:$0x1] =	wrdreg $0xFFFFFFFF  }
0xa7: {  	s28 =	simm.s32 $_size_execute0_lowered;
	s3 =	sadd.s32 s3, s5;
	[dreg:$0x0] =	wrdreg $0x0  }
0xa8: {  	s5 =	sshll.u32 s28, $0x1;
	[dreg:$0x2] =	wrdreg s3  }
0xa9: {  	[dreg:$0x3] =	wrdreg s5  }
0xaa: {  	[dreg:$0x4] =	wrdreg $0xC0  }
0xab: {  	_ =	task [dreg:s7], $0x5FFFF  }
0xac: {  	[dreg:$0x1] =	wrdreg $0xFFFFFFFF  }
0xad: {  	[dreg:$0x0] =	wrdreg $0x60  }
0xae: {  	[dreg:$0x2] =	wrdreg s24  }
0xaf: {  	[dreg:$0x3] =	wrdreg s2  }
0xb0: {  	[dreg:$0x4] =	wrdreg $0xB0000  }
0xb1: {  	[dreg:$0x5] =	wrdreg $0x9  }
0xb2: {  	_ =	task.clear_ibuf [dreg:s7], $0x6FFFF;
	_ =	strace $0x90000049  }
0xb3: {  	s29 =	simm.s32 $0x9;
	_ =	strace $0x8000004B  }
0xb4: {  	_ =	swait.ge [sflag:s29], $0x1  }
0xb5: {  	[sflag:s29] =	ssyncadd.s32 $0xFFFFFFFF  }
0xb6: {  	_ =	strace $0x9000004B  }
0xb7: {  	_ =	sfence  }
0xb8: {  	s30 =	sld [smem:$0x0];
	_ =	sdelay $0x2  }
0xb9: {  	s31 =	sshll.u32 s1, $0xD;
	s1 =	sshrl.u32 s1, $0x2  }
0xba: {  	s3 =	sand.u32 $0x4000, s31;
	s1 =	sadd.s32 s1, s30  }
0xbb: {  	s0 =	sor.u32 s3, s0;
	s1 =	sshll.u32 s1, $0x11  }
0xbc: {  	s0 =	sor.u32 s1, s0  }
0xbd: {  	s0 =	sadd.s32 $0x8F2B, s0  }
0xbe: {  	[sflag:s0] =	ssyncadd.remote.s32 $0x1  }
0xbf: {  	_ =	sfence.sel $0xFFFF  }
0xc0: {  	[dreg:$0x0] =	wrdreg $0xFFFFFFFF;
	(pc) =	sbr.abs _section_cstart, $3  }
0xc1: {  	[dreg:$0x1] =	wrdreg $0xFFFFFFFF  }
0xc2: {  	_ =	task.clear_ibuf [dreg:s7], $0x2FFFF;
	_ =	strace $0x9FFFFFFF  }
0xc3: {  	(tm) =	ssettm $0x7FFFFFFF  }
tec
execute0_lowered:
.L_overlay_start_1:
0x0: {  	(tag) =	ssettag $0x1  }
0x1: {  	s0 =	rddreg [dreg:$0x0]  }
0x2: {  	s1 =	rddreg [dreg:$0x1]  }
0x3: {  	s2 =	rddreg [dreg:$0x2];
	s3 =	simm.s32 $0x0;
	s4 =	srdreg.scid  }
0x4: {  	s12 =	stileid.u32;
	[smem:$0x7FF] =	sst s3  }
0x5: {  	s5 =	sadd.s32 $0x61200, s0;
	s6 =	sadd.s32 $0x88400, s0;
	s7 =	sadd.s32 $0x2200, s0  }
0x6: {  	s4 =	sand.u32 $0x1, s4;
	s9 =	sadd.s32 $0xAF600, s0;
	s11 =	smul.u32 $0x500, s12  }
0x7: {  	s0 =	sadd.s32 $0xD7600, s0;
	_ =	strace $0x8000004A;
	[dreg:$0x4] =	wrdreg s9  }
0x8: {  	s25 =	smul.u32 $0x280, s12;
	[dreg:$0x5] =	wrdreg s0;
	s23 =	sadd.s32 s1, s11  }
0x9: {  	s8 =	smul.u32 $0x50000, s12;
	s24 =	sadd.s32 s7, s11;
	[dreg:$0x6] =	wrdreg s23  }
0xa: {  	s21 =	ssub.s32 $0x2, s4;
	s9 =	sadd.s32 $0x80, s25;
	[dreg:$0x7] =	wrdreg s24  }
0xb: {  	s22 =	sshrl.u32 s21, $0x1;
	s17 =	sadd.s32 $0xC0, s25;
	[dreg:$0xc] =	wrdreg s9  }
0xc: {  	s8 =	sshrl.u32 s8, $0x2;
	s11 =	sadd.s32 $0x100, s25;
	[dreg:$0xd] =	wrdreg s17  }
0xd: {  	s10 =	sadd.s32 s8, s2;
	s8 =	sor.u32 $0x40, s25;
	[dreg:$0xe] =	wrdreg s11  }
0xe: {  	s0 =	ssub.s32 s21, s22;
	s17 =	sshll.u32 s17, $0x4;
	[dreg:$0xb] =	wrdreg s8  }
0xf: {  	s0 =	smax.u32 s0, $0x1;
	[dreg:$0x19] =	wrdreg s17  }
0x10: {  	s26 =	sadd.s32 $0x2000, s10;
	[dreg:$0x8] =	wrdreg s0  }
0x11: {  	s30 =	simm.s32 $0x9000;
	s28 =	sadd.s32 $0x4000, s10;
	[dreg:$0x9] =	wrdreg s26  }
0x12: {  	s31 =	simm.s32 $0x5;
	s18 =	sadd.s32 $0x6000, s10;
	[dreg:$0xa] =	wrdreg s28  }
0x13: {  	s13 =	smul.u32 $0xA, s12;
	s19 =	sadd.s32 $0x8000, s10;
	[dreg:$0xf] =	wrdreg s18  }
0x14: {  	p0 =	seq.s32 s4, $0x1;
	s20 =	sadd.s32 $0xA000, s10;
	[dreg:$0x10] =	wrdreg s19  }
0x15: {  	s4 =	simm.s32 $0x1000;
	s21 =	sadd.s32 $0xC000, s10;
	[dreg:$0x11] =	wrdreg s20  }
0x16: {  	s14 =	sadd.s32 $0x140, s25;
	s22 =	sadd.s32 $0xE000, s10;
	[dreg:$0x12] =	wrdreg s21  }
0x17: {  	s15 =	sadd.s32 $0x180, s25;
	s23 =	sadd.s32 $0x10000, s10;
	[dreg:$0x13] =	wrdreg s22  }
0x18: {  	s16 =	sadd.s32 $0x1C0, s25;
	[dreg:$0x14] =	wrdreg s23;
	s26 =	sadd.s32 $0x12000, s10  }
0x19: {  	s24 =	sadd.s32 $0x200, s25;
	s0 =	sshll.u32 s8, $0x4;
	[dreg:$0x15] =	wrdreg s26  }
0x1a: {  	s28 =	smul.u32 $0x2800, s12;
	s12 =	sshll.u32 s9, $0x4;
	[dreg:$0x17] =	wrdreg s0  }
0x1b: {  	s25 =	sadd.s32 $0x240, s25;
	s18 =	sshll.u32 s11, $0x4;
	[dreg:$0x18] =	wrdreg s12  }
0x1c: {  	s29 =	smov.u32 s16;
	s19 =	sshll.u32 s14, $0x4;
	[dreg:$0x1a] =	wrdreg s18  }
0x1d: {  	s22 =	smov.u32 s14;
	s20 =	sshll.u32 s15, $0x4;
	[dreg:$0x1b] =	wrdreg s19  }
.Ltmp0:
0x1e: {  	s21 =	sshll.u32 s16, $0x4;
	[dreg:$0x1c] =	wrdreg s20;
	(pc) =	sbr.rel .LBB2_1-.Ltmp0, $4  }
0x1f: {  	s23 =	smov.u32 s15;
	s8 =	simm.s32 $0x5000;
	[dreg:$0x1d] =	wrdreg s21  }
0x20: {  	s9 =	simm.s32 $0x1;
	s26 =	sshll.u32 s24, $0x4;
	[dreg:$0x16] =	wrdreg s28  }
0x21: {  	s11 =	simm.s32 $0x2;
	[dreg:$0x1e] =	wrdreg s26;
	s28 =	sshll.u32 s25, $0x4  }
0x22: {  	v0 =	vimm.f32 $0.0e+00;
	s0 =	simm.s32 $0x7D;
	s12 =	simm.s32 $0x0;
	[dreg:$0x1f] =	wrdreg s28  }
.LBB2_6:
0x23: {  	s15 =	sadd.s32 @!p2 s13, s19;
	_ =	swait.ge [sflag:s31], $0x3E80  }
0x24: {  	s19 =	sshll.u32 @!p2 s19, $0xA;
	s15 =	sshll.u32 @!p2 s15, $0x7;
	[sflag:s31] =	ssyncset.done $0x0  }
0x25: {  	s19 =	sand.u32 @!p2 $0x400, s19;
	s20 =	sadd.s32 @!p2 s1, s15;
	[sflag:s31] =	ssyncadd.s32 $0xFFFFC180  }
0x26: {  	[tilespmem:s19], [sflag:$0x3] =	stream.linear.gather @!p2 [hbm4b:s20+s16], $0x400, $0x38;
	[tilespmem:$0x1F000] =	vst v63  }
0x27: {  	s18 =	sand.u32 $0x700, s18;
	s15 =	sadd.s32 @!p2 s7, s15;
	s19 =	sor.u32 @!p2 $0x800, s19  }
0x28: {  	[tilespmem:s19], [sflag:$0x4] =	stream.linear.gather @!p2 [hbm4b:s15+s16], $0x400, $0x38;
	[tilespmem:$0x1F000] =	vst v63  }
0x29: {  	s18 =	sor.u32 $0x80, s18;
	s19 =	sadd.s32 $0xFFFFFC00, s17  }
0x2a: {  	[tilespmem:s8], [sflag:$0x2] =	stream.indirect.gather [hbm4b:s5+s0], $0x80, s18, s0, $0xb8;
	[tilespmem:$0x1F000] =	vst v63  }
0x2b: {  	s16 =	sand.u32 $0x1C00, s19;
	_ =	swait.ge [sflag:s9], $0x3E80  }
0x2c: {  	s16 =	sshrl.u32 s16, $0x2;
	[sflag:s9] =	ssyncset.done $0x0  }
0x2d: {  	s16 =	sor.u32 $0x800, s16;
	[sflag:s9] =	ssyncadd.s32 $0xFFFFC180  }
0x2e: {  	[spmem:s2] =	stream.indirect.scatter.add.f32 [tilespmem:s4], [sflag:$0x5], $0x80, s16, s0, $0xb8;
	[tilespmem:$0x1F000] =	vst v63  }
0x2f: {  	s14 =	sand.u32 $0x6, s14;
	_ =	swait.ge [sflag:s31], $0x3E80  }
0x30: {  	p1 =	sne.s32 s14, $0x0;
	[sflag:s31] =	ssyncset.done $0x0  }
0x31: {  	s14 =	simm.s32 @!p1 $0x3;
	[sflag:s31] =	ssyncadd.s32 $0xFFFFC180  }
0x32: {  	_ =	swait.ge @!p1 [sflag:s14], $0x400  }
0x33: {  	[sflag:s14] =	ssyncset.done @!p1 $0x0  }
0x34: {  	[sflag:s14] =	ssyncadd.s32 @!p1 $0xFFFFFC00;
	s14 =	simm.s32 @!p1 $0x4  }
0x35: {  	_ =	swait.ge @!p1 [sflag:s14], $0x400  }
0x36: {  	s20 =	sand.u32 $0x1C00, s17;
	[sflag:s14] =	ssyncset.done @!p1 $0x0  }
0x37: {  	s21 =	sshrl.u32 s20, $0x2;
	[sflag:s14] =	ssyncadd.s32 @!p1 $0xFFFFFC00  }
0x38: {  	[tilespmem:s4], [sflag:$0x1] =	stream.indirect.gather [hbm4b:s5+s0], $0x80, s21, s0, $0xb8;
	[tilespmem:$0x1F000] =	vst v63  }
0x39: {  	_ =	swait.ge [sflag:s11], $0x3E80  }
0x3a: {  	[sflag:s11] =	ssyncset.done $0x0  }
0x3b: {  	s26 =	sor.u32 $0x800, s18;
	[sflag:s11] =	ssyncadd.s32 $0xFFFFC180  }
0x3c: {  	[spmem:s2] =	stream.indirect.scatter.add.f32 [tilespmem:s8], [sflag:$0x5], $0x80, s26, s0, $0xb8;
	[tilespmem:$0x1F000] =	vst v63  }
0x3d: {  	_ =	swait.ge [sflag:s31], $0x3E80  }
0x3e: {  	[sflag:s31] =	ssyncset.done $0x0  }
0x3f: {  	s28 =	simm.s32 $0x780;
	s17 =	rddreg [dreg:$0x4];
	[sflag:s31] =	ssyncadd.s32 $0xFFFFC180  }
0x40: {  	[tilespmem:s8], [sflag:$0x2] =	stream.indirect.gather [hbm4b:s5+s0], $0x80, s28, s0, $0xb8;
	[tilespmem:$0x1F000] =	vst v63  }
.LBB2_10:
0x41: {  	_ =	swait.ge [sflag:s9], $0x3E80  }
0x42: {  	[sflag:s9] =	ssyncset.done $0x0  }
0x43: {  	s14 =	simm.s32 $0xF00;
	[sflag:s9] =	ssyncadd.s32 $0xFFFFC180  }
0x44: {  	[spmem:s2] =	stream.indirect.scatter.add.f32 [tilespmem:s4], [sflag:$0x5], $0x80, s14, s0, $0xb8;
	[tilespmem:$0x1F000] =	vst v63  }
0x45: {  	_ =	swait.ge [sflag:s31], $0x3E80  }
0x46: {  	[sflag:s31] =	ssyncset.done $0x0  }
0x47: {  	[sflag:s31] =	ssyncadd.s32 $0xFFFFC180  }
0x48: {  	_ =	swait.ge [sflag:s11], $0x3E80  }
0x49: {  	[sflag:s11] =	ssyncset.done $0x0  }
0x4a: {  	s19 =	simm.s32 $0xF80;
	[sflag:s11] =	ssyncadd.s32 $0xFFFFC180  }
0x4b: {  	[spmem:s2] =	stream.indirect.scatter.add.f32 [tilespmem:s8], [sflag:$0x5], $0x80, s19, s0, $0xb8;
	[tilespmem:$0x1F000] =	vst v63  }
0x4c: {  	_ =	swait.ge [sflag:s31], $0x3E80  }
0x4d: {  	[sflag:s31] =	ssyncset.done $0x0  }
0x4e: {  	[sflag:s31] =	ssyncadd.s32 $0xFFFFC180  }
0x4f: {  	[bflag:$0x0] =	sbarrier.arrive $0xFFFF  }
0x50: {  	[tilespmem:s30], [sflag:$0x5] =	stream.linear.gather [spmem:s10], $0x2000, $0x38;
	[tilespmem:$0x1F000] =	vst v63  }
0x51: {  	_ =	swait.ge [sflag:s31], $0x2000  }
0x52: {  	[sflag:s31] =	ssyncset.done $0x0;
	s20 =	rddreg [dreg:$0x16]  }
0x53: {  	s14 =	sadd.s32 s17, s20;
	[sflag:s31] =	ssyncadd.s32 $0xFFFFE000  }
0x54: {  	[hbm4b:s14+s3] =	stream.linear.scatter [tilespmem:s30], [sflag:$0x5], $0x2000, $0x38;
	[tilespmem:$0x1F000] =	vst v63  }
0x55: {  	_ =	swait.ge [sflag:s31], $0x2000  }
0x56: {  	s21 =	rddreg [dreg:$0xb]  }
0x57: {  	[sflag:s31] =	ssyncset.done $0x0;
	s14 =	sshll.u32 s21, $0x7  }
0x58: {  	[sflag:s31] =	ssyncadd.s32 $0xFFFFE000;
	s14 =	sadd.s32 s14, s2  }
0x59: {  	[tilespmem:s30], [sflag:$0x5] =	stream.linear.gather [spmem:s14], $0x2000, $0x38;
	[tilespmem:$0x1F000] =	vst v63  }
0x5a: {  	_ =	swait.ge [sflag:s31], $0x2000  }
0x5b: {  	[sflag:s31] =	ssyncset.done $0x0;
	s26 =	rddreg [dreg:$0x17]  }
0x5c: {  	s14 =	sadd.s32 s17, s26;
	[sflag:s31] =	ssyncadd.s32 $0xFFFFE000  }
0x5d: {  	[hbm4b:s14+s3] =	stream.linear.scatter [tilespmem:s30], [sflag:$0x5], $0x2000, $0x38;
	[tilespmem:$0x1F000] =	vst v63  }
0x5e: {  	_ =	swait.ge [sflag:s31], $0x2000  }
0x5f: {  	s28 =	rddreg [dreg:$0xc]  }
0x60: {  	[sflag:s31] =	ssyncset.done $0x0;
	s14 =	sshll.u32 s28, $0x7  }
0x61: {  	[sflag:s31] =	ssyncadd.s32 $0xFFFFE000;
	s14 =	sadd.s32 s14, s2  }
0x62: {  	[tilespmem:s30], [sflag:$0x5] =	stream.linear.gather [spmem:s14], $0x2000, $0x38;
	[tilespmem:$0x1F000] =	vst v63  }
0x63: {  	_ =	swait.ge [sflag:s31], $0x2000  }
0x64: {  	[sflag:s31] =	ssyncset.done $0x0;
	s15 =	rddreg [dreg:$0x18]  }
0x65: {  	s14 =	sadd.s32 s17, s15;
	[sflag:s31] =	ssyncadd.s32 $0xFFFFE000  }
0x66: {  	[hbm4b:s14+s3] =	stream.linear.scatter [tilespmem:s30], [sflag:$0x5], $0x2000, $0x38;
	[tilespmem:$0x1F000] =	vst v63  }
0x67: {  	_ =	swait.ge [sflag:s31], $0x2000  }
0x68: {  	s16 =	rddreg [dreg:$0xd]  }
0x69: {  	[sflag:s31] =	ssyncset.done $0x0;
	s14 =	sshll.u32 s16, $0x7  }
0x6a: {  	[sflag:s31] =	ssyncadd.s32 $0xFFFFE000;
	s14 =	sadd.s32 s14, s2  }
0x6b: {  	[tilespmem:s30], [sflag:$0x5] =	stream.linear.gather [spmem:s14], $0x2000, $0x38;
	[tilespmem:$0x1F000] =	vst v63  }
0x6c: {  	_ =	swait.ge [sflag:s31], $0x2000  }
0x6d: {  	[sflag:s31] =	ssyncset.done $0x0;
	s18 =	rddreg [dreg:$0x19]  }
0x6e: {  	s14 =	sadd.s32 s17, s18;
	[sflag:s31] =	ssyncadd.s32 $0xFFFFE000  }
0x6f: {  	[hbm4b:s14+s3] =	stream.linear.scatter [tilespmem:s30], [sflag:$0x5], $0x2000, $0x38;
	[tilespmem:$0x1F000] =	vst v63  }
0x70: {  	_ =	swait.ge [sflag:s31], $0x2000  }
0x71: {  	s19 =	rddreg [dreg:$0xe]  }
0x72: {  	[sflag:s31] =	ssyncset.done $0x0;
	s14 =	sshll.u32 s19, $0x7  }
0x73: {  	[sflag:s31] =	ssyncadd.s32 $0xFFFFE000;
	s14 =	sadd.s32 s14, s2  }
0x74: {  	[tilespmem:s30], [sflag:$0x5] =	stream.linear.gather [spmem:s14], $0x2000, $0x38;
	[tilespmem:$0x1F000] =	vst v63  }
0x75: {  	_ =	swait.ge [sflag:s31], $0x2000  }
0x76: {  	[sflag:s31] =	ssyncset.done $0x0;
	s20 =	rddreg [dreg:$0x1a]  }
0x77: {  	s14 =	sadd.s32 s17, s20;
	[sflag:s31] =	ssyncadd.s32 $0xFFFFE000  }
0x78: {  	[hbm4b:s14+s3] =	stream.linear.scatter [tilespmem:s30], [sflag:$0x5], $0x2000, $0x38;
	[tilespmem:$0x1F000] =	vst v63  }
0x79: {  	_ =	swait.ge [sflag:s31], $0x2000  }
0x7a: {  	s21 =	sshll.u32 s22, $0x7;
	[sflag:s31] =	ssyncset.done $0x0  }
0x7b: {  	s14 =	sadd.s32 s21, s2;
	[sflag:s31] =	ssyncadd.s32 $0xFFFFE000  }
0x7c: {  	[tilespmem:s30], [sflag:$0x5] =	stream.linear.gather [spmem:s14], $0x2000, $0x38;
	[tilespmem:$0x1F000] =	vst v63  }
0x7d: {  	_ =	swait.ge [sflag:s31], $0x2000  }
0x7e: {  	[sflag:s31] =	ssyncset.done $0x0;
	s26 =	rddreg [dreg:$0x1b]  }
0x7f: {  	s14 =	sadd.s32 s17, s26;
	[sflag:s31] =	ssyncadd.s32 $0xFFFFE000  }
0x80: {  	[hbm4b:s14+s3] =	stream.linear.scatter [tilespmem:s30], [sflag:$0x5], $0x2000, $0x38;
	[tilespmem:$0x1F000] =	vst v63  }
0x81: {  	_ =	swait.ge [sflag:s31], $0x2000  }
0x82: {  	s28 =	sshll.u32 s23, $0x7;
	[sflag:s31] =	ssyncset.done $0x0  }
0x83: {  	s14 =	sadd.s32 s28, s2;
	[sflag:s31] =	ssyncadd.s32 $0xFFFFE000  }
0x84: {  	[tilespmem:s30], [sflag:$0x5] =	stream.linear.gather [spmem:s14], $0x2000, $0x38;
	[tilespmem:$0x1F000] =	vst v63  }
0x85: {  	_ =	swait.ge [sflag:s31], $0x2000  }
0x86: {  	[sflag:s31] =	ssyncset.done $0x0;
	s15 =	rddreg [dreg:$0x1c]  }
0x87: {  	s14 =	sadd.s32 s17, s15;
	[sflag:s31] =	ssyncadd.s32 $0xFFFFE000  }
0x88: {  	[hbm4b:s14+s3] =	stream.linear.scatter [tilespmem:s30], [sflag:$0x5], $0x2000, $0x38;
	[tilespmem:$0x1F000] =	vst v63  }
0x89: {  	_ =	swait.ge [sflag:s31], $0x2000  }
0x8a: {  	s16 =	sshll.u32 s29, $0x7;
	[sflag:s31] =	ssyncset.done $0x0  }
0x8b: {  	s14 =	sadd.s32 s16, s2;
	[sflag:s31] =	ssyncadd.s32 $0xFFFFE000  }
0x8c: {  	[tilespmem:s30], [sflag:$0x5] =	stream.linear.gather [spmem:s14], $0x2000, $0x38;
	[tilespmem:$0x1F000] =	vst v63  }
0x8d: {  	_ =	swait.ge [sflag:s31], $0x2000  }
0x8e: {  	[sflag:s31] =	ssyncset.done $0x0;
	s18 =	rddreg [dreg:$0x1d]  }
0x8f: {  	s14 =	sadd.s32 s17, s18;
	[sflag:s31] =	ssyncadd.s32 $0xFFFFE000  }
0x90: {  	[hbm4b:s14+s3] =	stream.linear.scatter [tilespmem:s30], [sflag:$0x5], $0x2000, $0x38;
	[tilespmem:$0x1F000] =	vst v63  }
0x91: {  	_ =	swait.ge [sflag:s31], $0x2000  }
0x92: {  	s19 =	sshll.u32 s24, $0x7;
	[sflag:s31] =	ssyncset.done $0x0  }
0x93: {  	s14 =	sadd.s32 s19, s2;
	[sflag:s31] =	ssyncadd.s32 $0xFFFFE000  }
0x94: {  	[tilespmem:s30], [sflag:$0x5] =	stream.linear.gather [spmem:s14], $0x2000, $0x38;
	[tilespmem:$0x1F000] =	vst v63  }
0x95: {  	_ =	swait.ge [sflag:s31], $0x2000  }
0x96: {  	[sflag:s31] =	ssyncset.done $0x0;
	s20 =	rddreg [dreg:$0x1e]  }
0x97: {  	s14 =	sadd.s32 s17, s20;
	[sflag:s31] =	ssyncadd.s32 $0xFFFFE000  }
0x98: {  	[hbm4b:s14+s3] =	stream.linear.scatter [tilespmem:s30], [sflag:$0x5], $0x2000, $0x38;
	[tilespmem:$0x1F000] =	vst v63  }
0x99: {  	_ =	swait.ge [sflag:s31], $0x2000  }
0x9a: {  	s21 =	sshll.u32 s25, $0x7;
	[sflag:s31] =	ssyncset.done $0x0  }
0x9b: {  	s14 =	sadd.s32 s21, s2;
	[sflag:s31] =	ssyncadd.s32 $0xFFFFE000  }
0x9c: {  	[tilespmem:s30], [sflag:$0x5] =	stream.linear.gather [spmem:s14], $0x2000, $0x38;
	[tilespmem:$0x1F000] =	vst v63  }
0x9d: {  	_ =	swait.ge [sflag:s31], $0x2000  }
0x9e: {  	[sflag:s31] =	ssyncset.done $0x0;
	s26 =	rddreg [dreg:$0x1f]  }
0x9f: {  	s14 =	sadd.s32 s17, s26;
	[sflag:s31] =	ssyncadd.s32 $0xFFFFE000  }
0xa0: {  	[hbm4b:s14+s3] =	stream.linear.scatter [tilespmem:s30], [sflag:$0x5], $0x2000, $0x38;
	[tilespmem:$0x1F000] =	vst v63  }
0xa1: {  	_ =	swait.ge [sflag:s31], $0x2000  }
0xa2: {  	s12 =	sadd.s32 $0x1, s12;
	s28 =	rddreg [dreg:$0x8]  }
0xa3: {  	p1 =	sne.s32 s12, s28  }
.Ltmp1:
0xa4: {  	_ = 	snop;
	(pc) =	sbr.rel @!p1 .LBB2_11-.Ltmp1, $3  }
0xa5: {  	_ =	sdelay $0x1  }
0xa6: {  	[sflag:s31] =	ssyncset.done $0x0  }
0xa7: {  	[sflag:s31] =	ssyncadd.s32 $0xFFFFE000  }
.LBB2_1:
0xa8: {  	s14 =	simm.s32 $0x0;
	s15 =	simm.s32 $0x200  }
.LBB2_2:
0xa9: {  	p1 =	sne.s32 s15, $0x7E00;
	[tilespmem:s14+$0x9070] =	vst v0  }
0xaa: {  	[tilespmem:s14+$0x9000] =	vst v0  }
0xab: {  	[tilespmem:s14+$0x9010] =	vst v0  }
.Ltmp2:
0xac: {  	[tilespmem:s14+$0x9020] =	vst v0;
	(pc) =	sbr.rel @p1 .LBB2_2-.Ltmp2, $4  }
0xad: {  	[tilespmem:s14+$0x9030] =	vst v0  }
0xae: {  	[tilespmem:s14+$0x9040] =	vst v0  }
0xaf: {  	[tilespmem:s14+$0x9050] =	vst v0  }
0xb0: {  	[tilespmem:s14+$0x9060] =	vst v0;
	s14 =	sshra.s32 s15, $0x2;
	s15 =	sadd.s32 $0x200, s15  }
0xb1: {  	[tilespmem:s14+$0x9070] =	vst v0  }
0xb2: {  	[tilespmem:s14+$0x9000] =	vst v0  }
0xb3: {  	[tilespmem:s14+$0x9010] =	vst v0  }
0xb4: {  	[tilespmem:s14+$0x9020] =	vst v0  }
0xb5: {  	[tilespmem:s14+$0x9030] =	vst v0  }
0xb6: {  	[tilespmem:s14+$0x9040] =	vst v0  }
0xb7: {  	[tilespmem:s14+$0x9050] =	vst v0  }
0xb8: {  	[tilespmem:s14+$0x9060] =	vst v0  }
0xb9: {  	[spmem:s10] =	stream.linear.scatter [tilespmem:s30], [sflag:$0x5], $0x2000, $0x38;
	[tilespmem:$0x1F000] =	vst v63  }
0xba: {  	_ =	swait.ge [sflag:s31], $0x2000  }
0xbb: {  	[sflag:s31] =	ssyncset.done $0x0  }
0xbc: {  	s26 =	rddreg [dreg:$0x9];
	[sflag:s31] =	ssyncadd.s32 $0xFFFFE000  }
0xbd: {  	[spmem:s26] =	stream.linear.scatter [tilespmem:s30], [sflag:$0x5], $0x2000, $0x38;
	[tilespmem:$0x1F000] =	vst v63  }
0xbe: {  	_ =	swait.ge [sflag:s31], $0x2000  }
0xbf: {  	[sflag:s31] =	ssyncset.done $0x0  }
0xc0: {  	s28 =	rddreg [dreg:$0xa];
	[sflag:s31] =	ssyncadd.s32 $0xFFFFE000  }
0xc1: {  	[spmem:s28] =	stream.linear.scatter [tilespmem:s30], [sflag:$0x5], $0x2000, $0x38;
	[tilespmem:$0x1F000] =	vst v63  }
0xc2: {  	_ =	swait.ge [sflag:s31], $0x2000  }
0xc3: {  	[sflag:s31] =	ssyncset.done $0x0  }
0xc4: {  	s15 =	rddreg [dreg:$0xf];
	[sflag:s31] =	ssyncadd.s32 $0xFFFFE000  }
0xc5: {  	[spmem:s15] =	stream.linear.scatter [tilespmem:s30], [sflag:$0x5], $0x2000, $0x38;
	[tilespmem:$0x1F000] =	vst v63  }
0xc6: {  	_ =	swait.ge [sflag:s31], $0x2000  }
0xc7: {  	[sflag:s31] =	ssyncset.done $0x0  }
0xc8: {  	s16 =	rddreg [dreg:$0x10];
	[sflag:s31] =	ssyncadd.s32 $0xFFFFE000  }
0xc9: {  	[spmem:s16] =	stream.linear.scatter [tilespmem:s30], [sflag:$0x5], $0x2000, $0x38;
	[tilespmem:$0x1F000] =	vst v63  }
0xca: {  	_ =	swait.ge [sflag:s31], $0x2000  }
0xcb: {  	[sflag:s31] =	ssyncset.done $0x0  }
0xcc: {  	s17 =	rddreg [dreg:$0x11];
	[sflag:s31] =	ssyncadd.s32 $0xFFFFE000  }
0xcd: {  	[spmem:s17] =	stream.linear.scatter [tilespmem:s30], [sflag:$0x5], $0x2000, $0x38;
	[tilespmem:$0x1F000] =	vst v63  }
0xce: {  	_ =	swait.ge [sflag:s31], $0x2000  }
0xcf: {  	[sflag:s31] =	ssyncset.done $0x0  }
0xd0: {  	s18 =	rddreg [dreg:$0x12];
	[sflag:s31] =	ssyncadd.s32 $0xFFFFE000  }
0xd1: {  	[spmem:s18] =	stream.linear.scatter [tilespmem:s30], [sflag:$0x5], $0x2000, $0x38;
	[tilespmem:$0x1F000] =	vst v63  }
0xd2: {  	_ =	swait.ge [sflag:s31], $0x2000  }
0xd3: {  	[sflag:s31] =	ssyncset.done $0x0  }
0xd4: {  	s19 =	rddreg [dreg:$0x13];
	[sflag:s31] =	ssyncadd.s32 $0xFFFFE000  }
0xd5: {  	[spmem:s19] =	stream.linear.scatter [tilespmem:s30], [sflag:$0x5], $0x2000, $0x38;
	[tilespmem:$0x1F000] =	vst v63  }
0xd6: {  	_ =	swait.ge [sflag:s31], $0x2000  }
0xd7: {  	[sflag:s31] =	ssyncset.done $0x0  }
0xd8: {  	s20 =	rddreg [dreg:$0x14];
	[sflag:s31] =	ssyncadd.s32 $0xFFFFE000  }
0xd9: {  	[spmem:s20] =	stream.linear.scatter [tilespmem:s30], [sflag:$0x5], $0x2000, $0x38;
	[tilespmem:$0x1F000] =	vst v63  }
0xda: {  	_ =	swait.ge [sflag:s31], $0x2000  }
0xdb: {  	[sflag:s31] =	ssyncset.done $0x0  }
0xdc: {  	s21 =	rddreg [dreg:$0x15];
	[sflag:s31] =	ssyncadd.s32 $0xFFFFE000  }
0xdd: {  	[spmem:s21] =	stream.linear.scatter [tilespmem:s30], [sflag:$0x5], $0x2000, $0x38;
	[tilespmem:$0x1F000] =	vst v63  }
0xde: {  	_ =	swait.ge [sflag:s31], $0x2000  }
0xdf: {  	[sflag:s31] =	ssyncset.done $0x0  }
0xe0: {  	[sflag:s31] =	ssyncadd.s32 $0xFFFFE000  }
0xe1: {  	[bflag:$0x0] =	sbarrier.arrive $0xFFFF  }
0xe2: {  	s26 =	rddreg [dreg:$0x6]  }
0xe3: {  	[tilespmem:s3], [sflag:$0x5] =	stream.linear.gather [hbm4b:s26+s3], $0x400, $0x38;
	[tilespmem:$0x1F000] =	vst v63  }
0xe4: {  	_ =	swait.ge [sflag:s31], $0x400  }
0xe5: {  	s15 =	simm.s32 $0x800;
	[sflag:s31] =	ssyncset.done $0x0  }
.Ltmp3:
0xe6: {  	s28 =	rddreg [dreg:$0x7];
	[sflag:s31] =	ssyncadd.s32 $0xFFFFFC00;
	(pc) =	sbr.rel @!p0 .LBB2_4-.Ltmp3, $4  }
0xe7: {  	[tilespmem:s15], [sflag:$0x5] =	stream.linear.gather [hbm4b:s28+s3], $0x400, $0x38;
	[tilespmem:$0x1F000] =	vst v63  }
0xe8: {  	_ =	swait.ge [sflag:s31], $0x400  }
0xe9: {  	[sflag:s31] =	ssyncset.done $0x0  }
0xea: {  	s14 =	simm.s32 $0x0;
	[sflag:s31] =	ssyncadd.s32 $0xFFFFFC00  }
0xeb: {  	[tilespmem:s4], [sflag:$0x1] =	stream.indirect.gather [hbm4b:s6+s0], $0x80, s14, s0, $0xb8;
	[tilespmem:$0x1F000] =	vst v63  }
0xec: {  	s15 =	sand.u32 $0x3, s14;
	p1 =	por $0x0, $0x0  }
0xed: {  	p2 =	sne.s32 @!p1 s15, $0x0  }
0xee: {  	p1 =	por p2, p1  }
0xef: {  	s15 =	sadd.s32 @!p1 $0x1, s13  }
0xf0: {  	s16 =	simm.s32 @!p1 $0x400;
	s15 =	sshll.u32 @!p1 s15, $0x7  }
0xf1: {  	s17 =	simm.s32 @!p1 $0x0;
	s16 =	sand.u32 @!p1 $0x400, s16;
	s18 =	sadd.s32 @!p1 s1, s15  }
0xf2: {  	[tilespmem:s16], [sflag:$0x3] =	stream.linear.gather @!p1 [hbm4b:s18+s17], $0x400, $0x38;
	[tilespmem:$0x1F000] =	vst v63  }
0xf3: {  	s28 =	sand.u32 $0x700, s14;
	s15 =	sadd.s32 @!p1 s7, s15;
	s16 =	sor.u32 @!p1 $0x800, s16  }
0xf4: {  	[tilespmem:s16], [sflag:$0x4] =	stream.linear.gather @!p1 [hbm4b:s15+s17], $0x400, $0x38;
	[tilespmem:$0x1F000] =	vst v63  }
0xf5: {  	s14 =	sor.u32 $0x80, s28;
	s18 =	simm.s32 $0x0  }
0xf6: {  	[tilespmem:s8], [sflag:$0x2] =	stream.indirect.gather [hbm4b:s6+s0], $0x80, s14, s0, $0xb8;
	[tilespmem:$0x1F000] =	vst v63  }
0xf7: {  	s15 =	sand.u32 $0x1C00, s18;
	_ =	swait.ge [sflag:s9], $0x3E80  }
0xf8: {  	s15 =	sshrl.u32 s15, $0x2;
	[sflag:s9] =	ssyncset.done $0x0  }
0xf9: {  	s19 =	simm.s32 $0x2;
	s15 =	sor.u32 $0x800, s15;
	[sflag:s9] =	ssyncadd.s32 $0xFFFFC180  }
0xfa: {  	[spmem:s2] =	stream.indirect.scatter.add.f32 [tilespmem:s4], [sflag:$0x5], $0x80, s15, s0, $0xb8;
	[tilespmem:$0x1F000] =	vst v63  }
0xfb: {  	s20 =	sand.u32 $0x6, s19;
	_ =	swait.ge [sflag:s31], $0x3E80  }
0xfc: {  	p1 =	sne.s32 s20, $0x0;
	[sflag:s31] =	ssyncset.done $0x0  }
0xfd: {  	s15 =	simm.s32 @!p1 $0x3;
	[sflag:s31] =	ssyncadd.s32 $0xFFFFC180  }
0xfe: {  	_ =	swait.ge @!p1 [sflag:s15], $0x400  }
0xff: {  	[sflag:s15] =	ssyncset.done @!p1 $0x0  }
0x100: {  	[sflag:s15] =	ssyncadd.s32 @!p1 $0xFFFFFC00;
	s15 =	simm.s32 @!p1 $0x4  }
0x101: {  	s21 =	simm.s32 $0x400;
	s28 =	simm.s32 $0x1;
	_ =	swait.ge @!p1 [sflag:s15], $0x400  }
0x102: {  	s16 =	sand.u32 $0x1C00, s21;
	s17 =	simm.s32 $0x800;
	[sflag:s15] =	ssyncset.done @!p1 $0x0  }
0x103: {  	s18 =	simm.s32 $0x100;
	s26 =	sshrl.u32 s16, $0x2;
	[sflag:s15] =	ssyncadd.s32 @!p1 $0xFFFFFC00  }
0x104: {  	[tilespmem:s4], [sflag:$0x1] =	stream.indirect.gather [hbm4b:s6+s0], $0x80, s26, s0, $0xb8;
	[tilespmem:$0x1F000] =	vst v63  }
0x105: {  	s16 =	sand.u32 $0x3, s28;
	p1 =	por $0x0, $0x0;
	_ =	swait.ge [sflag:s11], $0x3E80  }
0x106: {  	s14 =	sor.u32 $0x800, s14;
	p2 =	sne.s32 @!p1 s16, $0x0;
	[sflag:s11] =	ssyncset.done $0x0  }
0x107: {  	s15 =	simm.s32 $0x2;
	p2 =	por p2, p1;
	[sflag:s11] =	ssyncadd.s32 $0xFFFFC180  }
0x108: {  	[spmem:s2] =	stream.indirect.scatter.add.f32 [tilespmem:s8], [sflag:$0x5], $0x80, s14, s0, $0xb8;
	[tilespmem:$0x1F000] =	vst v63  }
0x109: {  	s19 =	simm.s32 @!p2 $0x1;
	s16 =	simm.s32 @!p2 $0x0;
	s14 =	simm.s32 $0x4  }
.LBB2_8:
0x10a: {  	s20 =	sadd.s32 @!p2 s13, s19  }
0x10b: {  	s21 =	sshll.u32 @!p2 s19, $0xA;
	_ =	swait.ge [sflag:s31], $0x3E80;
	s19 =	smov.u32 s15  }
0x10c: {  	s21 =	sand.u32 @!p2 $0x400, s21;
	s20 =	sshll.u32 @!p2 s20, $0x7;
	[sflag:s31] =	ssyncset.done $0x0  }
0x10d: {  	s26 =	sadd.s32 @!p2 s1, s20;
	s28 =	sor.u32 @!p2 $0x800, s21;
	[sflag:s31] =	ssyncadd.s32 $0xFFFFC180  }
0x10e: {  	[tilespmem:s21], [sflag:$0x3] =	stream.linear.gather @!p2 [hbm4b:s26+s16], $0x400, $0x38;
	[tilespmem:$0x1F000] =	vst v63  }
0x10f: {  	s15 =	sadd.s32 $0x1, s15;
	s20 =	sadd.s32 @!p2 s7, s20;
	s21 =	sand.u32 $0x700, s18  }
0x110: {  	[tilespmem:s28], [sflag:$0x4] =	stream.linear.gather @!p2 [hbm4b:s20+s16], $0x400, $0x38;
	[tilespmem:$0x1F000] =	vst v63  }
0x111: {  	p1 =	sne.s32 s15, $0x27;
	s16 =	sor.u32 $0x80, s21;
	s20 =	sadd.s32 $0xFFFFFC00, s17  }
0x112: {  	[tilespmem:s8], [sflag:$0x2] =	stream.indirect.gather [hbm4b:s6+s0], $0x80, s16, s0, $0xb8;
	[tilespmem:$0x1F000] =	vst v63  }
0x113: {  	s20 =	sand.u32 $0x1C00, s20;
	_ =	swait.ge [sflag:s9], $0x3E80  }
0x114: {  	s20 =	sshrl.u32 s20, $0x2;
	[sflag:s9] =	ssyncset.done $0x0  }
0x115: {  	s20 =	sor.u32 $0x800, s20;
	[sflag:s9] =	ssyncadd.s32 $0xFFFFC180  }
0x116: {  	[spmem:s2] =	stream.indirect.scatter.add.f32 [tilespmem:s4], [sflag:$0x5], $0x80, s20, s0, $0xb8;
	[tilespmem:$0x1F000] =	vst v63  }
0x117: {  	s20 =	sand.u32 $0x6, s14;
	_ =	swait.ge [sflag:s31], $0x3E80  }
0x118: {  	p2 =	sne.s32 s20, $0x0;
	[sflag:s31] =	ssyncset.done $0x0  }
0x119: {  	s20 =	simm.s32 @!p2 $0x3;
	[sflag:s31] =	ssyncadd.s32 $0xFFFFC180  }
0x11a: {  	_ =	swait.ge @!p2 [sflag:s20], $0x400  }
0x11b: {  	[sflag:s20] =	ssyncset.done @!p2 $0x0  }
0x11c: {  	[sflag:s20] =	ssyncadd.s32 @!p2 $0xFFFFFC00;
	s20 =	simm.s32 @!p2 $0x4  }
0x11d: {  	_ =	swait.ge @!p2 [sflag:s20], $0x400  }
0x11e: {  	s21 =	sand.u32 $0x1C00, s17;
	s14 =	sadd.s32 $0x2, s14;
	[sflag:s20] =	ssyncset.done @!p2 $0x0  }
0x11f: {  	p3 =	sgt.u32 s19, $0x23;
	s26 =	sand.u32 $0x3, s19;
	[sflag:s20] =	ssyncadd.s32 @!p2 $0xFFFFFC00  }
0x120: {  	s17 =	sadd.s32 $0x400, s17;
	p2 =	sne.s32 @!p3 s26, $0x0;
	s20 =	sshrl.u32 s21, $0x2  }
0x121: {  	[tilespmem:s4], [sflag:$0x1] =	stream.indirect.gather [hbm4b:s6+s0], $0x80, s20, s0, $0xb8;
	[tilespmem:$0x1F000] =	vst v63  }
.Ltmp4:
0x122: {  	_ = 	snop;
	(pc) =	sbr.rel @p1 .LBB2_8-.Ltmp4, $4  }
0x123: {  	p2 =	por p2, p3;
	s20 =	sor.u32 $0x800, s16;
	_ =	swait.ge [sflag:s11], $0x3E80  }
0x124: {  	s18 =	sadd.s32 $0x100, s18;
	s16 =	sshrl.u32 @!p2 s19, $0x2;
	[sflag:s11] =	ssyncset.done $0x0  }
0x125: {  	s19 =	sadd.s32 @!p2 $0x1, s16;
	s16 =	simm.s32 @!p2 $0x0;
	[sflag:s11] =	ssyncadd.s32 $0xFFFFC180  }
0x126: {  	[spmem:s2] =	stream.indirect.scatter.add.f32 [tilespmem:s8], [sflag:$0x5], $0x80, s20, s0, $0xb8;
	[tilespmem:$0x1F000] =	vst v63  }
0x127: {  	s15 =	sadd.s32 @!p2 s13, s19;
	_ =	swait.ge [sflag:s31], $0x3E80  }
0x128: {  	s19 =	sshll.u32 @!p2 s19, $0xA;
	s15 =	sshll.u32 @!p2 s15, $0x7;
	[sflag:s31] =	ssyncset.done $0x0  }
0x129: {  	s19 =	sand.u32 @!p2 $0x400, s19;
	s20 =	sadd.s32 @!p2 s1, s15;
	[sflag:s31] =	ssyncadd.s32 $0xFFFFC180  }
0x12a: {  	[tilespmem:s19], [sflag:$0x3] =	stream.linear.gather @!p2 [hbm4b:s20+s16], $0x400, $0x38;
	[tilespmem:$0x1F000] =	vst v63  }
0x12b: {  	s18 =	sand.u32 $0x700, s18;
	s15 =	sadd.s32 @!p2 s7, s15;
	s19 =	sor.u32 @!p2 $0x800, s19  }
0x12c: {  	[tilespmem:s19], [sflag:$0x4] =	stream.linear.gather @!p2 [hbm4b:s15+s16], $0x400, $0x38;
	[tilespmem:$0x1F000] =	vst v63  }
0x12d: {  	s18 =	sor.u32 $0x80, s18;
	s19 =	sadd.s32 $0xFFFFFC00, s17  }
0x12e: {  	[tilespmem:s8], [sflag:$0x2] =	stream.indirect.gather [hbm4b:s6+s0], $0x80, s18, s0, $0xb8;
	[tilespmem:$0x1F000] =	vst v63  }
0x12f: {  	s16 =	sand.u32 $0x1C00, s19;
	_ =	swait.ge [sflag:s9], $0x3E80  }
0x130: {  	s16 =	sshrl.u32 s16, $0x2;
	[sflag:s9] =	ssyncset.done $0x0  }
0x131: {  	s16 =	sor.u32 $0x800, s16;
	[sflag:s9] =	ssyncadd.s32 $0xFFFFC180  }
0x132: {  	[spmem:s2] =	stream.indirect.scatter.add.f32 [tilespmem:s4], [sflag:$0x5], $0x80, s16, s0, $0xb8;
	[tilespmem:$0x1F000] =	vst v63  }
0x133: {  	s14 =	sand.u32 $0x6, s14;
	_ =	swait.ge [sflag:s31], $0x3E80  }
0x134: {  	p1 =	sne.s32 s14, $0x0;
	[sflag:s31] =	ssyncset.done $0x0  }
0x135: {  	s14 =	simm.s32 @!p1 $0x3;
	[sflag:s31] =	ssyncadd.s32 $0xFFFFC180  }
0x136: {  	_ =	swait.ge @!p1 [sflag:s14], $0x400  }
0x137: {  	[sflag:s14] =	ssyncset.done @!p1 $0x0  }
0x138: {  	[sflag:s14] =	ssyncadd.s32 @!p1 $0xFFFFFC00;
	s14 =	simm.s32 @!p1 $0x4  }
0x139: {  	_ =	swait.ge @!p1 [sflag:s14], $0x400  }
0x13a: {  	s20 =	sand.u32 $0x1C00, s17;
	[sflag:s14] =	ssyncset.done @!p1 $0x0  }
0x13b: {  	s21 =	sshrl.u32 s20, $0x2;
	[sflag:s14] =	ssyncadd.s32 @!p1 $0xFFFFFC00  }
0x13c: {  	[tilespmem:s4], [sflag:$0x1] =	stream.indirect.gather [hbm4b:s6+s0], $0x80, s21, s0, $0xb8;
	[tilespmem:$0x1F000] =	vst v63  }
0x13d: {  	_ =	swait.ge [sflag:s11], $0x3E80  }
0x13e: {  	[sflag:s11] =	ssyncset.done $0x0  }
0x13f: {  	s26 =	sor.u32 $0x800, s18;
	[sflag:s11] =	ssyncadd.s32 $0xFFFFC180  }
0x140: {  	[spmem:s2] =	stream.indirect.scatter.add.f32 [tilespmem:s8], [sflag:$0x5], $0x80, s26, s0, $0xb8;
	[tilespmem:$0x1F000] =	vst v63  }
.Ltmp5:
0x141: {  	_ = 	snop;
	(pc) =	sbr.rel .LBB2_10-.Ltmp5, $4  }
0x142: {  	_ =	swait.ge [sflag:s31], $0x3E80  }
0x143: {  	[sflag:s31] =	ssyncset.done $0x0  }
0x144: {  	s28 =	simm.s32 $0x780;
	s17 =	rddreg [dreg:$0x5];
	[sflag:s31] =	ssyncadd.s32 $0xFFFFC180  }
0x145: {  	[tilespmem:s8], [sflag:$0x2] =	stream.indirect.gather [hbm4b:s6+s0], $0x80, s28, s0, $0xb8;
	[tilespmem:$0x1F000] =	vst v63  }
.LBB2_4:
0x146: {  	[tilespmem:s4], [sflag:$0x1] =	stream.indirect.gather [hbm4b:s5+s0], $0x80, s14, s0, $0xb8;
	[tilespmem:$0x1F000] =	vst v63  }
0x147: {  	s15 =	sand.u32 $0x3, s14;
	p1 =	por $0x0, $0x0  }
0x148: {  	p2 =	sne.s32 @!p1 s15, $0x0  }
0x149: {  	p1 =	por p2, p1  }
0x14a: {  	s15 =	sadd.s32 @!p1 $0x1, s13  }
0x14b: {  	s16 =	simm.s32 @!p1 $0x400;
	s15 =	sshll.u32 @!p1 s15, $0x7  }
0x14c: {  	s17 =	simm.s32 @!p1 $0x0;
	s16 =	sand.u32 @!p1 $0x400, s16;
	s18 =	sadd.s32 @!p1 s1, s15  }
0x14d: {  	[tilespmem:s16], [sflag:$0x3] =	stream.linear.gather @!p1 [hbm4b:s18+s17], $0x400, $0x38;
	[tilespmem:$0x1F000] =	vst v63  }
0x14e: {  	s28 =	sand.u32 $0x700, s14;
	s15 =	sadd.s32 @!p1 s7, s15;
	s16 =	sor.u32 @!p1 $0x800, s16  }
0x14f: {  	[tilespmem:s16], [sflag:$0x4] =	stream.linear.gather @!p1 [hbm4b:s15+s17], $0x400, $0x38;
	[tilespmem:$0x1F000] =	vst v63  }
0x150: {  	s14 =	sor.u32 $0x80, s28;
	s18 =	simm.s32 $0x0  }
0x151: {  	[tilespmem:s8], [sflag:$0x2] =	stream.indirect.gather [hbm4b:s5+s0], $0x80, s14, s0, $0xb8;
	[tilespmem:$0x1F000] =	vst v63  }
0x152: {  	s15 =	sand.u32 $0x1C00, s18;
	_ =	swait.ge [sflag:s9], $0x3E80  }
0x153: {  	s15 =	sshrl.u32 s15, $0x2;
	[sflag:s9] =	ssyncset.done $0x0  }
0x154: {  	s19 =	simm.s32 $0x2;
	s15 =	sor.u32 $0x800, s15;
	[sflag:s9] =	ssyncadd.s32 $0xFFFFC180  }
0x155: {  	[spmem:s2] =	stream.indirect.scatter.add.f32 [tilespmem:s4], [sflag:$0x5], $0x80, s15, s0, $0xb8;
	[tilespmem:$0x1F000] =	vst v63  }
0x156: {  	s20 =	sand.u32 $0x6, s19;
	_ =	swait.ge [sflag:s31], $0x3E80  }
0x157: {  	p1 =	sne.s32 s20, $0x0;
	[sflag:s31] =	ssyncset.done $0x0  }
0x158: {  	s15 =	simm.s32 @!p1 $0x3;
	[sflag:s31] =	ssyncadd.s32 $0xFFFFC180  }
0x159: {  	_ =	swait.ge @!p1 [sflag:s15], $0x400  }
0x15a: {  	[sflag:s15] =	ssyncset.done @!p1 $0x0  }
0x15b: {  	[sflag:s15] =	ssyncadd.s32 @!p1 $0xFFFFFC00;
	s15 =	simm.s32 @!p1 $0x4  }
0x15c: {  	s21 =	simm.s32 $0x400;
	s28 =	simm.s32 $0x1;
	_ =	swait.ge @!p1 [sflag:s15], $0x400  }
0x15d: {  	s16 =	sand.u32 $0x1C00, s21;
	s17 =	simm.s32 $0x800;
	[sflag:s15] =	ssyncset.done @!p1 $0x0  }
0x15e: {  	s18 =	simm.s32 $0x100;
	s26 =	sshrl.u32 s16, $0x2;
	[sflag:s15] =	ssyncadd.s32 @!p1 $0xFFFFFC00  }
0x15f: {  	[tilespmem:s4], [sflag:$0x1] =	stream.indirect.gather [hbm4b:s5+s0], $0x80, s26, s0, $0xb8;
	[tilespmem:$0x1F000] =	vst v63  }
0x160: {  	s16 =	sand.u32 $0x3, s28;
	p1 =	por $0x0, $0x0;
	_ =	swait.ge [sflag:s11], $0x3E80  }
0x161: {  	s14 =	sor.u32 $0x800, s14;
	p2 =	sne.s32 @!p1 s16, $0x0;
	[sflag:s11] =	ssyncset.done $0x0  }
0x162: {  	s15 =	simm.s32 $0x2;
	p2 =	por p2, p1;
	[sflag:s11] =	ssyncadd.s32 $0xFFFFC180  }
0x163: {  	[spmem:s2] =	stream.indirect.scatter.add.f32 [tilespmem:s8], [sflag:$0x5], $0x80, s14, s0, $0xb8;
	[tilespmem:$0x1F000] =	vst v63  }
0x164: {  	s19 =	simm.s32 @!p2 $0x1;
	s16 =	simm.s32 @!p2 $0x0;
	s14 =	simm.s32 $0x4  }
.LBB2_5:
0x165: {  	s20 =	sadd.s32 @!p2 s13, s19  }
0x166: {  	s26 =	sshll.u32 @!p2 s19, $0xA;
	_ =	swait.ge [sflag:s31], $0x3E80;
	s19 =	smov.u32 s15  }
0x167: {  	s26 =	sand.u32 @!p2 $0x400, s26;
	s20 =	sshll.u32 @!p2 s20, $0x7;
	[sflag:s31] =	ssyncset.done $0x0  }
0x168: {  	s21 =	sadd.s32 @!p2 s1, s20;
	s28 =	sor.u32 @!p2 $0x800, s26;
	[sflag:s31] =	ssyncadd.s32 $0xFFFFC180  }
0x169: {  	[tilespmem:s26], [sflag:$0x3] =	stream.linear.gather @!p2 [hbm4b:s21+s16], $0x400, $0x38;
	[tilespmem:$0x1F000] =	vst v63  }
0x16a: {  	s15 =	sadd.s32 $0x1, s15;
	s20 =	sadd.s32 @!p2 s7, s20;
	s21 =	sand.u32 $0x700, s18  }
0x16b: {  	[tilespmem:s28], [sflag:$0x4] =	stream.linear.gather @!p2 [hbm4b:s20+s16], $0x400, $0x38;
	[tilespmem:$0x1F000] =	vst v63  }
0x16c: {  	p1 =	sne.s32 s15, $0x27;
	s16 =	sor.u32 $0x80, s21;
	s20 =	sadd.s32 $0xFFFFFC00, s17  }
0x16d: {  	[tilespmem:s8], [sflag:$0x2] =	stream.indirect.gather [hbm4b:s5+s0], $0x80, s16, s0, $0xb8;
	[tilespmem:$0x1F000] =	vst v63  }
0x16e: {  	s20 =	sand.u32 $0x1C00, s20;
	_ =	swait.ge [sflag:s9], $0x3E80  }
0x16f: {  	s20 =	sshrl.u32 s20, $0x2;
	[sflag:s9] =	ssyncset.done $0x0  }
0x170: {  	s20 =	sor.u32 $0x800, s20;
	[sflag:s9] =	ssyncadd.s32 $0xFFFFC180  }
0x171: {  	[spmem:s2] =	stream.indirect.scatter.add.f32 [tilespmem:s4], [sflag:$0x5], $0x80, s20, s0, $0xb8;
	[tilespmem:$0x1F000] =	vst v63  }
0x172: {  	s20 =	sand.u32 $0x6, s14;
	_ =	swait.ge [sflag:s31], $0x3E80  }
0x173: {  	p2 =	sne.s32 s20, $0x0;
	[sflag:s31] =	ssyncset.done $0x0  }
0x174: {  	s20 =	simm.s32 @!p2 $0x3;
	[sflag:s31] =	ssyncadd.s32 $0xFFFFC180  }
0x175: {  	_ =	swait.ge @!p2 [sflag:s20], $0x400  }
0x176: {  	[sflag:s20] =	ssyncset.done @!p2 $0x0  }
0x177: {  	[sflag:s20] =	ssyncadd.s32 @!p2 $0xFFFFFC00;
	s20 =	simm.s32 @!p2 $0x4  }
0x178: {  	_ =	swait.ge @!p2 [sflag:s20], $0x400  }
0x179: {  	s21 =	sand.u32 $0x1C00, s17;
	s14 =	sadd.s32 $0x2, s14;
	[sflag:s20] =	ssyncset.done @!p2 $0x0  }
0x17a: {  	p3 =	sgt.u32 s19, $0x23;
	s26 =	sand.u32 $0x3, s19;
	[sflag:s20] =	ssyncadd.s32 @!p2 $0xFFFFFC00  }
0x17b: {  	s17 =	sadd.s32 $0x400, s17;
	p2 =	sne.s32 @!p3 s26, $0x0;
	s20 =	sshrl.u32 s21, $0x2  }
0x17c: {  	[tilespmem:s4], [sflag:$0x1] =	stream.indirect.gather [hbm4b:s5+s0], $0x80, s20, s0, $0xb8;
	[tilespmem:$0x1F000] =	vst v63  }
.Ltmp6:
0x17d: {  	_ = 	snop;
	(pc) =	sbr.rel @p1 .LBB2_5-.Ltmp6, $4  }
0x17e: {  	p2 =	por p2, p3;
	s20 =	sor.u32 $0x800, s16;
	_ =	swait.ge [sflag:s11], $0x3E80  }
0x17f: {  	s18 =	sadd.s32 $0x100, s18;
	s16 =	sshrl.u32 @!p2 s19, $0x2;
	[sflag:s11] =	ssyncset.done $0x0  }
0x180: {  	s19 =	sadd.s32 @!p2 $0x1, s16;
	s16 =	simm.s32 @!p2 $0x0;
	[sflag:s11] =	ssyncadd.s32 $0xFFFFC180  }
0x181: {  	[spmem:s2] =	stream.indirect.scatter.add.f32 [tilespmem:s8], [sflag:$0x5], $0x80, s20, s0, $0xb8;
	[tilespmem:$0x1F000] =	vst v63  }
.Ltmp7:
0x182: {  	_ = 	snop;
	(pc) =	sbr.rel .LBB2_6-.Ltmp7, $1  }
0x183: {  	_ =	sdelay $0x3  }
.LBB2_11:
0x184: {  	_ =	sfence.sel $0x180000  }
0x185: {  	[bflag:$0x0] =	sbarrier.arrive $0xFFFF  }
0x186: {  	_ =	strace $0x9000004A  }
0x187: {  	s0 =	stileid.u32;
	[bflag:$0x2] =	sbarrier.arrive $0xFFFF  }
0x188: {  	p0 =	sne.s32 s0, $0x0;
	s0 =	rddreg [dreg:$0x3]  }
0x189: {  	s0 =	sadd.s32 @!p0 $0x100000, s0  }
0x18a: {  	[sflag:s0] =	ssyncadd.tile.s32 @!p0 $0x1;
	_ =	shalt  }
.Lfunc_end2:
_tile_overlayer_lowered:
.L_overlay_start_2:
0x18b: {  	(tag) =	ssettag $0x2  }
0x18c: {  	s0 =	rddreg [dreg:$0x0];
	s2 =	stileid.u32  }
0x18d: {  	s1 =	rddreg [dreg:$0x1];
	p0 =	sne.s32 s2, $0x0  }
0x18e: {  	s3 =	rddreg [dreg:$0x2];
	[bflag:$0x3] =	sbarrier.arrive $0xFFFF;
	s2 =	simm.s32 @!p0 $0x1C05  }
0x18f: {  	[timem:s3], [sflag:s2] =	dma.local @!p0 [hbm:s0], s1  }
0x190: {  	s0 =	simm.s32 @!p0 $0x5  }
0x191: {  	_ =	swait.ge @!p0 [sflag:s0], s1  }
0x192: {  	s1 =	ssub.s32 @!p0 $0x0, s1;
	[sflag:s0] =	ssyncset.done @!p0 $0x0  }
0x193: {  	[sflag:s0] =	ssyncadd.s32 @!p0 s1  }
0x194: {  	[bflag:$0x3] =	sbarrier.arrive $0xFFFF  }
0x195: {  	_ =	shalt  }

// kernel: kernel.15.cloned.1.call-start
scs
__scs_entry_jumppad:
0x0: {  	(pc) =	sbr.rel $0x88, $3  }
0x1: {  	(tag) =	ssettag $0x0;
	lr =	simm.s32 $0x1  }
0x2: {  	[smem:$0x3F9B] =	sst lr;
	_ =	strace $0xD0000000  }
0x3: {  	_ = 	snop  }
0x4: {  	_ = 	snop  }
0x5: {  	_ = 	snop  }
0x6: {  	_ = 	snop  }
0x7: {  	_ = 	snop  }
__scs_overlays_trampoline_lowered:
0x8: {  	[smem:$0x3FAA] =	sst s0  }
0x9: {  	[smem:$0x3FAB] =	sst s1  }
0xa: {  	[smem:$0x3FAC] =	sst s2  }
0xb: {  	[smem:$0x3FAD] =	sst s3  }
0xc: {  	[smem:$0x3FAE] =	sst s4  }
0xd: {  	[smem:$0x3FAF] =	sst s5  }
0xe: {  	[smem:$0x3FB0] =	sst s6  }
0xf: {  	[smem:$0x3FB1] =	sst s7  }
0x10: {  	[smem:$0x3FB2] =	sst s8  }
0x11: {  	[smem:$0x3FB3] =	sst s9;
	s0 =	simm.s32 @!p0 $0x0  }
0x12: {  	s1 =	sld [smem:$0x3F99];
	s0 =	simm.s32 @p0 $0x1  }
0x13: {  	[smem:$0x3FB4] =	sst s0;
	s0 =	simm.s32 @!p1 $0x0  }
0x14: {  	s2 =	sld [smem:$0x3F98];
	s0 =	simm.s32 @p1 $0x1  }
0x15: {  	[smem:$0x3FB5] =	sst s0;
	s0 =	simm.s32 @!p2 $0x0  }
0x16: {  	s3 =	sld [smem:$0x3FDB];
	s0 =	simm.s32 @p2 $0x1  }
0x17: {  	s4 =	simm.s32 $0x1BF5;
	[smem:$0x3FB7] =	sst s0  }
0x18: {  	s0 =	sld [smem:$0x3F9A];
	_ =	swait.ge [sflag:s4], $0x0  }
0x19: {  	s7 =	sld [smem:$0x3F9B]  }
0x1a: {  	s8 =	sadd.s32 $0xFFFFE003, lr  }
0x1b: {  	s9 =	sadd.s32 $0xFFFFFEF7, lr;
	s5 =	simm.s32 $0xFFFFFFFF;
	p2 =	slt.u32 s8, $0xFFFFF086  }
0x1c: {  	p1 =	slt.u32 s9, $0xF7A;
	s5 =	simm.s32 @!p2 $0x0  }
0x1d: {  	s5 =	simm.s32 @p1 $0x1;
	p0 =	seq.s32 s7, s2  }
0x1e: {  	s7 =	smul.u32 @!p0 $0xF7A, s2;
	p2 =	seq.s32 @!p0 s5, $0x0  }
0x1f: {  	s9 =	smul.u32 $0xF7A, s1;
	s8 =	simm.s32 @!p0 $0x1BF5;
	p2 =	por !p2, p0  }
0x20: {  	[sflag:s8] =	ssyncset.s32 @!p0 $0xFFFFF086;
	s6 =	sadd.s32 @!p0 s3, s7;
	s7 =	simm.s32 @!p0 $0x108  }
0x21: {  	s3 =	sadd.s32 s3, s9;
	s6 =	sadd.s32 @!p0 $0x88, s6;
	s7 =	simm.s32 @p2 $0x1082  }
0x22: {  	[simem:s7], [sflag:s8] =	dma.local @!p0 [hbm:s6], $0xF7A  }
0x23: {  	s9 =	sor.u32 $0xD0000000, s2;
	s6 =	simm.s32 $0x108;
	_ =	swait.ge @!p0 [sflag:s8], $0x0  }
0x24: {  	s3 =	sadd.s32 $0x88, s3;
	s6 =	simm.s32 @!p1 $0x1082;
	[sflag:s4] =	ssyncset.s32 $0xFFFFF086  }
0x25: {  	[simem:s6], [sflag:s4] =	dma.local [hbm:s3], $0xF7A  }
0x26: {  	[smem:$0x3F9B] =	sst s1;
	(tag) =	ssettag s2;
	_ =	strace s9  }
0x27: {  	s1 =	sld [smem:$0x3FAB]  }
0x28: {  	s2 =	sld [smem:$0x3FAC]  }
0x29: {  	s4 =	sld [smem:$0x3FAE]  }
0x2a: {  	p0 =	seq.s32 s5, $0x0;
	s5 =	sld [smem:$0x3FAF]  }
0x2b: {  	s6 =	sld [smem:$0x3FB0]  }
0x2c: {  	s7 =	sld [smem:$0x3FB1]  }
0x2d: {  	s3 =	simm.s32 $0x108;
	s8 =	sld [smem:$0x3FB2]  }
0x2e: {  	s3 =	simm.s32 @!p0 $0x1082;
	s9 =	sld [smem:$0x3FB3]  }
0x2f: {  	lr =	sadd.s32 s0, s3;
	s0 =	sld [smem:$0x3FAA]  }
0x30: {  	s3 =	sld [smem:$0x3FAD]  }
0x31: {  	[smem:$0x3FB6] =	sst s10  }
0x32: {  	s10 =	sld [smem:$0x3FB4];
	_ =	sdelay $0x3  }
0x33: {  	p0 =	seq.s32 s10, $0x1;
	s10 =	sld [smem:$0x3FB6];
	_ =	sdelay $0x3  }
0x34: {  	[smem:$0x3FB6] =	sst s10  }
0x35: {  	s10 =	sld [smem:$0x3FB5];
	_ =	sdelay $0x3  }
0x36: {  	p1 =	seq.s32 s10, $0x1;
	s10 =	sld [smem:$0x3FB6];
	_ =	sdelay $0x3  }
0x37: {  	[smem:$0x3FB6] =	sst s10  }
0x38: {  	s10 =	sld [smem:$0x3FB7]  }
0x39: {  	_ = 	snop;
	(pc) =	sbr.ind lr, $3  }
0x3a: {  	_ = 	snop  }
0x3b: {  	_ = 	snop  }
0x3c: {  	p2 =	seq.s32 s10, $0x1;
	s10 =	sld [smem:$0x3FB6]  }
0x3d: {  	_ =	shalt  }
0x3e: {  	_ =	shalt  }
0x3f: {  	_ =	shalt  }
0x40: {  	_ =	shalt  }
0x41: {  	_ =	shalt  }
0x42: {  	_ =	shalt  }
0x43: {  	_ =	shalt  }
0x44: {  	_ =	shalt  }
0x45: {  	_ =	shalt  }
0x46: {  	_ =	shalt  }
0x47: {  	_ =	shalt  }
0x48: {  	_ =	shalt  }
0x49: {  	_ =	shalt  }
0x4a: {  	_ =	shalt  }
0x4b: {  	_ =	shalt  }
0x4c: {  	_ =	shalt  }
0x4d: {  	_ =	shalt  }
0x4e: {  	_ =	shalt  }
0x4f: {  	_ =	shalt  }
0x50: {  	_ =	shalt  }
0x51: {  	_ =	shalt  }
0x52: {  	_ =	shalt  }
0x53: {  	_ =	shalt  }
0x54: {  	_ =	shalt  }
0x55: {  	_ =	shalt  }
0x56: {  	_ =	shalt  }
0x57: {  	_ =	shalt  }
0x58: {  	_ =	shalt  }
0x59: {  	_ =	shalt  }
0x5a: {  	_ =	shalt  }
0x5b: {  	_ =	shalt  }
0x5c: {  	_ =	shalt  }
0x5d: {  	_ =	shalt  }
0x5e: {  	_ =	shalt  }
0x5f: {  	_ =	shalt  }
0x60: {  	_ =	shalt  }
0x61: {  	_ =	shalt  }
0x62: {  	_ =	shalt  }
0x63: {  	_ =	shalt  }
0x64: {  	_ =	shalt  }
0x65: {  	_ =	shalt  }
0x66: {  	_ =	shalt  }
0x67: {  	_ =	shalt  }
0x68: {  	_ =	shalt  }
0x69: {  	_ =	shalt  }
0x6a: {  	_ =	shalt  }
0x6b: {  	_ =	shalt  }
0x6c: {  	_ =	shalt  }
0x6d: {  	_ =	shalt  }
0x6e: {  	_ =	shalt  }
0x6f: {  	_ =	shalt  }
0x70: {  	_ =	shalt  }
0x71: {  	_ =	shalt  }
0x72: {  	_ =	shalt  }
0x73: {  	_ =	shalt  }
0x74: {  	_ =	shalt  }
0x75: {  	_ =	shalt  }
0x76: {  	_ =	shalt  }
0x77: {  	_ =	shalt  }
0x78: {  	_ =	shalt  }
0x79: {  	_ =	shalt  }
0x7a: {  	_ =	shalt  }
0x7b: {  	_ =	shalt  }
0x7c: {  	_ =	shalt  }
0x7d: {  	_ =	shalt  }
0x7e: {  	_ =	shalt  }
0x7f: {  	_ =	shalt  }
0x80: {  	_ =	shalt  }
0x81: {  	_ =	shalt  }
0x82: {  	_ =	shalt  }
0x83: {  	_ =	shalt  }
0x84: {  	_ =	shalt  }
0x85: {  	_ =	shalt  }
0x86: {  	_ =	shalt  }
0x87: {  	_ =	shalt  }
.Lfunc_end0:
.L_simem_size_0:
called_computation.2_lowered:
.L_overlay_start_0:
0x88: {  	s2 =	sld [smem:$0x3FD9]  }
0x89: {  	s3 =	sld [smem:$0x3FFE];
	_ =	sdelay $0x1  }
0x8a: {  	s1 =	srdreg.scid  }
0x8b: {  	s0 =	sand.u32 $0x1, s1  }
0x8c: {  	s17 =	sshll.u32 s0, $0xA;
	s2 =	sadd.s32 s3, s2  }
0x8d: {  	s2 =	sadd.s32 s2, s17  }
0x8e: {  	[smem:$0x3FC2] =	sst s2  }
0x8f: {  	_ = 	snop  }
0x90: {  	s2 =	sld [smem:$0x3FD0];
	(tm) =	ssettm $0x1  }
0x91: {  	s18 =	sld [smem:$0x3FFB];
	_ =	sdelay $0x3  }
0x92: {  	_ =	strace s18  }
0x93: {  	s3 =	sld [smem:$0x3FFC];
	_ =	sdelay $0x3  }
0x94: {  	_ =	strace s3  }
0x95: {  	s3 =	sld [smem:$0x3FFD];
	_ =	sdelay $0x3  }
0x96: {  	_ =	strace s3  }
0x97: {  	_ =	strace $0x8FFFFFFF  }
0x98: {  	s19 =	sld [smem:$0x3FDB];
	_ =	sdelay $0x1  }
0x99: {  	s4 =	simm.s32 $_scs_section_size  }
0x9a: {  	s5 =	simm.s32 $_size__tile_overlayer_lowered;
	s6 =	simm.s32 $_tile_overlayer_lowered  }
0x9b: {  	s22 =	simm.s32 $0x1BFF;
	s21 =	sshll.u32 s6, $0x1;
	s3 =	sadd.s32 s4, s19  }
0x9c: {  	s7 =	simm.s32 $0x0;
	s20 =	sshll.u32 s5, $0x1;
	s5 =	sadd.s32 s21, s3  }
0x9d: {  	[timem:s7], [sflag:s22] =	dma.local [hbm:s5], s20  }
0x9e: {  	_ =	swait.ge [sflag:s22], s20  }
0x9f: {  	s4 =	ssub.s32 $0x0, s20;
	[sflag:s22] =	ssyncset.done $0x0  }
0xa0: {  	[sflag:s22] =	ssyncadd.s32 s4;
	_ =	sdelay $0x1  }
0xa1: {  	s23 =	simm.s32 $0x1B8B  }
0xa2: {  	_ =	swait.ge [sflag:s23], $0x1  }
0xa3: {  	[sflag:s23] =	ssyncset.done $0x0  }
0xa4: {  	s25 =	simm.s32 $0x1B8E;
	s24 =	sld [smem:$0x3FFE];
	[sflag:s23] =	ssyncadd.s32 $0xFFFFFFFF  }
0xa5: {  	s26 =	simm.s32 $execute0_lowered;
	[smem:$0x3FD2] =	sst s25  }
0xa6: {  	s5 =	sshll.u32 s26, $0x1;
	_ =	strace $0x8000004C;
	[dreg:$0x1] =	wrdreg $0xFFFFFFFF  }
0xa7: {  	s28 =	simm.s32 $_size_execute0_lowered;
	s3 =	sadd.s32 s3, s5;
	[dreg:$0x0] =	wrdreg $0x0  }
0xa8: {  	s5 =	sshll.u32 s28, $0x1;
	[dreg:$0x2] =	wrdreg s3  }
0xa9: {  	[dreg:$0x3] =	wrdreg s5  }
0xaa: {  	[dreg:$0x4] =	wrdreg $0xC0  }
0xab: {  	_ =	task [dreg:s7], $0x5FFFF  }
0xac: {  	[dreg:$0x1] =	wrdreg $0xFFFFFFFF  }
0xad: {  	[dreg:$0x0] =	wrdreg $0x60  }
0xae: {  	[dreg:$0x2] =	wrdreg s2  }
0xaf: {  	[dreg:$0x3] =	wrdreg s24  }
0xb0: {  	[dreg:$0x4] =	wrdreg $0x95C00  }
0xb1: {  	[dreg:$0x5] =	wrdreg $0x9  }
0xb2: {  	_ =	task.clear_ibuf [dreg:s7], $0x6FFFF;
	_ =	strace $0x9000004C  }
0xb3: {  	s29 =	simm.s32 $0x9;
	_ =	strace $0x8000004E  }
0xb4: {  	_ =	swait.ge [sflag:s29], $0x1  }
0xb5: {  	[sflag:s29] =	ssyncadd.s32 $0xFFFFFFFF  }
0xb6: {  	_ =	strace $0x9000004E  }
0xb7: {  	_ =	sfence  }
0xb8: {  	s30 =	sld [smem:$0x0];
	_ =	sdelay $0x2  }
0xb9: {  	s31 =	sshll.u32 s1, $0xD;
	s1 =	sshrl.u32 s1, $0x2  }
0xba: {  	s3 =	sand.u32 $0x4000, s31;
	s1 =	sadd.s32 s1, s30  }
0xbb: {  	s0 =	sor.u32 s3, s0;
	s1 =	sshll.u32 s1, $0x11  }
0xbc: {  	s0 =	sor.u32 s1, s0  }
0xbd: {  	s0 =	sadd.s32 $0x8F2B, s0  }
0xbe: {  	[sflag:s0] =	ssyncadd.remote.s32 $0x1  }
0xbf: {  	_ =	sfence.sel $0xFFFF  }
0xc0: {  	[dreg:$0x0] =	wrdreg $0xFFFFFFFF;
	(pc) =	sbr.abs _section_cstart, $3  }
0xc1: {  	[dreg:$0x1] =	wrdreg $0xFFFFFFFF  }
0xc2: {  	_ =	task.clear_ibuf [dreg:s7], $0x2FFFF;
	_ =	strace $0x9FFFFFFF  }
0xc3: {  	(tm) =	ssettm $0x7FFFFFFF  }
tec
execute0_lowered:
.L_overlay_start_1:
0x0: {  	(tag) =	ssettag $0x1  }
0x1: {  	s2 =	rddreg [dreg:$0x0]  }
0x2: {  	s0 =	rddreg [dreg:$0x1]  }
0x3: {  	s1 =	srdreg.scid;
	s3 =	rddreg [dreg:$0x2]  }
0x4: {  	s8 =	stileid.u32;
	s4 =	simm.s32 $0x0;
	s29 =	simm.s32 $0x85C0  }
0x5: {  	s30 =	simm.s32 $0x7;
	s31 =	simm.s32 $0x4740;
	s6 =	smul.u32 $0x280, s8  }
0x6: {  	s1 =	sand.u32 $0x1, s1;
	[smem:$0x7FF] =	sst s4;
	s11 =	smul.u32 $0x28000, s8  }
0x7: {  	s5 =	sshll.u32 s1, $0x4;
	s7 =	smul.u32 $0x2800, s1;
	s1 =	ssub.s32 $0x2, s1  }
0x8: {  	_ =	strace $0x8000004D;
	s5 =	sor.u32 s8, s5;
	s14 =	sshrl.u32 s1, $0x1  }
0x9: {  	s15 =	sshrl.u32 s11, $0x2;
	s8 =	simm.s32 $0x2;
	s5 =	smul.u32 $0x280, s5  }
0xa: {  	s6 =	sadd.s32 s7, s6;
	s1 =	ssub.s32 s1, s14;
	s7 =	simm.s32 $0x6680  }
0xb: {  	s13 =	sshll.u32 s6, $0x3;
	s1 =	smax.u32 s1, $0x1;
	s12 =	sadd.s32 s5, s0  }
0xc: {  	s6 =	simm.s32 $0x1;
	[dreg:$0x6] =	wrdreg s1;
	s16 =	sadd.s32 $0xC200, s12  }
0xd: {  	s0 =	sadd.s32 s13, s0;
	s17 =	sadd.s32 $0x7200, s12;
	[dreg:$0x4] =	wrdreg s16  }
0xe: {  	s5 =	sadd.s32 s15, s3;
	s18 =	sadd.s32 $0x61200, s0;
	[dreg:$0x5] =	wrdreg s17  }
0xf: {  	s1 =	simm.s32 $0x2800;
	s19 =	sadd.s32 $0x61400, s0;
	[dreg:$0x7] =	wrdreg s18  }
0x10: {  	s9 =	sadd.s32 $0x1000, s5;
	s20 =	sadd.s32 $0x61600, s0;
	[dreg:$0x8] =	wrdreg s19  }
0x11: {  	s10 =	sadd.s32 $0x2000, s5;
	s21 =	sadd.s32 $0x61800, s0;
	[dreg:$0x9] =	wrdreg s20  }
0x12: {  	s11 =	sadd.s32 $0x3000, s5;
	s22 =	sadd.s32 $0x61A00, s0;
	[dreg:$0xa] =	wrdreg s21  }
0x13: {  	s12 =	sadd.s32 $0x4000, s5;
	s23 =	sadd.s32 $0x61C00, s0;
	[dreg:$0xb] =	wrdreg s22  }
0x14: {  	s13 =	sadd.s32 $0x5000, s5;
	s24 =	sadd.s32 $0x61E00, s0;
	[dreg:$0xc] =	wrdreg s23  }
0x15: {  	s14 =	sadd.s32 $0x6000, s5;
	s25 =	sadd.s32 $0x62000, s0;
	[dreg:$0xd] =	wrdreg s24  }
.Ltmp0:
0x16: {  	s26 =	sadd.s32 $0x62200, s0;
	[dreg:$0xe] =	wrdreg s25;
	(pc) =	sbr.rel .LBB2_1-.Ltmp0, $4  }
0x17: {  	s15 =	sadd.s32 $0x7000, s5;
	s0 =	sadd.s32 $0x62400, s0;
	[dreg:$0xf] =	wrdreg s26  }
0x18: {  	s28 =	sadd.s32 $0x9000, s5;
	[dreg:$0x10] =	wrdreg s0;
	s26 =	sadd.s32 $0x8000, s5  }
0x19: {  	s0 =	simm.s32 $0x7D;
	s16 =	simm.s32 $0x4;
	s17 =	simm.s32 $0x3  }
0x1a: {  	v0 =	vimm.f32 $0.0e+00;
	s18 =	simm.s32 $0x6;
	s19 =	simm.s32 $0x5;
	s20 =	simm.s32 $0x0  }
.LBB2_8:
0x1b: {  	_ =	swait.ge [sflag:s16], $0x1F40  }
0x1c: {  	[sflag:s16] =	ssyncset.done $0x0  }
0x1d: {  	[sflag:s16] =	ssyncadd.s32 $0xFFFFE0C0  }
0x1e: {  	_ =	swait.ge [sflag:s18], $0x1F40  }
0x1f: {  	[sflag:s18] =	ssyncset.done $0x0  }
0x20: {  	[sflag:s18] =	ssyncadd.s32 $0xFFFFE0C0  }
0x21: {  	_ =	swait.ge [sflag:s19], $0x1F40  }
0x22: {  	[sflag:s19] =	ssyncset.done $0x0  }
0x23: {  	[sflag:s19] =	ssyncadd.s32 $0xFFFFE0C0  }
0x24: {  	[bflag:$0x0] =	sbarrier.arrive $0xFFFF  }
0x25: {  	[tilespmem:s29], [sflag:$0x7] =	stream.linear.gather [spmem:s5], $0x1000, $0x38;
	[tilespmem:$0x135C0] =	vst v63  }
0x26: {  	_ =	swait.ge [sflag:s30], $0x1000  }
0x27: {  	[sflag:s30] =	ssyncset.done $0x0  }
0x28: {  	s21 =	rddreg [dreg:$0x7];
	[sflag:s30] =	ssyncadd.s32 $0xFFFFF000  }
0x29: {  	[hbm4b:s21+s4] =	stream.linear.scatter [tilespmem:s29], [sflag:$0x7], $0x1000, $0x38;
	[tilespmem:$0x135C0] =	vst v63  }
0x2a: {  	_ =	swait.ge [sflag:s30], $0x1000  }
0x2b: {  	[sflag:s30] =	ssyncset.done $0x0  }
0x2c: {  	[sflag:s30] =	ssyncadd.s32 $0xFFFFF000  }
0x2d: {  	[tilespmem:s29], [sflag:$0x7] =	stream.linear.gather [spmem:s9], $0x1000, $0x38;
	[tilespmem:$0x135C0] =	vst v63  }
0x2e: {  	_ =	swait.ge [sflag:s30], $0x1000  }
0x2f: {  	[sflag:s30] =	ssyncset.done $0x0  }
0x30: {  	s24 =	rddreg [dreg:$0x8];
	[sflag:s30] =	ssyncadd.s32 $0xFFFFF000  }
0x31: {  	[hbm4b:s24+s4] =	stream.linear.scatter [tilespmem:s29], [sflag:$0x7], $0x1000, $0x38;
	[tilespmem:$0x135C0] =	vst v63  }
0x32: {  	_ =	swait.ge [sflag:s30], $0x1000  }
0x33: {  	[sflag:s30] =	ssyncset.done $0x0  }
0x34: {  	[sflag:s30] =	ssyncadd.s32 $0xFFFFF000  }
0x35: {  	[tilespmem:s29], [sflag:$0x7] =	stream.linear.gather [spmem:s10], $0x1000, $0x38;
	[tilespmem:$0x135C0] =	vst v63  }
0x36: {  	_ =	swait.ge [sflag:s30], $0x1000  }
0x37: {  	[sflag:s30] =	ssyncset.done $0x0  }
0x38: {  	s25 =	rddreg [dreg:$0x9];
	[sflag:s30] =	ssyncadd.s32 $0xFFFFF000  }
0x39: {  	[hbm4b:s25+s4] =	stream.linear.scatter [tilespmem:s29], [sflag:$0x7], $0x1000, $0x38;
	[tilespmem:$0x135C0] =	vst v63  }
0x3a: {  	_ =	swait.ge [sflag:s30], $0x1000  }
0x3b: {  	[sflag:s30] =	ssyncset.done $0x0  }
0x3c: {  	[sflag:s30] =	ssyncadd.s32 $0xFFFFF000  }
0x3d: {  	[tilespmem:s29], [sflag:$0x7] =	stream.linear.gather [spmem:s11], $0x1000, $0x38;
	[tilespmem:$0x135C0] =	vst v63  }
0x3e: {  	_ =	swait.ge [sflag:s30], $0x1000  }
0x3f: {  	[sflag:s30] =	ssyncset.done $0x0  }
0x40: {  	s22 =	rddreg [dreg:$0xa];
	[sflag:s30] =	ssyncadd.s32 $0xFFFFF000  }
0x41: {  	[hbm4b:s22+s4] =	stream.linear.scatter [tilespmem:s29], [sflag:$0x7], $0x1000, $0x38;
	[tilespmem:$0x135C0] =	vst v63  }
0x42: {  	_ =	swait.ge [sflag:s30], $0x1000  }
0x43: {  	[sflag:s30] =	ssyncset.done $0x0  }
0x44: {  	[sflag:s30] =	ssyncadd.s32 $0xFFFFF000  }
0x45: {  	[tilespmem:s29], [sflag:$0x7] =	stream.linear.gather [spmem:s12], $0x1000, $0x38;
	[tilespmem:$0x135C0] =	vst v63  }
0x46: {  	_ =	swait.ge [sflag:s30], $0x1000  }
0x47: {  	[sflag:s30] =	ssyncset.done $0x0  }
0x48: {  	s23 =	rddreg [dreg:$0xb];
	[sflag:s30] =	ssyncadd.s32 $0xFFFFF000  }
0x49: {  	[hbm4b:s23+s4] =	stream.linear.scatter [tilespmem:s29], [sflag:$0x7], $0x1000, $0x38;
	[tilespmem:$0x135C0] =	vst v63  }
0x4a: {  	_ =	swait.ge [sflag:s30], $0x1000  }
0x4b: {  	[sflag:s30] =	ssyncset.done $0x0  }
0x4c: {  	[sflag:s30] =	ssyncadd.s32 $0xFFFFF000  }
0x4d: {  	[tilespmem:s29], [sflag:$0x7] =	stream.linear.gather [spmem:s13], $0x1000, $0x38;
	[tilespmem:$0x135C0] =	vst v63  }
0x4e: {  	_ =	swait.ge [sflag:s30], $0x1000  }
0x4f: {  	[sflag:s30] =	ssyncset.done $0x0  }
0x50: {  	s24 =	rddreg [dreg:$0xc];
	[sflag:s30] =	ssyncadd.s32 $0xFFFFF000  }
0x51: {  	[hbm4b:s24+s4] =	stream.linear.scatter [tilespmem:s29], [sflag:$0x7], $0x1000, $0x38;
	[tilespmem:$0x135C0] =	vst v63  }
0x52: {  	_ =	swait.ge [sflag:s30], $0x1000  }
0x53: {  	[sflag:s30] =	ssyncset.done $0x0  }
0x54: {  	[sflag:s30] =	ssyncadd.s32 $0xFFFFF000  }
0x55: {  	[tilespmem:s29], [sflag:$0x7] =	stream.linear.gather [spmem:s14], $0x1000, $0x38;
	[tilespmem:$0x135C0] =	vst v63  }
0x56: {  	_ =	swait.ge [sflag:s30], $0x1000  }
0x57: {  	[sflag:s30] =	ssyncset.done $0x0  }
0x58: {  	s25 =	rddreg [dreg:$0xd];
	[sflag:s30] =	ssyncadd.s32 $0xFFFFF000  }
0x59: {  	[hbm4b:s25+s4] =	stream.linear.scatter [tilespmem:s29], [sflag:$0x7], $0x1000, $0x38;
	[tilespmem:$0x135C0] =	vst v63  }
0x5a: {  	_ =	swait.ge [sflag:s30], $0x1000  }
0x5b: {  	[sflag:s30] =	ssyncset.done $0x0  }
0x5c: {  	[sflag:s30] =	ssyncadd.s32 $0xFFFFF000  }
0x5d: {  	[tilespmem:s29], [sflag:$0x7] =	stream.linear.gather [spmem:s15], $0x1000, $0x38;
	[tilespmem:$0x135C0] =	vst v63  }
0x5e: {  	_ =	swait.ge [sflag:s30], $0x1000  }
0x5f: {  	[sflag:s30] =	ssyncset.done $0x0  }
0x60: {  	s22 =	rddreg [dreg:$0xe];
	[sflag:s30] =	ssyncadd.s32 $0xFFFFF000  }
0x61: {  	[hbm4b:s22+s4] =	stream.linear.scatter [tilespmem:s29], [sflag:$0x7], $0x1000, $0x38;
	[tilespmem:$0x135C0] =	vst v63  }
0x62: {  	_ =	swait.ge [sflag:s30], $0x1000  }
0x63: {  	[sflag:s30] =	ssyncset.done $0x0  }
0x64: {  	[sflag:s30] =	ssyncadd.s32 $0xFFFFF000  }
0x65: {  	[tilespmem:s29], [sflag:$0x7] =	stream.linear.gather [spmem:s26], $0x1000, $0x38;
	[tilespmem:$0x135C0] =	vst v63  }
0x66: {  	_ =	swait.ge [sflag:s30], $0x1000  }
0x67: {  	[sflag:s30] =	ssyncset.done $0x0  }
0x68: {  	s23 =	rddreg [dreg:$0xf];
	[sflag:s30] =	ssyncadd.s32 $0xFFFFF000  }
0x69: {  	[hbm4b:s23+s4] =	stream.linear.scatter [tilespmem:s29], [sflag:$0x7], $0x1000, $0x38;
	[tilespmem:$0x135C0] =	vst v63  }
0x6a: {  	_ =	swait.ge [sflag:s30], $0x1000  }
0x6b: {  	[sflag:s30] =	ssyncset.done $0x0  }
0x6c: {  	[sflag:s30] =	ssyncadd.s32 $0xFFFFF000  }
0x6d: {  	[tilespmem:s29], [sflag:$0x7] =	stream.linear.gather [spmem:s28], $0x1000, $0x38;
	[tilespmem:$0x135C0] =	vst v63  }
0x6e: {  	_ =	swait.ge [sflag:s30], $0x1000  }
0x6f: {  	[sflag:s30] =	ssyncset.done $0x0  }
0x70: {  	s24 =	rddreg [dreg:$0x10];
	[sflag:s30] =	ssyncadd.s32 $0xFFFFF000  }
0x71: {  	[hbm4b:s24+s4] =	stream.linear.scatter [tilespmem:s29], [sflag:$0x7], $0x1000, $0x38;
	[tilespmem:$0x135C0] =	vst v63  }
0x72: {  	_ =	swait.ge [sflag:s30], $0x1000  }
0x73: {  	s20 =	sadd.s32 $0x1, s20;
	s25 =	rddreg [dreg:$0x6]  }
0x74: {  	p0 =	sne.s32 s20, s25  }
.Ltmp1:
0x75: {  	_ = 	snop;
	(pc) =	sbr.rel @!p0 .LBB2_9-.Ltmp1, $3  }
0x76: {  	_ =	sdelay $0x1  }
0x77: {  	[sflag:s30] =	ssyncset.done $0x0  }
0x78: {  	[sflag:s30] =	ssyncadd.s32 $0xFFFFF000  }
.LBB2_1:
0x79: {  	s22 =	simm.s32 $0x100;
	s21 =	simm.s32 $0x0  }
.LBB2_2:
0x7a: {  	p0 =	sne.s32 s22, $0x3F00;
	[tilespmem:s21+$0x85F0] =	vst v0;
	s23 =	smov.u32 s22;
	s22 =	sadd.s32 $0x100, s22  }
.Ltmp2:
0x7b: {  	[tilespmem:s21+$0x85E0] =	vst v0;
	(pc) =	sbr.rel @p0 .LBB2_2-.Ltmp2, $3  }
0x7c: {  	[tilespmem:s21+$0x85C0] =	vst v0  }
0x7d: {  	[tilespmem:s21+$0x85D0] =	vst v0;
	_ =	sdelay $0x1  }
0x7e: {  	s21 =	sshra.s32 s23, $0x2  }
0x7f: {  	[tilespmem:s21+$0x85F0] =	vst v0  }
0x80: {  	[tilespmem:s21+$0x85E0] =	vst v0  }
0x81: {  	[tilespmem:s21+$0x85C0] =	vst v0  }
0x82: {  	[tilespmem:s21+$0x85D0] =	vst v0  }
0x83: {  	[spmem:s5] =	stream.linear.scatter [tilespmem:s29], [sflag:$0x7], $0x1000, $0x38;
	[tilespmem:$0x135C0] =	vst v63  }
0x84: {  	_ =	swait.ge [sflag:s30], $0x1000  }
0x85: {  	[sflag:s30] =	ssyncset.done $0x0  }
0x86: {  	[sflag:s30] =	ssyncadd.s32 $0xFFFFF000  }
0x87: {  	[spmem:s9] =	stream.linear.scatter [tilespmem:s29], [sflag:$0x7], $0x1000, $0x38;
	[tilespmem:$0x135C0] =	vst v63  }
0x88: {  	_ =	swait.ge [sflag:s30], $0x1000  }
0x89: {  	[sflag:s30] =	ssyncset.done $0x0  }
0x8a: {  	[sflag:s30] =	ssyncadd.s32 $0xFFFFF000  }
0x8b: {  	[spmem:s10] =	stream.linear.scatter [tilespmem:s29], [sflag:$0x7], $0x1000, $0x38;
	[tilespmem:$0x135C0] =	vst v63  }
0x8c: {  	_ =	swait.ge [sflag:s30], $0x1000  }
0x8d: {  	[sflag:s30] =	ssyncset.done $0x0  }
0x8e: {  	[sflag:s30] =	ssyncadd.s32 $0xFFFFF000  }
0x8f: {  	[spmem:s11] =	stream.linear.scatter [tilespmem:s29], [sflag:$0x7], $0x1000, $0x38;
	[tilespmem:$0x135C0] =	vst v63  }
0x90: {  	_ =	swait.ge [sflag:s30], $0x1000  }
0x91: {  	[sflag:s30] =	ssyncset.done $0x0  }
0x92: {  	[sflag:s30] =	ssyncadd.s32 $0xFFFFF000  }
0x93: {  	[spmem:s12] =	stream.linear.scatter [tilespmem:s29], [sflag:$0x7], $0x1000, $0x38;
	[tilespmem:$0x135C0] =	vst v63  }
0x94: {  	_ =	swait.ge [sflag:s30], $0x1000  }
0x95: {  	[sflag:s30] =	ssyncset.done $0x0  }
0x96: {  	[sflag:s30] =	ssyncadd.s32 $0xFFFFF000  }
0x97: {  	[spmem:s13] =	stream.linear.scatter [tilespmem:s29], [sflag:$0x7], $0x1000, $0x38;
	[tilespmem:$0x135C0] =	vst v63  }
0x98: {  	_ =	swait.ge [sflag:s30], $0x1000  }
0x99: {  	[sflag:s30] =	ssyncset.done $0x0  }
0x9a: {  	[sflag:s30] =	ssyncadd.s32 $0xFFFFF000  }
0x9b: {  	[spmem:s14] =	stream.linear.scatter [tilespmem:s29], [sflag:$0x7], $0x1000, $0x38;
	[tilespmem:$0x135C0] =	vst v63  }
0x9c: {  	_ =	swait.ge [sflag:s30], $0x1000  }
0x9d: {  	[sflag:s30] =	ssyncset.done $0x0  }
0x9e: {  	[sflag:s30] =	ssyncadd.s32 $0xFFFFF000  }
0x9f: {  	[spmem:s15] =	stream.linear.scatter [tilespmem:s29], [sflag:$0x7], $0x1000, $0x38;
	[tilespmem:$0x135C0] =	vst v63  }
0xa0: {  	_ =	swait.ge [sflag:s30], $0x1000  }
0xa1: {  	[sflag:s30] =	ssyncset.done $0x0  }
0xa2: {  	[sflag:s30] =	ssyncadd.s32 $0xFFFFF000  }
0xa3: {  	[spmem:s26] =	stream.linear.scatter [tilespmem:s29], [sflag:$0x7], $0x1000, $0x38;
	[tilespmem:$0x135C0] =	vst v63  }
0xa4: {  	_ =	swait.ge [sflag:s30], $0x1000  }
0xa5: {  	[sflag:s30] =	ssyncset.done $0x0  }
0xa6: {  	[sflag:s30] =	ssyncadd.s32 $0xFFFFF000  }
0xa7: {  	[spmem:s28] =	stream.linear.scatter [tilespmem:s29], [sflag:$0x7], $0x1000, $0x38;
	[tilespmem:$0x135C0] =	vst v63  }
0xa8: {  	_ =	swait.ge [sflag:s30], $0x1000  }
0xa9: {  	[sflag:s30] =	ssyncset.done $0x0  }
0xaa: {  	s21 =	simm.s32 $0x0;
	s22 =	rddreg [dreg:$0x4];
	[sflag:s30] =	ssyncadd.s32 $0xFFFFF000  }
0xab: {  	[tilespmem:s21], [sflag:$0x7] =	stream.linear.gather [hbm4b:s22+s21], $0x1400, $0x38;
	[tilespmem:$0x135C0] =	vst v63  }
0xac: {  	_ =	swait.ge [sflag:s30], $0x1400  }
0xad: {  	[sflag:s30] =	ssyncset.done $0x0  }
0xae: {  	s23 =	simm.s32 $0x1400;
	s24 =	rddreg [dreg:$0x5];
	[sflag:s30] =	ssyncadd.s32 $0xFFFFEC00  }
0xaf: {  	[tilespmem:s23], [sflag:$0x7] =	stream.linear.gather [hbm4b:s24+s21], $0x1400, $0x38;
	[tilespmem:$0x135C0] =	vst v63  }
0xb0: {  	_ =	swait.ge [sflag:s30], $0x1400  }
0xb1: {  	[sflag:s30] =	ssyncset.done $0x0  }
.Ltmp3:
0xb2: {  	[sflag:s30] =	ssyncadd.s32 $0xFFFFEC00;
	(pc) =	sbr.rel .LBB2_4-.Ltmp3, $4  }
0xb3: {  	[bflag:$0x0] =	sbarrier.arrive $0xFFFF  }
0xb4: {  	[tilespmem:s1], [sflag:$0x1] =	stream.indirect.gather [hbm4b:s2+s0], $0x40, s21, s0, $0xb8;
	[tilespmem:$0x135C0] =	vst v63  }
0xb5: {  	s25 =	simm.s32 $0x80;
	s22 =	simm.s32 $0x0  }
0xb6: {  	[tilespmem:s31], [sflag:$0x2] =	stream.indirect.gather [hbm4b:s2+s0], $0x40, s25, s0, $0xb8;
	[tilespmem:$0x135C0] =	vst v63  }
.LBB2_7:
0xb7: {  	s24 =	sadd.s32 $0x100, s23  }
0xb8: {  	[tilespmem:s7], [sflag:$0x3] =	stream.indirect.gather [hbm4b:s2+s0], $0x40, s24, s0, $0xb8;
	[tilespmem:$0x135C0] =	vst v63  }
0xb9: {  	_ =	swait.ge [sflag:s8], $0x1F40  }
0xba: {  	[sflag:s8] =	ssyncset.done $0x0  }
0xbb: {  	s25 =	sadd.s32 $0x1480, s23;
	[sflag:s8] =	ssyncadd.s32 $0xFFFFE0C0  }
0xbc: {  	[spmem:s3] =	stream.indirect.scatter.add.f32 [tilespmem:s31], [sflag:$0x5], $0x40, s25, s0, $0xb8;
	[tilespmem:$0x135C0] =	vst v63  }
0xbd: {  	_ =	swait.ge [sflag:s16], $0x1F40  }
0xbe: {  	[sflag:s16] =	ssyncset.done $0x0  }
0xbf: {  	s25 =	sadd.s32 $0x180, s23;
	[sflag:s16] =	ssyncadd.s32 $0xFFFFE0C0  }
0xc0: {  	[tilespmem:s1], [sflag:$0x1] =	stream.indirect.gather [hbm4b:s2+s0], $0x40, s25, s0, $0xb8;
	[tilespmem:$0x135C0] =	vst v63  }
0xc1: {  	_ =	swait.ge [sflag:s17], $0x1F40  }
0xc2: {  	p0 =	sgt.u32 s22, $0xB;
	[sflag:s17] =	ssyncset.done $0x0  }
0xc3: {  	s25 =	sadd.s32 $0x1500, s23;
	s23 =	simm.s32 @!p0 $0x5;
	[sflag:s17] =	ssyncadd.s32 $0xFFFFE0C0  }
0xc4: {  	[spmem:s3] =	stream.indirect.scatter.add.f32 [tilespmem:s7], [sflag:$0x6], $0x40, s25, s0, $0xb8;
	[tilespmem:$0x135C0] =	vst v63  }
0xc5: {  	_ =	swait.ge @!p0 [sflag:s23], $0x1F40  }
0xc6: {  	[sflag:s23] =	ssyncset.done @!p0 $0x0  }
0xc7: {  	s24 =	simm.s32 @!p0 $0x7D;
	[sflag:s23] =	ssyncadd.s32 @!p0 $0xFFFFE0C0;
	s23 =	sshra.s32 @!p0 s21, $0x2  }
0xc8: {  	s25 =	simm.s32 @!p0 $0x4740;
	s21 =	sadd.s32 $0x600, s21;
	s23 =	sadd.s32 @!p0 $0x200, s23  }
0xc9: {  	[tilespmem:s25], [sflag:$0x2] =	stream.indirect.gather @!p0 [hbm4b:s2+s24], $0x40, s23, s24, $0xb8;
	[tilespmem:$0x135C0] =	vst v63  }
0xca: {  	p0 =	sne.s32 s21, $0x5400  }
.Ltmp4:
0xcb: {  	_ = 	snop;
	(pc) =	sbr.rel @!p0 .LBB2_8-.Ltmp4, $2  }
0xcc: {  	_ =	sdelay $0x2  }
0xcd: {  	s22 =	sadd.s32 $0x1, s22  }
.LBB2_4:
0xce: {  	p0 =	seq.s32 s22, $0x0  }
.Ltmp5:
0xcf: {  	_ = 	snop;
	(pc) =	sbr.rel @p0 .LBB2_7-.Ltmp5, $4  }
0xd0: {  	_ =	swait.ge [sflag:s6], $0x1F40  }
0xd1: {  	s23 =	sshra.s32 s21, $0x2;
	[sflag:s6] =	ssyncset.done $0x0  }
0xd2: {  	s24 =	sadd.s32 $0x1400, s23;
	[sflag:s6] =	ssyncadd.s32 $0xFFFFE0C0  }
0xd3: {  	[spmem:s3] =	stream.indirect.scatter.add.f32 [tilespmem:s1], [sflag:$0x4], $0x40, s24, s0, $0xb8;
	[tilespmem:$0x135C0] =	vst v63  }
0xd4: {  	p0 =	seq.s32 s22, $0xD  }
.Ltmp6:
0xd5: {  	_ = 	snop;
	(pc) =	sbr.rel @p0 .LBB2_8-.Ltmp6, $1  }
0xd6: {  	_ =	sdelay $0x3  }
.Ltmp7:
0xd7: {  	(pc) =	sbr.rel .LBB2_7-.Ltmp7, $4  }
0xd8: {  	_ = 	snop  }
0xd9: {  	_ =	swait.ge [sflag:s18], $0x1F40  }
0xda: {  	[sflag:s18] =	ssyncset.done $0x0  }
0xdb: {  	[sflag:s18] =	ssyncadd.s32 $0xFFFFE0C0  }
.LBB2_9:
0xdc: {  	_ =	sfence.sel $0x180000  }
0xdd: {  	[bflag:$0x0] =	sbarrier.arrive $0xFFFF  }
0xde: {  	_ =	strace $0x9000004D  }
0xdf: {  	s0 =	stileid.u32;
	[bflag:$0x2] =	sbarrier.arrive $0xFFFF  }
0xe0: {  	p0 =	sne.s32 s0, $0x0;
	s0 =	rddreg [dreg:$0x3]  }
0xe1: {  	s0 =	sadd.s32 @!p0 $0x100000, s0  }
0xe2: {  	[sflag:s0] =	ssyncadd.tile.s32 @!p0 $0x1;
	_ =	shalt  }
.Lfunc_end2:
_tile_overlayer_lowered:
.L_overlay_start_2:
0xe3: {  	(tag) =	ssettag $0x2  }
0xe4: {  	s0 =	rddreg [dreg:$0x0];
	s2 =	stileid.u32  }
0xe5: {  	s1 =	rddreg [dreg:$0x1];
	p0 =	sne.s32 s2, $0x0  }
0xe6: {  	s3 =	rddreg [dreg:$0x2];
	[bflag:$0x3] =	sbarrier.arrive $0xFFFF;
	s2 =	simm.s32 @!p0 $0x1C07  }
0xe7: {  	[timem:s3], [sflag:s2] =	dma.local @!p0 [hbm:s0], s1  }
0xe8: {  	s0 =	simm.s32 @!p0 $0x7  }
0xe9: {  	_ =	swait.ge @!p0 [sflag:s0], s1  }
0xea: {  	s1 =	ssub.s32 @!p0 $0x0, s1;
	[sflag:s0] =	ssyncset.done @!p0 $0x0  }
0xeb: {  	[sflag:s0] =	ssyncadd.s32 @!p0 s1  }
0xec: {  	[bflag:$0x3] =	sbarrier.arrive $0xFFFF  }
0xed: {  	_ =	shalt  }

// kernel: kernel.9.cloned.1.call-start
scs
__scs_entry_jumppad:
0x0: {  	(pc) =	sbr.rel $0x88, $3  }
0x1: {  	(tag) =	ssettag $0x0;
	lr =	simm.s32 $0x1  }
0x2: {  	[smem:$0x3F9B] =	sst lr;
	_ =	strace $0xD0000000  }
0x3: {  	_ = 	snop  }
0x4: {  	_ = 	snop  }
0x5: {  	_ = 	snop  }
0x6: {  	_ = 	snop  }
0x7: {  	_ = 	snop  }
__scs_overlays_trampoline_lowered:
0x8: {  	[smem:$0x3FAA] =	sst s0  }
0x9: {  	[smem:$0x3FAB] =	sst s1  }
0xa: {  	[smem:$0x3FAC] =	sst s2  }
0xb: {  	[smem:$0x3FAD] =	sst s3  }
0xc: {  	[smem:$0x3FAE] =	sst s4  }
0xd: {  	[smem:$0x3FAF] =	sst s5  }
0xe: {  	[smem:$0x3FB0] =	sst s6  }
0xf: {  	[smem:$0x3FB1] =	sst s7  }
0x10: {  	[smem:$0x3FB2] =	sst s8  }
0x11: {  	[smem:$0x3FB3] =	sst s9;
	s0 =	simm.s32 @!p0 $0x0  }
0x12: {  	s1 =	sld [smem:$0x3F99];
	s0 =	simm.s32 @p0 $0x1  }
0x13: {  	[smem:$0x3FB4] =	sst s0;
	s0 =	simm.s32 @!p1 $0x0  }
0x14: {  	s2 =	sld [smem:$0x3F98];
	s0 =	simm.s32 @p1 $0x1  }
0x15: {  	[smem:$0x3FB5] =	sst s0;
	s0 =	simm.s32 @!p2 $0x0  }
0x16: {  	s3 =	sld [smem:$0x3FDB];
	s0 =	simm.s32 @p2 $0x1  }
0x17: {  	s4 =	simm.s32 $0x1BF5;
	[smem:$0x3FB7] =	sst s0  }
0x18: {  	s0 =	sld [smem:$0x3F9A];
	_ =	swait.ge [sflag:s4], $0x0  }
0x19: {  	s7 =	sld [smem:$0x3F9B]  }
0x1a: {  	s8 =	sadd.s32 $0xFFFFE003, lr  }
0x1b: {  	s9 =	sadd.s32 $0xFFFFFEF7, lr;
	s5 =	simm.s32 $0xFFFFFFFF;
	p2 =	slt.u32 s8, $0xFFFFF086  }
0x1c: {  	p1 =	slt.u32 s9, $0xF7A;
	s5 =	simm.s32 @!p2 $0x0  }
0x1d: {  	s5 =	simm.s32 @p1 $0x1;
	p0 =	seq.s32 s7, s2  }
0x1e: {  	s7 =	smul.u32 @!p0 $0xF7A, s2;
	p2 =	seq.s32 @!p0 s5, $0x0  }
0x1f: {  	s9 =	smul.u32 $0xF7A, s1;
	s8 =	simm.s32 @!p0 $0x1BF5;
	p2 =	por !p2, p0  }
0x20: {  	[sflag:s8] =	ssyncset.s32 @!p0 $0xFFFFF086;
	s6 =	sadd.s32 @!p0 s3, s7;
	s7 =	simm.s32 @!p0 $0x108  }
0x21: {  	s3 =	sadd.s32 s3, s9;
	s6 =	sadd.s32 @!p0 $0x88, s6;
	s7 =	simm.s32 @p2 $0x1082  }
0x22: {  	[simem:s7], [sflag:s8] =	dma.local @!p0 [hbm:s6], $0xF7A  }
0x23: {  	s9 =	sor.u32 $0xD0000000, s2;
	s6 =	simm.s32 $0x108;
	_ =	swait.ge @!p0 [sflag:s8], $0x0  }
0x24: {  	s3 =	sadd.s32 $0x88, s3;
	s6 =	simm.s32 @!p1 $0x1082;
	[sflag:s4] =	ssyncset.s32 $0xFFFFF086  }
0x25: {  	[simem:s6], [sflag:s4] =	dma.local [hbm:s3], $0xF7A  }
0x26: {  	[smem:$0x3F9B] =	sst s1;
	(tag) =	ssettag s2;
	_ =	strace s9  }
0x27: {  	s1 =	sld [smem:$0x3FAB]  }
0x28: {  	s2 =	sld [smem:$0x3FAC]  }
0x29: {  	s4 =	sld [smem:$0x3FAE]  }
0x2a: {  	p0 =	seq.s32 s5, $0x0;
	s5 =	sld [smem:$0x3FAF]  }
0x2b: {  	s6 =	sld [smem:$0x3FB0]  }
0x2c: {  	s7 =	sld [smem:$0x3FB1]  }
0x2d: {  	s3 =	simm.s32 $0x108;
	s8 =	sld [smem:$0x3FB2]  }
0x2e: {  	s3 =	simm.s32 @!p0 $0x1082;
	s9 =	sld [smem:$0x3FB3]  }
0x2f: {  	lr =	sadd.s32 s0, s3;
	s0 =	sld [smem:$0x3FAA]  }
0x30: {  	s3 =	sld [smem:$0x3FAD]  }
0x31: {  	[smem:$0x3FB6] =	sst s10  }
0x32: {  	s10 =	sld [smem:$0x3FB4];
	_ =	sdelay $0x3  }
0x33: {  	p0 =	seq.s32 s10, $0x1;
	s10 =	sld [smem:$0x3FB6];
	_ =	sdelay $0x3  }
0x34: {  	[smem:$0x3FB6] =	sst s10  }
0x35: {  	s10 =	sld [smem:$0x3FB5];
	_ =	sdelay $0x3  }
0x36: {  	p1 =	seq.s32 s10, $0x1;
	s10 =	sld [smem:$0x3FB6];
	_ =	sdelay $0x3  }
0x37: {  	[smem:$0x3FB6] =	sst s10  }
0x38: {  	s10 =	sld [smem:$0x3FB7]  }
0x39: {  	_ = 	snop;
	(pc) =	sbr.ind lr, $3  }
0x3a: {  	_ = 	snop  }
0x3b: {  	_ = 	snop  }
0x3c: {  	p2 =	seq.s32 s10, $0x1;
	s10 =	sld [smem:$0x3FB6]  }
0x3d: {  	_ =	shalt  }
0x3e: {  	_ =	shalt  }
0x3f: {  	_ =	shalt  }
0x40: {  	_ =	shalt  }
0x41: {  	_ =	shalt  }
0x42: {  	_ =	shalt  }
0x43: {  	_ =	shalt  }
0x44: {  	_ =	shalt  }
0x45: {  	_ =	shalt  }
0x46: {  	_ =	shalt  }
0x47: {  	_ =	shalt  }
0x48: {  	_ =	shalt  }
0x49: {  	_ =	shalt  }
0x4a: {  	_ =	shalt  }
0x4b: {  	_ =	shalt  }
0x4c: {  	_ =	shalt  }
0x4d: {  	_ =	shalt  }
0x4e: {  	_ =	shalt  }
0x4f: {  	_ =	shalt  }
0x50: {  	_ =	shalt  }
0x51: {  	_ =	shalt  }
0x52: {  	_ =	shalt  }
0x53: {  	_ =	shalt  }
0x54: {  	_ =	shalt  }
0x55: {  	_ =	shalt  }
0x56: {  	_ =	shalt  }
0x57: {  	_ =	shalt  }
0x58: {  	_ =	shalt  }
0x59: {  	_ =	shalt  }
0x5a: {  	_ =	shalt  }
0x5b: {  	_ =	shalt  }
0x5c: {  	_ =	shalt  }
0x5d: {  	_ =	shalt  }
0x5e: {  	_ =	shalt  }
0x5f: {  	_ =	shalt  }
0x60: {  	_ =	shalt  }
0x61: {  	_ =	shalt  }
0x62: {  	_ =	shalt  }
0x63: {  	_ =	shalt  }
0x64: {  	_ =	shalt  }
0x65: {  	_ =	shalt  }
0x66: {  	_ =	shalt  }
0x67: {  	_ =	shalt  }
0x68: {  	_ =	shalt  }
0x69: {  	_ =	shalt  }
0x6a: {  	_ =	shalt  }
0x6b: {  	_ =	shalt  }
0x6c: {  	_ =	shalt  }
0x6d: {  	_ =	shalt  }
0x6e: {  	_ =	shalt  }
0x6f: {  	_ =	shalt  }
0x70: {  	_ =	shalt  }
0x71: {  	_ =	shalt  }
0x72: {  	_ =	shalt  }
0x73: {  	_ =	shalt  }
0x74: {  	_ =	shalt  }
0x75: {  	_ =	shalt  }
0x76: {  	_ =	shalt  }
0x77: {  	_ =	shalt  }
0x78: {  	_ =	shalt  }
0x79: {  	_ =	shalt  }
0x7a: {  	_ =	shalt  }
0x7b: {  	_ =	shalt  }
0x7c: {  	_ =	shalt  }
0x7d: {  	_ =	shalt  }
0x7e: {  	_ =	shalt  }
0x7f: {  	_ =	shalt  }
0x80: {  	_ =	shalt  }
0x81: {  	_ =	shalt  }
0x82: {  	_ =	shalt  }
0x83: {  	_ =	shalt  }
0x84: {  	_ =	shalt  }
0x85: {  	_ =	shalt  }
0x86: {  	_ =	shalt  }
0x87: {  	_ =	shalt  }
.Lfunc_end0:
.L_simem_size_0:
called_computation_lowered:
.L_overlay_start_0:
0x88: {  	s2 =	sld [smem:$0x3FD9]  }
0x89: {  	s3 =	sld [smem:$0x3FFE];
	_ =	sdelay $0x1  }
0x8a: {  	s1 =	srdreg.scid  }
0x8b: {  	s0 =	sand.u32 $0x1, s1  }
0x8c: {  	s16 =	sshll.u32 s0, $0xA;
	s2 =	sadd.s32 s3, s2  }
0x8d: {  	s2 =	sadd.s32 s2, s16  }
0x8e: {  	[smem:$0x3FC2] =	sst s2  }
0x8f: {  	_ = 	snop  }
0x90: {  	(tm) =	ssettm $0x1  }
0x91: {  	s17 =	sld [smem:$0x3FFB];
	_ =	sdelay $0x3  }
0x92: {  	_ =	strace s17  }
0x93: {  	s2 =	sld [smem:$0x3FFC];
	_ =	sdelay $0x3  }
0x94: {  	_ =	strace s2  }
0x95: {  	s2 =	sld [smem:$0x3FFD];
	_ =	sdelay $0x3  }
0x96: {  	_ =	strace s2  }
0x97: {  	_ =	strace $0x8FFFFFFF  }
0x98: {  	s18 =	sld [smem:$0x3FDB];
	_ =	sdelay $0x1  }
0x99: {  	s19 =	simm.s32 $_scs_section_size  }
0x9a: {  	s4 =	simm.s32 $_size__tile_overlayer_lowered;
	s5 =	simm.s32 $_tile_overlayer_lowered  }
0x9b: {  	s22 =	simm.s32 $0x1BFF;
	s21 =	sshll.u32 s5, $0x1;
	s2 =	sadd.s32 s19, s18  }
0x9c: {  	s6 =	simm.s32 $0x0;
	s20 =	sshll.u32 s4, $0x1;
	s4 =	sadd.s32 s21, s2  }
0x9d: {  	[timem:s6], [sflag:s22] =	dma.local [hbm:s4], s20  }
0x9e: {  	_ =	swait.ge [sflag:s22], s20  }
0x9f: {  	s3 =	ssub.s32 $0x0, s20;
	[sflag:s22] =	ssyncset.done $0x0  }
0xa0: {  	[sflag:s22] =	ssyncadd.s32 s3;
	_ =	sdelay $0x1  }
0xa1: {  	s23 =	simm.s32 $0x1B8B  }
0xa2: {  	_ =	swait.ge [sflag:s23], $0x1  }
0xa3: {  	[sflag:s23] =	ssyncset.done $0x0  }
0xa4: {  	s25 =	simm.s32 $0x1B8E;
	s24 =	sld [smem:$0x3FFE];
	[sflag:s23] =	ssyncadd.s32 $0xFFFFFFFF  }
0xa5: {  	s26 =	simm.s32 $execute0_lowered;
	[smem:$0x3FD2] =	sst s25  }
0xa6: {  	s4 =	sshll.u32 s26, $0x1;
	_ =	strace $0x80000046;
	[dreg:$0x1] =	wrdreg $0xFFFFFFFF  }
0xa7: {  	s28 =	simm.s32 $_size_execute0_lowered;
	s2 =	sadd.s32 s2, s4;
	[dreg:$0x0] =	wrdreg $0x0  }
0xa8: {  	s4 =	sshll.u32 s28, $0x1;
	[dreg:$0x2] =	wrdreg s2  }
0xa9: {  	[dreg:$0x3] =	wrdreg s4  }
0xaa: {  	[dreg:$0x4] =	wrdreg $0xC0  }
0xab: {  	_ =	task [dreg:s6], $0x5FFFF  }
0xac: {  	[dreg:$0x1] =	wrdreg $0xFFFFFFFF  }
0xad: {  	[dreg:$0x0] =	wrdreg $0x60  }
0xae: {  	[dreg:$0x2] =	wrdreg s24  }
0xaf: {  	[dreg:$0x3] =	wrdreg $0x1A000  }
0xb0: {  	[dreg:$0x4] =	wrdreg $0x9  }
0xb1: {  	_ =	task.clear_ibuf [dreg:s6], $0x5FFFF;
	_ =	strace $0x90000046  }
0xb2: {  	s29 =	simm.s32 $0x9;
	_ =	strace $0x80000048  }
0xb3: {  	_ =	swait.ge [sflag:s29], $0x1  }
0xb4: {  	[sflag:s29] =	ssyncadd.s32 $0xFFFFFFFF  }
0xb5: {  	_ =	strace $0x90000048  }
0xb6: {  	_ =	sfence  }
0xb7: {  	s30 =	sld [smem:$0x0];
	_ =	sdelay $0x2  }
0xb8: {  	s31 =	sshll.u32 s1, $0xD;
	s1 =	sshrl.u32 s1, $0x2  }
0xb9: {  	s3 =	sand.u32 $0x4000, s31;
	s1 =	sadd.s32 s1, s30  }
0xba: {  	s0 =	sor.u32 s3, s0;
	s1 =	sshll.u32 s1, $0x11  }
0xbb: {  	s0 =	sor.u32 s1, s0  }
0xbc: {  	s0 =	sadd.s32 $0x8F2B, s0  }
0xbd: {  	[sflag:s0] =	ssyncadd.remote.s32 $0x1  }
0xbe: {  	_ =	sfence.sel $0xFFFF  }
0xbf: {  	[dreg:$0x0] =	wrdreg $0xFFFFFFFF;
	(pc) =	sbr.abs _section_cstart, $3  }
0xc0: {  	[dreg:$0x1] =	wrdreg $0xFFFFFFFF  }
0xc1: {  	_ =	task.clear_ibuf [dreg:s6], $0x2FFFF;
	_ =	strace $0x9FFFFFFF  }
0xc2: {  	(tm) =	ssettm $0x7FFFFFFF  }
0xc3: {  	_ =	shalt  }
tec
execute0_lowered:
.L_overlay_start_1:
0x0: {  	(tag) =	ssettag $0x1  }
0x1: {  	s0 =	srdreg.scid  }
0x2: {  	s6 =	stileid.u32;
	s4 =	rddreg [dreg:$0x0]  }
0x3: {  	s2 =	rddreg [dreg:$0x1];
	s3 =	simm.s32 $0x0;
	s28 =	simm.s32 $0x1  }
0x4: {  	s29 =	simm.s32 $0x7D;
	s30 =	simm.s32 $0x1400;
	s0 =	sand.u32 $0x1, s0  }
0x5: {  	s31 =	simm.s32 $0x0;
	s5 =	smul.u32 $0x280, s6;
	s1 =	sshll.u32 s0, $0x4  }
0x6: {  	s7 =	ssub.s32 $0x2, s0;
	s1 =	sor.u32 s6, s1;
	s6 =	smul.u32 $0x5000, s6  }
0x7: {  	[smem:$0x7FF] =	sst s3;
	s25 =	sshrl.u32 s7, $0x1;
	s1 =	smul.u32 $0x280, s1  }
0x8: {  	_ =	strace $0x80000047;
	s0 =	smul.u32 $0x2800, s0;
	s7 =	ssub.s32 s7, s25  }
0x9: {  	s26 =	sshrl.u32 s6, $0x2;
	s1 =	sadd.s32 s1, s4;
	s4 =	sadd.s32 s5, s4  }
0xa: {  	s7 =	smax.u32 s7, $0x1;
	s0 =	sadd.s32 s0, s4;
	s4 =	sadd.s32 s26, s2  }
0xb: {  	s5 =	sadd.s32 $0x7200, s1;
	s26 =	simm.s32 $0x1800;
	s6 =	sadd.s32 $0xC200, s0  }
0xc: {  	s8 =	sadd.s32 $0x200, s4;
	s9 =	sadd.s32 $0x400, s4;
	s10 =	sadd.s32 $0x600, s4  }
0xd: {  	s11 =	sadd.s32 $0x800, s4;
	s12 =	sadd.s32 $0xA00, s4;
	s13 =	sadd.s32 $0xC00, s4  }
0xe: {  	s14 =	sadd.s32 $0xE00, s4;
	s15 =	sadd.s32 $0x1000, s4;
	s16 =	sadd.s32 $0x1200, s4  }
0xf: {  	s17 =	sadd.s32 $0xC240, s0;
	s18 =	sadd.s32 $0xC280, s0;
	s19 =	sadd.s32 $0xC2C0, s0  }
0x10: {  	s20 =	sadd.s32 $0xC300, s0;
	s21 =	sadd.s32 $0xC340, s0;
	s22 =	sadd.s32 $0xC380, s0  }
0x11: {  	v0 =	vimm.f32 $1.000000000e+00;
	v1 =	vimm.f32 $0.0e+00;
	s23 =	sadd.s32 $0xC3C0, s0;
	s24 =	sadd.s32 $0xC400, s0;
	s25 =	sadd.s32 $0xC440, s0  }
.LBB2_1:
0x12: {  	s1 =	simm.s32 $0x0;
	s0 =	simm.s32 $0x200  }
.LBB2_2:
0x13: {  	p0 =	sne.s32 s0, $0xE00;
	[tilespmem:s1+$0x1478] =	vst.msk $0xff, v0  }
0x14: {  	[tilespmem:s1+$0x1400] =	vst.msk $0xff, v0  }
0x15: {  	[tilespmem:s1+$0x1408] =	vst.msk $0xff, v0  }
0x16: {  	[tilespmem:s1+$0x1410] =	vst.msk $0xff, v0  }
0x17: {  	[tilespmem:s1+$0x1418] =	vst.msk $0xff, v0  }
0x18: {  	[tilespmem:s1+$0x1420] =	vst.msk $0xff, v0  }
0x19: {  	[tilespmem:s1+$0x1428] =	vst.msk $0xff, v0  }
0x1a: {  	[tilespmem:s1+$0x1430] =	vst.msk $0xff, v0  }
0x1b: {  	[tilespmem:s1+$0x1438] =	vst.msk $0xff, v0  }
0x1c: {  	[tilespmem:s1+$0x1440] =	vst.msk $0xff, v0  }
0x1d: {  	[tilespmem:s1+$0x1448] =	vst.msk $0xff, v0  }
.Ltmp0:
0x1e: {  	[tilespmem:s1+$0x1450] =	vst.msk $0xff, v0;
	(pc) =	sbr.rel @p0 .LBB2_2-.Ltmp0, $4  }
0x1f: {  	[tilespmem:s1+$0x1458] =	vst.msk $0xff, v0  }
0x20: {  	[tilespmem:s1+$0x1460] =	vst.msk $0xff, v0  }
0x21: {  	[tilespmem:s1+$0x1468] =	vst.msk $0xff, v0  }
0x22: {  	[tilespmem:s1+$0x1470] =	vst.msk $0xff, v0;
	s1 =	sshra.s32 s0, $0x2;
	s0 =	sadd.s32 $0x200, s0  }
0x23: {  	[tilespmem:s1+$0x1478] =	vst.msk $0xff, v0  }
0x24: {  	[tilespmem:s1+$0x1400] =	vst.msk $0xff, v0  }
0x25: {  	[tilespmem:s1+$0x1408] =	vst.msk $0xff, v0  }
0x26: {  	[tilespmem:s1+$0x1410] =	vst.msk $0xff, v0  }
0x27: {  	[tilespmem:s1+$0x1418] =	vst.msk $0xff, v0  }
0x28: {  	[tilespmem:s1+$0x1420] =	vst.msk $0xff, v0  }
0x29: {  	[tilespmem:s1+$0x1428] =	vst.msk $0xff, v0  }
0x2a: {  	[tilespmem:s1+$0x1430] =	vst.msk $0xff, v0  }
0x2b: {  	[tilespmem:s1+$0x1438] =	vst.msk $0xff, v0  }
0x2c: {  	[tilespmem:s1+$0x1440] =	vst.msk $0xff, v0  }
0x2d: {  	[tilespmem:s1+$0x1448] =	vst.msk $0xff, v0  }
0x2e: {  	[tilespmem:s1+$0x1450] =	vst.msk $0xff, v0  }
0x2f: {  	[tilespmem:s1+$0x1458] =	vst.msk $0xff, v0  }
0x30: {  	[tilespmem:s1+$0x1460] =	vst.msk $0xff, v0  }
0x31: {  	[tilespmem:s1+$0x1468] =	vst.msk $0xff, v0  }
0x32: {  	[tilespmem:s1+$0x1470] =	vst.msk $0xff, v0;
	s1 =	simm.s32 $0x0;
	s0 =	simm.s32 $0x200  }
.LBB2_4:
0x33: {  	p0 =	sne.s32 s0, $0x600;
	[tilespmem:s1+$0x1878] =	vst.msk $0xff, v1  }
0x34: {  	[tilespmem:s1+$0x1800] =	vst.msk $0xff, v1  }
0x35: {  	[tilespmem:s1+$0x1808] =	vst.msk $0xff, v1  }
0x36: {  	[tilespmem:s1+$0x1810] =	vst.msk $0xff, v1  }
0x37: {  	[tilespmem:s1+$0x1818] =	vst.msk $0xff, v1  }
0x38: {  	[tilespmem:s1+$0x1820] =	vst.msk $0xff, v1  }
0x39: {  	[tilespmem:s1+$0x1828] =	vst.msk $0xff, v1  }
0x3a: {  	[tilespmem:s1+$0x1830] =	vst.msk $0xff, v1  }
0x3b: {  	[tilespmem:s1+$0x1838] =	vst.msk $0xff, v1  }
0x3c: {  	[tilespmem:s1+$0x1840] =	vst.msk $0xff, v1  }
0x3d: {  	[tilespmem:s1+$0x1848] =	vst.msk $0xff, v1  }
.Ltmp1:
0x3e: {  	[tilespmem:s1+$0x1850] =	vst.msk $0xff, v1;
	(pc) =	sbr.rel @p0 .LBB2_4-.Ltmp1, $4  }
0x3f: {  	[tilespmem:s1+$0x1858] =	vst.msk $0xff, v1  }
0x40: {  	[tilespmem:s1+$0x1860] =	vst.msk $0xff, v1  }
0x41: {  	[tilespmem:s1+$0x1868] =	vst.msk $0xff, v1  }
0x42: {  	[tilespmem:s1+$0x1870] =	vst.msk $0xff, v1;
	s1 =	sshra.s32 s0, $0x2;
	s0 =	sadd.s32 $0x200, s0  }
0x43: {  	[tilespmem:s1+$0x1878] =	vst.msk $0xff, v1  }
0x44: {  	[tilespmem:s1+$0x1800] =	vst.msk $0xff, v1  }
0x45: {  	[tilespmem:s1+$0x1808] =	vst.msk $0xff, v1  }
0x46: {  	[tilespmem:s1+$0x1810] =	vst.msk $0xff, v1  }
0x47: {  	[tilespmem:s1+$0x1818] =	vst.msk $0xff, v1  }
0x48: {  	[tilespmem:s1+$0x1820] =	vst.msk $0xff, v1  }
0x49: {  	[tilespmem:s1+$0x1828] =	vst.msk $0xff, v1  }
0x4a: {  	[tilespmem:s1+$0x1830] =	vst.msk $0xff, v1  }
0x4b: {  	[tilespmem:s1+$0x1838] =	vst.msk $0xff, v1  }
0x4c: {  	[tilespmem:s1+$0x1840] =	vst.msk $0xff, v1  }
0x4d: {  	[tilespmem:s1+$0x1848] =	vst.msk $0xff, v1  }
0x4e: {  	[tilespmem:s1+$0x1850] =	vst.msk $0xff, v1  }
0x4f: {  	[tilespmem:s1+$0x1858] =	vst.msk $0xff, v1  }
0x50: {  	[tilespmem:s1+$0x1860] =	vst.msk $0xff, v1  }
0x51: {  	[tilespmem:s1+$0x1868] =	vst.msk $0xff, v1  }
0x52: {  	[tilespmem:s1+$0x1870] =	vst.msk $0xff, v1  }
0x53: {  	[spmem:s4] =	stream.linear.scatter [tilespmem:s26], [sflag:$0x1], $0x200, $0x38;
	[tilespmem:$0x2E00] =	vst v63  }
0x54: {  	_ =	swait.ge [sflag:s28], $0x200  }
0x55: {  	[sflag:s28] =	ssyncset.done $0x0  }
0x56: {  	[sflag:s28] =	ssyncadd.s32 $0xFFFFFE00  }
0x57: {  	[spmem:s8] =	stream.linear.scatter [tilespmem:s26], [sflag:$0x1], $0x200, $0x38;
	[tilespmem:$0x2E00] =	vst v63  }
0x58: {  	_ =	swait.ge [sflag:s28], $0x200  }
0x59: {  	[sflag:s28] =	ssyncset.done $0x0  }
0x5a: {  	[sflag:s28] =	ssyncadd.s32 $0xFFFFFE00  }
0x5b: {  	[spmem:s9] =	stream.linear.scatter [tilespmem:s26], [sflag:$0x1], $0x200, $0x38;
	[tilespmem:$0x2E00] =	vst v63  }
0x5c: {  	_ =	swait.ge [sflag:s28], $0x200  }
0x5d: {  	[sflag:s28] =	ssyncset.done $0x0  }
0x5e: {  	[sflag:s28] =	ssyncadd.s32 $0xFFFFFE00  }
0x5f: {  	[spmem:s10] =	stream.linear.scatter [tilespmem:s26], [sflag:$0x1], $0x200, $0x38;
	[tilespmem:$0x2E00] =	vst v63  }
0x60: {  	_ =	swait.ge [sflag:s28], $0x200  }
0x61: {  	[sflag:s28] =	ssyncset.done $0x0  }
0x62: {  	[sflag:s28] =	ssyncadd.s32 $0xFFFFFE00  }
0x63: {  	[spmem:s11] =	stream.linear.scatter [tilespmem:s26], [sflag:$0x1], $0x200, $0x38;
	[tilespmem:$0x2E00] =	vst v63  }
0x64: {  	_ =	swait.ge [sflag:s28], $0x200  }
0x65: {  	[sflag:s28] =	ssyncset.done $0x0  }
0x66: {  	[sflag:s28] =	ssyncadd.s32 $0xFFFFFE00  }
0x67: {  	[spmem:s12] =	stream.linear.scatter [tilespmem:s26], [sflag:$0x1], $0x200, $0x38;
	[tilespmem:$0x2E00] =	vst v63  }
0x68: {  	_ =	swait.ge [sflag:s28], $0x200  }
0x69: {  	[sflag:s28] =	ssyncset.done $0x0  }
0x6a: {  	[sflag:s28] =	ssyncadd.s32 $0xFFFFFE00  }
0x6b: {  	[spmem:s13] =	stream.linear.scatter [tilespmem:s26], [sflag:$0x1], $0x200, $0x38;
	[tilespmem:$0x2E00] =	vst v63  }
0x6c: {  	_ =	swait.ge [sflag:s28], $0x200  }
0x6d: {  	[sflag:s28] =	ssyncset.done $0x0  }
0x6e: {  	[sflag:s28] =	ssyncadd.s32 $0xFFFFFE00  }
0x6f: {  	[spmem:s14] =	stream.linear.scatter [tilespmem:s26], [sflag:$0x1], $0x200, $0x38;
	[tilespmem:$0x2E00] =	vst v63  }
0x70: {  	_ =	swait.ge [sflag:s28], $0x200  }
0x71: {  	[sflag:s28] =	ssyncset.done $0x0  }
0x72: {  	[sflag:s28] =	ssyncadd.s32 $0xFFFFFE00  }
0x73: {  	[spmem:s15] =	stream.linear.scatter [tilespmem:s26], [sflag:$0x1], $0x200, $0x38;
	[tilespmem:$0x2E00] =	vst v63  }
0x74: {  	_ =	swait.ge [sflag:s28], $0x200  }
0x75: {  	[sflag:s28] =	ssyncset.done $0x0  }
0x76: {  	[sflag:s28] =	ssyncadd.s32 $0xFFFFFE00  }
0x77: {  	[spmem:s16] =	stream.linear.scatter [tilespmem:s26], [sflag:$0x1], $0x200, $0x38;
	[tilespmem:$0x2E00] =	vst v63  }
0x78: {  	_ =	swait.ge [sflag:s28], $0x200  }
0x79: {  	[sflag:s28] =	ssyncset.done $0x0  }
0x7a: {  	s0 =	simm.s32 $0x0;
	[sflag:s28] =	ssyncadd.s32 $0xFFFFFE00  }
0x7b: {  	[tilespmem:s0], [sflag:$0x1] =	stream.linear.gather [hbm4b:s5+s0], $0x1400, $0x38;
	[tilespmem:$0x2E00] =	vst v63  }
0x7c: {  	_ =	swait.ge [sflag:s28], $0x1400  }
0x7d: {  	[sflag:s28] =	ssyncset.done $0x0  }
0x7e: {  	[sflag:s28] =	ssyncadd.s32 $0xFFFFEC00  }
0x7f: {  	s1 =	simm.s32 $0x0;
	[bflag:$0x0] =	sbarrier.arrive $0xFFFF  }
0x80: {  	[spmem:s2] =	stream.indirect.scatter.add.f32 [tilespmem:s30], [sflag:$0x1], $0x8, s1, s29, $0xb8;
	[tilespmem:$0x2E00] =	vst v63  }
0x81: {  	_ =	swait.ge [sflag:s28], $0x3E8  }
0x82: {  	s0 =	simm.s32 $0x200;
	[sflag:s28] =	ssyncset.done $0x0  }
.LBB2_6:
0x83: {  	s1 =	sshra.s32 s0, $0x2;
	[sflag:s28] =	ssyncadd.s32 $0xFFFFFC18;
	p0 =	sne.s32 s0, $0x4E00  }
0x84: {  	[spmem:s2] =	stream.indirect.scatter.add.f32 [tilespmem:s30], [sflag:$0x1], $0x8, s1, s29, $0xb8;
	[tilespmem:$0x2E00] =	vst v63  }
.Ltmp2:
0x85: {  	_ = 	snop;
	(pc) =	sbr.rel @p0 .LBB2_6-.Ltmp2, $4  }
0x86: {  	_ = 	snop  }
0x87: {  	s0 =	sadd.s32 $0x200, s0  }
0x88: {  	_ =	swait.ge [sflag:s28], $0x3E8  }
0x89: {  	[sflag:s28] =	ssyncset.done $0x0  }
0x8a: {  	[sflag:s28] =	ssyncadd.s32 $0xFFFFFC18  }
0x8b: {  	[bflag:$0x0] =	sbarrier.arrive $0xFFFF  }
0x8c: {  	[tilespmem:s26], [sflag:$0x1] =	stream.linear.gather [spmem:s4], $0x200, $0x38;
	[tilespmem:$0x2E00] =	vst v63  }
0x8d: {  	_ =	swait.ge [sflag:s28], $0x200  }
0x8e: {  	[sflag:s28] =	ssyncset.done $0x0  }
0x8f: {  	[sflag:s28] =	ssyncadd.s32 $0xFFFFFE00  }
0x90: {  	[hbm4b:s6+s3] =	stream.linear.scatter [tilespmem:s26], [sflag:$0x1], $0x200, $0x38;
	[tilespmem:$0x2E00] =	vst v63  }
0x91: {  	_ =	swait.ge [sflag:s28], $0x200  }
0x92: {  	[sflag:s28] =	ssyncset.done $0x0  }
0x93: {  	[sflag:s28] =	ssyncadd.s32 $0xFFFFFE00  }
0x94: {  	[tilespmem:s26], [sflag:$0x1] =	stream.linear.gather [spmem:s8], $0x200, $0x38;
	[tilespmem:$0x2E00] =	vst v63  }
0x95: {  	_ =	swait.ge [sflag:s28], $0x200  }
0x96: {  	[sflag:s28] =	ssyncset.done $0x0  }
0x97: {  	[sflag:s28] =	ssyncadd.s32 $0xFFFFFE00  }
0x98: {  	[hbm4b:s17+s3] =	stream.linear.scatter [tilespmem:s26], [sflag:$0x1], $0x200, $0x38;
	[tilespmem:$0x2E00] =	vst v63  }
0x99: {  	_ =	swait.ge [sflag:s28], $0x200  }
0x9a: {  	[sflag:s28] =	ssyncset.done $0x0  }
0x9b: {  	[sflag:s28] =	ssyncadd.s32 $0xFFFFFE00  }
0x9c: {  	[tilespmem:s26], [sflag:$0x1] =	stream.linear.gather [spmem:s9], $0x200, $0x38;
	[tilespmem:$0x2E00] =	vst v63  }
0x9d: {  	_ =	swait.ge [sflag:s28], $0x200  }
0x9e: {  	[sflag:s28] =	ssyncset.done $0x0  }
0x9f: {  	[sflag:s28] =	ssyncadd.s32 $0xFFFFFE00  }
0xa0: {  	[hbm4b:s18+s3] =	stream.linear.scatter [tilespmem:s26], [sflag:$0x1], $0x200, $0x38;
	[tilespmem:$0x2E00] =	vst v63  }
0xa1: {  	_ =	swait.ge [sflag:s28], $0x200  }
0xa2: {  	[sflag:s28] =	ssyncset.done $0x0  }
0xa3: {  	[sflag:s28] =	ssyncadd.s32 $0xFFFFFE00  }
0xa4: {  	[tilespmem:s26], [sflag:$0x1] =	stream.linear.gather [spmem:s10], $0x200, $0x38;
	[tilespmem:$0x2E00] =	vst v63  }
0xa5: {  	_ =	swait.ge [sflag:s28], $0x200  }
0xa6: {  	[sflag:s28] =	ssyncset.done $0x0  }
0xa7: {  	[sflag:s28] =	ssyncadd.s32 $0xFFFFFE00  }
0xa8: {  	[hbm4b:s19+s3] =	stream.linear.scatter [tilespmem:s26], [sflag:$0x1], $0x200, $0x38;
	[tilespmem:$0x2E00] =	vst v63  }
0xa9: {  	_ =	swait.ge [sflag:s28], $0x200  }
0xaa: {  	[sflag:s28] =	ssyncset.done $0x0  }
0xab: {  	[sflag:s28] =	ssyncadd.s32 $0xFFFFFE00  }
0xac: {  	[tilespmem:s26], [sflag:$0x1] =	stream.linear.gather [spmem:s11], $0x200, $0x38;
	[tilespmem:$0x2E00] =	vst v63  }
0xad: {  	_ =	swait.ge [sflag:s28], $0x200  }
0xae: {  	[sflag:s28] =	ssyncset.done $0x0  }
0xaf: {  	[sflag:s28] =	ssyncadd.s32 $0xFFFFFE00  }
0xb0: {  	[hbm4b:s20+s3] =	stream.linear.scatter [tilespmem:s26], [sflag:$0x1], $0x200, $0x38;
	[tilespmem:$0x2E00] =	vst v63  }
0xb1: {  	_ =	swait.ge [sflag:s28], $0x200  }
0xb2: {  	[sflag:s28] =	ssyncset.done $0x0  }
0xb3: {  	[sflag:s28] =	ssyncadd.s32 $0xFFFFFE00  }
0xb4: {  	[tilespmem:s26], [sflag:$0x1] =	stream.linear.gather [spmem:s12], $0x200, $0x38;
	[tilespmem:$0x2E00] =	vst v63  }
0xb5: {  	_ =	swait.ge [sflag:s28], $0x200  }
0xb6: {  	[sflag:s28] =	ssyncset.done $0x0  }
0xb7: {  	[sflag:s28] =	ssyncadd.s32 $0xFFFFFE00  }
0xb8: {  	[hbm4b:s21+s3] =	stream.linear.scatter [tilespmem:s26], [sflag:$0x1], $0x200, $0x38;
	[tilespmem:$0x2E00] =	vst v63  }
0xb9: {  	_ =	swait.ge [sflag:s28], $0x200  }
0xba: {  	[sflag:s28] =	ssyncset.done $0x0  }
0xbb: {  	[sflag:s28] =	ssyncadd.s32 $0xFFFFFE00  }
0xbc: {  	[tilespmem:s26], [sflag:$0x1] =	stream.linear.gather [spmem:s13], $0x200, $0x38;
	[tilespmem:$0x2E00] =	vst v63  }
0xbd: {  	_ =	swait.ge [sflag:s28], $0x200  }
0xbe: {  	[sflag:s28] =	ssyncset.done $0x0  }
0xbf: {  	[sflag:s28] =	ssyncadd.s32 $0xFFFFFE00  }
0xc0: {  	[hbm4b:s22+s3] =	stream.linear.scatter [tilespmem:s26], [sflag:$0x1], $0x200, $0x38;
	[tilespmem:$0x2E00] =	vst v63  }
0xc1: {  	_ =	swait.ge [sflag:s28], $0x200  }
0xc2: {  	[sflag:s28] =	ssyncset.done $0x0  }
0xc3: {  	[sflag:s28] =	ssyncadd.s32 $0xFFFFFE00  }
0xc4: {  	[tilespmem:s26], [sflag:$0x1] =	stream.linear.gather [spmem:s14], $0x200, $0x38;
	[tilespmem:$0x2E00] =	vst v63  }
0xc5: {  	_ =	swait.ge [sflag:s28], $0x200  }
0xc6: {  	[sflag:s28] =	ssyncset.done $0x0  }
0xc7: {  	[sflag:s28] =	ssyncadd.s32 $0xFFFFFE00  }
0xc8: {  	[hbm4b:s23+s3] =	stream.linear.scatter [tilespmem:s26], [sflag:$0x1], $0x200, $0x38;
	[tilespmem:$0x2E00] =	vst v63  }
0xc9: {  	_ =	swait.ge [sflag:s28], $0x200  }
0xca: {  	[sflag:s28] =	ssyncset.done $0x0  }
0xcb: {  	[sflag:s28] =	ssyncadd.s32 $0xFFFFFE00  }
0xcc: {  	[tilespmem:s26], [sflag:$0x1] =	stream.linear.gather [spmem:s15], $0x200, $0x38;
	[tilespmem:$0x2E00] =	vst v63  }
0xcd: {  	_ =	swait.ge [sflag:s28], $0x200  }
0xce: {  	[sflag:s28] =	ssyncset.done $0x0  }
0xcf: {  	[sflag:s28] =	ssyncadd.s32 $0xFFFFFE00  }
0xd0: {  	[hbm4b:s24+s3] =	stream.linear.scatter [tilespmem:s26], [sflag:$0x1], $0x200, $0x38;
	[tilespmem:$0x2E00] =	vst v63  }
0xd1: {  	_ =	swait.ge [sflag:s28], $0x200  }
0xd2: {  	[sflag:s28] =	ssyncset.done $0x0  }
0xd3: {  	[sflag:s28] =	ssyncadd.s32 $0xFFFFFE00  }
0xd4: {  	[tilespmem:s26], [sflag:$0x1] =	stream.linear.gather [spmem:s16], $0x200, $0x38;
	[tilespmem:$0x2E00] =	vst v63  }
0xd5: {  	s31 =	sadd.s32 $0x1, s31;
	_ =	swait.ge [sflag:s28], $0x200  }
0xd6: {  	p0 =	sne.s32 s31, s7;
	[sflag:s28] =	ssyncset.done $0x0  }
.Ltmp3:
0xd7: {  	[sflag:s28] =	ssyncadd.s32 $0xFFFFFE00;
	(pc) =	sbr.rel @p0 .LBB2_1-.Ltmp3, $4  }
0xd8: {  	[hbm4b:s25+s3] =	stream.linear.scatter [tilespmem:s26], [sflag:$0x1], $0x200, $0x38;
	[tilespmem:$0x2E00] =	vst v63  }
0xd9: {  	_ =	swait.ge [sflag:s28], $0x200  }
0xda: {  	[sflag:s28] =	ssyncset.done $0x0  }
0xdb: {  	[sflag:s28] =	ssyncadd.s32 $0xFFFFFE00  }
0xdc: {  	_ =	sfence.sel $0x180000  }
0xdd: {  	[bflag:$0x0] =	sbarrier.arrive $0xFFFF  }
0xde: {  	_ =	strace $0x90000047  }
0xdf: {  	s0 =	stileid.u32;
	[bflag:$0x2] =	sbarrier.arrive $0xFFFF  }
0xe0: {  	p0 =	sne.s32 s0, $0x0;
	s0 =	rddreg [dreg:$0x2]  }
0xe1: {  	s0 =	sadd.s32 @!p0 $0x100000, s0  }
0xe2: {  	[sflag:s0] =	ssyncadd.tile.s32 @!p0 $0x1;
	_ =	shalt  }
.Lfunc_end2:
_tile_overlayer_lowered:
.L_overlay_start_2:
0xe3: {  	(tag) =	ssettag $0x2  }
0xe4: {  	s0 =	rddreg [dreg:$0x0];
	s2 =	stileid.u32  }
0xe5: {  	s1 =	rddreg [dreg:$0x1];
	p0 =	sne.s32 s2, $0x0  }
0xe6: {  	s3 =	rddreg [dreg:$0x2];
	[bflag:$0x3] =	sbarrier.arrive $0xFFFF;
	s2 =	simm.s32 @!p0 $0x1C01  }
0xe7: {  	[timem:s3], [sflag:s2] =	dma.local @!p0 [hbm:s0], s1  }
0xe8: {  	s0 =	simm.s32 @!p0 $0x1  }
0xe9: {  	_ =	swait.ge @!p0 [sflag:s0], s1  }
0xea: {  	s1 =	ssub.s32 @!p0 $0x0, s1;
	[sflag:s0] =	ssyncset.done @!p0 $0x0  }
0xeb: {  	[sflag:s0] =	ssyncadd.s32 @!p0 s1  }
0xec: {  	[bflag:$0x3] =	sbarrier.arrive $0xFFFF  }
0xed: {  	_ =	shalt  }

</sc_bundles>
